<compile_context>
chip_gen: v7x
topology: tpu7x:2x2x1
jax: 0.10.2.dev20260603
libtpu: 0.0.44.dev20260713+nightly
codegen_flags: <defaults>
</compile_context>

<pallas_src>
import functools

import jax
import jax.numpy as jnp
from jax import lax
from jax.experimental import pallas as pl
from jax.experimental.pallas import tpu as pltpu
from jax.experimental.pallas import tpu_sc as plsc

_NUM_CODES = 8192
_DIM = 64
_HW = 1024
_TOK = 1024
_CHUNK = 1024
_COMMIT = 0.25


def _vq_body(x_ref, x2_ref, wn_ref, w2_ref, idx_ref, loss_ref):
    xb = x_ref[0] * (-2.0)
    x2 = x2_ref[0]

    n_chunks = _NUM_CODES // _CHUNK
    lab0 = jax.lax.broadcasted_iota(
        jnp.int32, (_CHUNK, 1), 0).astype(jnp.float32)

    minval = jnp.full((1, _TOK), jnp.inf, jnp.float32)
    minidx = jnp.zeros((1, _TOK), jnp.float32)
    for c in range(n_chunks):
        wn = wn_ref[pl.ds(c * _CHUNK, _CHUNK), :]
        w2 = w2_ref[pl.ds(c * _CHUNK, _CHUNK), :]
        m = jax.lax.dot_general(wn, xb, (((1,), (0,)), ((), ())),
                                preferred_element_type=jnp.float32)
        d2 = (x2 + w2) + m
        dist = d2 * jax.lax.rsqrt(d2)
        val, idx = dist, lab0
        while val.shape[0] > 8:
            r = val.shape[0]
            v = val.reshape(r // 16, 2, 8, _TOK)
            i_ = idx.reshape(r // 16, 2, 8, idx.shape[-1])
            keep = v[:, 0] <= v[:, 1]
            val = jnp.where(keep, v[:, 0], v[:, 1]).reshape(r // 2, _TOK)
            idx = jnp.where(keep, i_[:, 0], i_[:, 1]).reshape(r // 2, _TOK)
        cmin = jnp.min(val, axis=0, keepdims=True)
        carg = jnp.min(jnp.where(val == cmin, idx, 3.0e38),
                       axis=0, keepdims=True) + float(c * _CHUNK)
        better = cmin < minval
        minval = jnp.where(better, cmin, minval)
        minidx = jnp.where(better, carg, minidx)

    idx_ref[0] = minidx.astype(jnp.int32)

    loss_ref[0, 0, 0, 0] = jnp.sum(minval * minval)


def _argmin_loss(xr, x2, Wn, w2):
    B = xr.shape[0]
    n_t = _HW // _TOK
    return pl.pallas_call(
        _vq_body,
        grid=(B, n_t),
        in_specs=[
            pl.BlockSpec((1, _DIM, _TOK), lambda b, t: (b, 0, t)),
            pl.BlockSpec((1, 1, _TOK), lambda b, t: (b, 0, t)),
            pl.BlockSpec((_NUM_CODES, _DIM), lambda b, t: (0, 0)),
            pl.BlockSpec((_NUM_CODES, 1), lambda b, t: (0, 0)),
        ],
        out_specs=[
            pl.BlockSpec((1, 1, _TOK), lambda b, t: (b, 0, t)),
            pl.BlockSpec((1, 1, 1, 1), lambda b, t: (b, t, 0, 0),
                         memory_space=pltpu.SMEM),
        ],
        out_shape=[
            jax.ShapeDtypeStruct((B, 1, _HW), jnp.int32),
            jax.ShapeDtypeStruct((B, n_t, 1, 1), jnp.float32),
        ],
        compiler_params=pltpu.CompilerParams(
            dimension_semantics=("parallel", "parallel")),
    )(xr, x2, Wn, w2)


def _make_sc_gather(N):
    info = plsc.get_sparse_core_info()
    NC, NS = info.num_cores, info.num_subcores
    NW = NC * NS
    b_per_w = N // NW
    n_sub = b_per_w // 128
    mesh = plsc.VectorSubcoreMesh(core_axis_name="c", subcore_axis_name="s")

    @functools.partial(
        pl.kernel, mesh=mesh,
        out_type=jax.ShapeDtypeStruct((N, 128), jnp.float32),
        scratch_types=[
            pltpu.VMEM((n_sub, 128), jnp.int32),
            pltpu.VMEM((b_per_w, 128), jnp.float32),
            pltpu.SemaphoreType.DMA,
        ],
    )
    def gather_k(table_hbm, idx_hbm, out_hbm, idx_v, rows_v, sem):
        wid = lax.axis_index("s") * NC + lax.axis_index("c")
        pltpu.sync_copy(idx_hbm.at[wid], idx_v)
        copies = [
            pltpu.async_copy(table_hbm.at[idx_v.at[j]],
                             rows_v.at[pl.ds(j * 128, 128)], sem)
            for j in range(n_sub)
        ]
        for c in copies:
            c.wait()
        pltpu.sync_copy(rows_v, out_hbm.at[pl.ds(wid * b_per_w, b_per_w)])

    def run(W, idx):
        idx3 = idx.reshape(NW, n_sub, 128)
        return gather_k(W, idx3)

    return run


def kernel(x, W):
    B, C, H, Wd = x.shape
    N = B * H * Wd
    xr = x.reshape(B, C, H * Wd)
    xf = jnp.transpose(x, (0, 2, 3, 1)).reshape(-1, C)
    x2 = jnp.sum(xf * xf, axis=1, keepdims=True)
    w2 = jnp.sum(W * W, axis=1)[None, :]
    idx, loss_parts = _argmin_loss(xr, x2.reshape(B, 1, H * Wd), W,
                                   w2.reshape(_NUM_CODES, 1))
    Wp = jnp.pad(W, ((0, 0), (0, 128 - _DIM)))
    q = _make_sc_gather(N)(Wp, idx.reshape(-1))[:, :_DIM]
    z_q = jnp.transpose(q.reshape(B, H, Wd, C), (0, 3, 1, 2))
    vq_loss = jnp.sum(loss_parts) * ((1.0 + _COMMIT) / (N * _DIM))
    return z_q, vq_loss

# --- scband reference (transcript-rebuilt; emitter-appended) ---
"""Pipeline reference for scband-vector-quantization-57260503990307 (READ-ONLY COPY).

The authoritative reference and input builder live on the scoring server;
editing this copy changes nothing except your own understanding.
"""

import jax, jax.numpy as jnp
import numpy as np

NUM_EMBEDDINGS = 8192
EMBEDDING_DIM = 64
COMMITMENT_COST = 0.25


def setup_inputs(seed: int = 0) -> dict:
    key = jax.random.key(seed)
    k1, k2 = jax.random.split(key)
    x = jax.random.normal(k1, (16, 64, 32, 32), dtype=jnp.float32)
    W = jax.random.uniform(k2, (NUM_EMBEDDINGS, EMBEDDING_DIM), dtype=jnp.float32,
                           minval=-1.0 / NUM_EMBEDDINGS, maxval=1.0 / NUM_EMBEDDINGS)
    return {"x": x, "W": W}


def reference(x, W):
    B, C, H, Wd = x.shape
    xf = jnp.transpose(x, (0, 2, 3, 1)).reshape(-1, C)
    # torch.cdist (p=2): euclidean distances between flattened tokens and codebook rows
    x2 = jnp.sum(xf * xf, axis=1, keepdims=True)
    w2 = jnp.sum(W * W, axis=1)[None, :]
    d2 = x2 + w2 - 2.0 * (xf @ W.T)
    distances = jnp.sqrt(jnp.clip(d2, 0.0, None))
    min_distances = jnp.argmin(distances, axis=1)
    q = jnp.take(W, min_distances, axis=0)
    z_q = jnp.transpose(q.reshape(B, H, Wd, C), (0, 3, 1, 2))
    vq_objective = jnp.mean((jax.lax.stop_gradient(xf) - q) ** 2)
    commitment_loss = jnp.mean((xf - jax.lax.stop_gradient(q)) ** 2)
    vq_loss = vq_objective + COMMITMENT_COST * commitment_loss
    return (z_q, vq_loss)

if __name__ == "__main__":
    import jax
    _d = setup_inputs()
    print(jax.jit(kernel)(*tuple(_d.values())))

</pallas_src>

<mosaic_0001>
#map = affine_map<(d0, d1) -> (0, 0)>
#map1 = affine_map<(d0, d1) -> (0, 0, 0)>
module attributes {stable_mosaic.version = 14 : i64} {
  func.func @gather_k(%arg0: i32, %arg1: i32, %arg2: memref<8192x128xf32, #tpu.memory_space<hbm>>, %arg3: memref<32x4x128xi32, #tpu.memory_space<hbm>>, %arg4: memref<16384x128xf32, #tpu.memory_space<hbm>>, %arg5: memref<4x128xi32, #tpu.memory_space<vmem>>, %arg6: memref<512x128xf32, #tpu.memory_space<vmem>>, %arg7: memref<!tpu.dma_semaphore, #tpu.memory_space<semaphore_mem>>) attributes {dimension_semantics = [#tpu.dimension_semantics<core_parallel>, #tpu.dimension_semantics<subcore_parallel>], iteration_bounds = array<i64: 2, 16>, scalar_prefetch = 0 : i64, scratch_operands = 3 : i64, tpu.core_type = #tpu.core_type<sc_vector_subcore>, window_params = [{transform_indices = #map}, {transform_indices = #map1}, {transform_indices = #map}]} {
    %mul3A = arith.constant 2 : i32
    %mul3A_0 = arith.muli %arg1, %mul3A : i32
    %add3A = arith.addi %mul3A_0, %arg0 : i32
    "tpu.region"() ({
      %run_scoped3A = tpu.sem_alloc : memref<!tpu.dma_semaphore, #tpu.memory_space<semaphore_mem>>
      %dma_start3A_81 = arith.constant 0 : i32
      %dma_start3A_82 = arith.constant 0 : i32
      %dma_start3A_83 = tpu.memref_slice %arg3[%add3A, %dma_start3A_81, %dma_start3A_82] : memref<32x4x128xi32, #tpu.memory_space<hbm>> -> memref<1x4x128xi32, #tpu.memory_space<hbm>>
      %dma_start3A_84 = tpu.memref_squeeze %dma_start3A_83 : memref<1x4x128xi32, #tpu.memory_space<hbm>> -> memref<4x128xi32, #tpu.memory_space<hbm>>
      %dma_start3A_85 = arith.constant 0 : i32
      %dma_start3A_86 = arith.constant 0 : i32
      %dma_start3A_87 = tpu.memref_slice %arg3[%add3A, %dma_start3A_85, %dma_start3A_86] : memref<32x4x128xi32, #tpu.memory_space<hbm>> -> memref<1x4x128xi32, #tpu.memory_space<hbm>>
      %dma_start3A_88 = tpu.memref_squeeze %dma_start3A_87 : memref<1x4x128xi32, #tpu.memory_space<hbm>> -> memref<4x128xi32, #tpu.memory_space<hbm>>
      tpu.enqueue_dma source(%dma_start3A_88 : memref<4x128xi32, #tpu.memory_space<hbm>>) target(%arg5 : memref<4x128xi32, #tpu.memory_space<vmem>>) target_semaphore(%run_scoped3A : memref<!tpu.dma_semaphore, #tpu.memory_space<semaphore_mem>>)
      %dma_wait3A_89 = arith.constant 0 : i32
      %dma_wait3A_90 = arith.constant 0 : i32
      %dma_wait3A_91 = tpu.memref_slice %arg3[%add3A, %dma_wait3A_89, %dma_wait3A_90] : memref<32x4x128xi32, #tpu.memory_space<hbm>> -> memref<1x4x128xi32, #tpu.memory_space<hbm>>
      %dma_wait3A_92 = tpu.memref_squeeze %dma_wait3A_91 : memref<1x4x128xi32, #tpu.memory_space<hbm>> -> memref<4x128xi32, #tpu.memory_space<hbm>>
      %dma_wait3A_93 = arith.constant 0 : i32
      %dma_wait3A_94 = arith.constant 0 : i32
      %dma_wait3A_95 = tpu.memref_slice %arg3[%add3A, %dma_wait3A_93, %dma_wait3A_94] : memref<32x4x128xi32, #tpu.memory_space<hbm>> -> memref<1x4x128xi32, #tpu.memory_space<hbm>>
      %dma_wait3A_96 = tpu.memref_squeeze %dma_wait3A_95 : memref<1x4x128xi32, #tpu.memory_space<hbm>> -> memref<4x128xi32, #tpu.memory_space<hbm>>
      tpu.wait_dma2 semaphore(%run_scoped3A : memref<!tpu.dma_semaphore, #tpu.memory_space<semaphore_mem>>) src(%dma_wait3A_96 : memref<4x128xi32, #tpu.memory_space<hbm>>) dst(%arg5 : memref<4x128xi32, #tpu.memory_space<vmem>>)
      tpu.yield
    }) : () -> ()
    %dma_start3A = arith.constant 0 : i32
    %dma_start3A_1 = arith.constant 0 : i32
    %dma_start3A_2 = arith.constant 0 : i32
    %dma_start3A_3 = tpu.memref_slice %arg6[%dma_start3A_1, %dma_start3A_2] : memref<512x128xf32, #tpu.memory_space<vmem>> -> memref<128x128xf32, #tpu.memory_space<vmem>>
    %dma_start3A_4 = arith.constant 0 : i32
    %dma_start3A_5 = tpu.memref_slice %arg5[%dma_start3A, %dma_start3A_4] : memref<4x128xi32, #tpu.memory_space<vmem>> -> memref<1x128xi32, #tpu.memory_space<vmem>>
    %dma_start3A_6 = tpu.memref_squeeze %dma_start3A_5 : memref<1x128xi32, #tpu.memory_space<vmem>> -> memref<128xi32, #tpu.memory_space<vmem>>
    %dma_start3A_7 = arith.constant 0 : i32
    %dma_start3A_8 = arith.constant 0 : i32
    %dma_start3A_9 = tpu.memref_slice %arg2[%dma_start3A_7, %dma_start3A_8] : memref<8192x128xf32, #tpu.memory_space<hbm>> -> memref<8192x128xf32, #tpu.memory_space<hbm>>
    tpu.enqueue_indirect_dma source(%dma_start3A_9 : memref<8192x128xf32, #tpu.memory_space<hbm>>) target(%dma_start3A_3 : memref<128x128xf32, #tpu.memory_space<vmem>>) offsets(%dma_start3A_6 : memref<128xi32, #tpu.memory_space<vmem>>) semaphore(%arg7 : memref<!tpu.dma_semaphore, #tpu.memory_space<semaphore_mem>>)
    %dma_start3A_10 = arith.constant 1 : i32
    %dma_start3A_11 = arith.constant 128 : i32
    %dma_start3A_12 = arith.constant 0 : i32
    %dma_start3A_13 = tpu.memref_slice %arg6[%dma_start3A_11, %dma_start3A_12] : memref<512x128xf32, #tpu.memory_space<vmem>> -> memref<128x128xf32, #tpu.memory_space<vmem>>
    %dma_start3A_14 = arith.constant 0 : i32
    %dma_start3A_15 = tpu.memref_slice %arg5[%dma_start3A_10, %dma_start3A_14] : memref<4x128xi32, #tpu.memory_space<vmem>> -> memref<1x128xi32, #tpu.memory_space<vmem>>
    %dma_start3A_16 = tpu.memref_squeeze %dma_start3A_15 : memref<1x128xi32, #tpu.memory_space<vmem>> -> memref<128xi32, #tpu.memory_space<vmem>>
    %dma_start3A_17 = arith.constant 0 : i32
    %dma_start3A_18 = arith.constant 0 : i32
    %dma_start3A_19 = tpu.memref_slice %arg2[%dma_start3A_17, %dma_start3A_18] : memref<8192x128xf32, #tpu.memory_space<hbm>> -> memref<8192x128xf32, #tpu.memory_space<hbm>>
    tpu.enqueue_indirect_dma source(%dma_start3A_19 : memref<8192x128xf32, #tpu.memory_space<hbm>>) target(%dma_start3A_13 : memref<128x128xf32, #tpu.memory_space<vmem>>) offsets(%dma_start3A_16 : memref<128xi32, #tpu.memory_space<vmem>>) semaphore(%arg7 : memref<!tpu.dma_semaphore, #tpu.memory_space<semaphore_mem>>)
    %dma_start3A_20 = arith.constant 2 : i32
    %dma_start3A_21 = arith.constant 256 : i32
    %dma_start3A_22 = arith.constant 0 : i32
    %dma_start3A_23 = tpu.memref_slice %arg6[%dma_start3A_21, %dma_start3A_22] : memref<512x128xf32, #tpu.memory_space<vmem>> -> memref<128x128xf32, #tpu.memory_space<vmem>>
    %dma_start3A_24 = arith.constant 0 : i32
    %dma_start3A_25 = tpu.memref_slice %arg5[%dma_start3A_20, %dma_start3A_24] : memref<4x128xi32, #tpu.memory_space<vmem>> -> memref<1x128xi32, #tpu.memory_space<vmem>>
    %dma_start3A_26 = tpu.memref_squeeze %dma_start3A_25 : memref<1x128xi32, #tpu.memory_space<vmem>> -> memref<128xi32, #tpu.memory_space<vmem>>
    %dma_start3A_27 = arith.constant 0 : i32
    %dma_start3A_28 = arith.constant 0 : i32
    %dma_start3A_29 = tpu.memref_slice %arg2[%dma_start3A_27, %dma_start3A_28] : memref<8192x128xf32, #tpu.memory_space<hbm>> -> memref<8192x128xf32, #tpu.memory_space<hbm>>
    tpu.enqueue_indirect_dma source(%dma_start3A_29 : memref<8192x128xf32, #tpu.memory_space<hbm>>) target(%dma_start3A_23 : memref<128x128xf32, #tpu.memory_space<vmem>>) offsets(%dma_start3A_26 : memref<128xi32, #tpu.memory_space<vmem>>) semaphore(%arg7 : memref<!tpu.dma_semaphore, #tpu.memory_space<semaphore_mem>>)
    %dma_start3A_30 = arith.constant 3 : i32
    %dma_start3A_31 = arith.constant 384 : i32
    %dma_start3A_32 = arith.constant 0 : i32
    %dma_start3A_33 = tpu.memref_slice %arg6[%dma_start3A_31, %dma_start3A_32] : memref<512x128xf32, #tpu.memory_space<vmem>> -> memref<128x128xf32, #tpu.memory_space<vmem>>
    %dma_start3A_34 = arith.constant 0 : i32
    %dma_start3A_35 = tpu.memref_slice %arg5[%dma_start3A_30, %dma_start3A_34] : memref<4x128xi32, #tpu.memory_space<vmem>> -> memref<1x128xi32, #tpu.memory_space<vmem>>
    %dma_start3A_36 = tpu.memref_squeeze %dma_start3A_35 : memref<1x128xi32, #tpu.memory_space<vmem>> -> memref<128xi32, #tpu.memory_space<vmem>>
    %dma_start3A_37 = arith.constant 0 : i32
    %dma_start3A_38 = arith.constant 0 : i32
    %dma_start3A_39 = tpu.memref_slice %arg2[%dma_start3A_37, %dma_start3A_38] : memref<8192x128xf32, #tpu.memory_space<hbm>> -> memref<8192x128xf32, #tpu.memory_space<hbm>>
    tpu.enqueue_indirect_dma source(%dma_start3A_39 : memref<8192x128xf32, #tpu.memory_space<hbm>>) target(%dma_start3A_33 : memref<128x128xf32, #tpu.memory_space<vmem>>) offsets(%dma_start3A_36 : memref<128xi32, #tpu.memory_space<vmem>>) semaphore(%arg7 : memref<!tpu.dma_semaphore, #tpu.memory_space<semaphore_mem>>)
    %dma_wait3A = arith.constant 0 : i32
    %dma_wait3A_40 = arith.constant 0 : i32
    %dma_wait3A_41 = arith.constant 0 : i32
    %dma_wait3A_42 = tpu.memref_slice %arg6[%dma_wait3A_40, %dma_wait3A_41] : memref<512x128xf32, #tpu.memory_space<vmem>> -> memref<128x128xf32, #tpu.memory_space<vmem>>
    %dma_wait3A_43 = arith.constant 0 : i32
    %dma_wait3A_44 = tpu.memref_slice %arg5[%dma_wait3A, %dma_wait3A_43] : memref<4x128xi32, #tpu.memory_space<vmem>> -> memref<1x128xi32, #tpu.memory_space<vmem>>
    %dma_wait3A_45 = tpu.memref_squeeze %dma_wait3A_44 : memref<1x128xi32, #tpu.memory_space<vmem>> -> memref<128xi32, #tpu.memory_space<vmem>>
    %dma_wait3A_46 = arith.constant 0 : i32
    %dma_wait3A_47 = arith.constant 0 : i32
    %dma_wait3A_48 = tpu.memref_slice %arg2[%dma_wait3A_46, %dma_wait3A_47] : memref<8192x128xf32, #tpu.memory_space<hbm>> -> memref<8192x128xf32, #tpu.memory_space<hbm>>
    tpu.wait_indirect_dma semaphore(%arg7 : memref<!tpu.dma_semaphore, #tpu.memory_space<semaphore_mem>>) src(%dma_wait3A_48 : memref<8192x128xf32, #tpu.memory_space<hbm>>) dst(%dma_wait3A_42 : memref<128x128xf32, #tpu.memory_space<vmem>>)
    %dma_wait3A_49 = arith.constant 1 : i32
    %dma_wait3A_50 = arith.constant 128 : i32
    %dma_wait3A_51 = arith.constant 0 : i32
    %dma_wait3A_52 = tpu.memref_slice %arg6[%dma_wait3A_50, %dma_wait3A_51] : memref<512x128xf32, #tpu.memory_space<vmem>> -> memref<128x128xf32, #tpu.memory_space<vmem>>
    %dma_wait3A_53 = arith.constant 0 : i32
    %dma_wait3A_54 = tpu.memref_slice %arg5[%dma_wait3A_49, %dma_wait3A_53] : memref<4x128xi32, #tpu.memory_space<vmem>> -> memref<1x128xi32, #tpu.memory_space<vmem>>
    %dma_wait3A_55 = tpu.memref_squeeze %dma_wait3A_54 : memref<1x128xi32, #tpu.memory_space<vmem>> -> memref<128xi32, #tpu.memory_space<vmem>>
    %dma_wait3A_56 = arith.constant 0 : i32
    %dma_wait3A_57 = arith.constant 0 : i32
    %dma_wait3A_58 = tpu.memref_slice %arg2[%dma_wait3A_56, %dma_wait3A_57] : memref<8192x128xf32, #tpu.memory_space<hbm>> -> memref<8192x128xf32, #tpu.memory_space<hbm>>
    tpu.wait_indirect_dma semaphore(%arg7 : memref<!tpu.dma_semaphore, #tpu.memory_space<semaphore_mem>>) src(%dma_wait3A_58 : memref<8192x128xf32, #tpu.memory_space<hbm>>) dst(%dma_wait3A_52 : memref<128x128xf32, #tpu.memory_space<vmem>>)
    %dma_wait3A_59 = arith.constant 2 : i32
    %dma_wait3A_60 = arith.constant 256 : i32
    %dma_wait3A_61 = arith.constant 0 : i32
    %dma_wait3A_62 = tpu.memref_slice %arg6[%dma_wait3A_60, %dma_wait3A_61] : memref<512x128xf32, #tpu.memory_space<vmem>> -> memref<128x128xf32, #tpu.memory_space<vmem>>
    %dma_wait3A_63 = arith.constant 0 : i32
    %dma_wait3A_64 = tpu.memref_slice %arg5[%dma_wait3A_59, %dma_wait3A_63] : memref<4x128xi32, #tpu.memory_space<vmem>> -> memref<1x128xi32, #tpu.memory_space<vmem>>
    %dma_wait3A_65 = tpu.memref_squeeze %dma_wait3A_64 : memref<1x128xi32, #tpu.memory_space<vmem>> -> memref<128xi32, #tpu.memory_space<vmem>>
    %dma_wait3A_66 = arith.constant 0 : i32
    %dma_wait3A_67 = arith.constant 0 : i32
    %dma_wait3A_68 = tpu.memref_slice %arg2[%dma_wait3A_66, %dma_wait3A_67] : memref<8192x128xf32, #tpu.memory_space<hbm>> -> memref<8192x128xf32, #tpu.memory_space<hbm>>
    tpu.wait_indirect_dma semaphore(%arg7 : memref<!tpu.dma_semaphore, #tpu.memory_space<semaphore_mem>>) src(%dma_wait3A_68 : memref<8192x128xf32, #tpu.memory_space<hbm>>) dst(%dma_wait3A_62 : memref<128x128xf32, #tpu.memory_space<vmem>>)
    %dma_wait3A_69 = arith.constant 3 : i32
    %dma_wait3A_70 = arith.constant 384 : i32
    %dma_wait3A_71 = arith.constant 0 : i32
    %dma_wait3A_72 = tpu.memref_slice %arg6[%dma_wait3A_70, %dma_wait3A_71] : memref<512x128xf32, #tpu.memory_space<vmem>> -> memref<128x128xf32, #tpu.memory_space<vmem>>
    %dma_wait3A_73 = arith.constant 0 : i32
    %dma_wait3A_74 = tpu.memref_slice %arg5[%dma_wait3A_69, %dma_wait3A_73] : memref<4x128xi32, #tpu.memory_space<vmem>> -> memref<1x128xi32, #tpu.memory_space<vmem>>
    %dma_wait3A_75 = tpu.memref_squeeze %dma_wait3A_74 : memref<1x128xi32, #tpu.memory_space<vmem>> -> memref<128xi32, #tpu.memory_space<vmem>>
    %dma_wait3A_76 = arith.constant 0 : i32
    %dma_wait3A_77 = arith.constant 0 : i32
    %dma_wait3A_78 = tpu.memref_slice %arg2[%dma_wait3A_76, %dma_wait3A_77] : memref<8192x128xf32, #tpu.memory_space<hbm>> -> memref<8192x128xf32, #tpu.memory_space<hbm>>
    tpu.wait_indirect_dma semaphore(%arg7 : memref<!tpu.dma_semaphore, #tpu.memory_space<semaphore_mem>>) src(%dma_wait3A_78 : memref<8192x128xf32, #tpu.memory_space<hbm>>) dst(%dma_wait3A_72 : memref<128x128xf32, #tpu.memory_space<vmem>>)
    %mul3A_79 = arith.constant 512 : i32
    %mul3A_80 = arith.muli %add3A, %mul3A_79 : i32
    "tpu.region"() ({
      %run_scoped3A = tpu.sem_alloc : memref<!tpu.dma_semaphore, #tpu.memory_space<semaphore_mem>>
      %dma_start3A_81 = arith.constant 0 : i32
      %dma_start3A_82 = tpu.memref_slice %arg4[%mul3A_80, %dma_start3A_81] : memref<16384x128xf32, #tpu.memory_space<hbm>> -> memref<512x128xf32, #tpu.memory_space<hbm>>
      %dma_start3A_83 = arith.constant 0 : i32
      %dma_start3A_84 = tpu.memref_slice %arg4[%mul3A_80, %dma_start3A_83] : memref<16384x128xf32, #tpu.memory_space<hbm>> -> memref<512x128xf32, #tpu.memory_space<hbm>>
      tpu.enqueue_dma source(%arg6 : memref<512x128xf32, #tpu.memory_space<vmem>>) target(%dma_start3A_84 : memref<512x128xf32, #tpu.memory_space<hbm>>) target_semaphore(%run_scoped3A : memref<!tpu.dma_semaphore, #tpu.memory_space<semaphore_mem>>)
      %dma_wait3A_85 = arith.constant 0 : i32
      %dma_wait3A_86 = tpu.memref_slice %arg4[%mul3A_80, %dma_wait3A_85] : memref<16384x128xf32, #tpu.memory_space<hbm>> -> memref<512x128xf32, #tpu.memory_space<hbm>>
      %dma_wait3A_87 = arith.constant 0 : i32
      %dma_wait3A_88 = tpu.memref_slice %arg4[%mul3A_80, %dma_wait3A_87] : memref<16384x128xf32, #tpu.memory_space<hbm>> -> memref<512x128xf32, #tpu.memory_space<hbm>>
      tpu.wait_dma2 semaphore(%run_scoped3A : memref<!tpu.dma_semaphore, #tpu.memory_space<semaphore_mem>>) src(%arg6 : memref<512x128xf32, #tpu.memory_space<vmem>>) dst(%dma_wait3A_88 : memref<512x128xf32, #tpu.memory_space<hbm>>)
      tpu.yield
    }) : () -> ()
    return
  }
}

module attributes {stable_mosaic.version = 14 : i64} {
  func.func @_vq_body(%arg0: i32, %arg1: i32, %arg2: memref<1x64x1024xf32, #tpu.memory_space<vmem>>, %arg3: memref<1x1x1024xf32, #tpu.memory_space<vmem>>, %arg4: memref<8192x64xf32, #tpu.memory_space<vmem>>, %arg5: memref<8192x1xf32, #tpu.memory_space<vmem>>, %arg6: memref<1x1x1024xi32, #tpu.memory_space<vmem>>, %arg7: memref<1x1x1x1xf32, #tpu.memory_space<smem>>) attributes {dimension_semantics = [#tpu.dimension_semantics<parallel>, #tpu.dimension_semantics<parallel>], iteration_bounds = array<i64: 16, 1>, scalar_prefetch = 0 : i64, scratch_operands = 0 : i64, tpu.core_type = #tpu.core_type<tc>, window_params = [{transform_indices = @transform_0, window_bounds = array<i64: 1, 64, 1024>}, {transform_indices = @transform_1, window_bounds = array<i64: 1, 1, 1024>}, {pipeline_mode = #tpu.pipeline_mode<synchronous>, transform_indices = @transform_2, window_bounds = array<i64: 8192, 64>}, {pipeline_mode = #tpu.pipeline_mode<synchronous>, transform_indices = @transform_3, window_bounds = array<i64: 8192, 1>}, {transform_indices = @transform_4, window_bounds = array<i64: 1, 1, 1024>}, {transform_indices = @transform_5, window_bounds = array<i64: 1, 1, 1, 1>}]} {
    %get3A = arith.constant 0 : index
    %get3A_0 = arith.constant 0 : index
    %get3A_1 = arith.constant 0 : index
    %get3A_2 = vector.load %arg2[%get3A, %get3A_0, %get3A_1] : memref<1x64x1024xf32, #tpu.memory_space<vmem>>, vector<1x64x1024xf32>
    %get3A_3 = vector.shape_cast %get3A_2 : vector<1x64x1024xf32> to vector<64x1024xf32>
    %mul3A = arith.constant -2.000000e+00 : f32
    %mul3A_4 = vector.broadcast %mul3A : f32 to vector<64x1024xf32>
    %mul3A_5 = arith.mulf %get3A_3, %mul3A_4 : vector<64x1024xf32>
    %get3A_6 = arith.constant 0 : index
    %get3A_7 = arith.constant 0 : index
    %get3A_8 = arith.constant 0 : index
    %get3A_9 = vector.load %arg3[%get3A_6, %get3A_7, %get3A_8] : memref<1x1x1024xf32, #tpu.memory_space<vmem>>, vector<1x1x1024xf32>
    %get3A_10 = vector.shape_cast %get3A_9 : vector<1x1x1024xf32> to vector<1x1024xf32>
    %iota3A = tpu.iota {dimensions = array<i32: 0>} : vector<1024x1xi32>
    %convert_element_type3A = arith.sitofp %iota3A : vector<1024x1xi32> to vector<1024x1xf32>
    %broadcast_in_dim3A = arith.constant 0x7F800000 : f32
    %broadcast_in_dim3A_11 = vector.broadcast %broadcast_in_dim3A : f32 to vector<1x1024xf32>
    %broadcast_in_dim3A_12 = arith.constant 0.000000e+00 : f32
    %broadcast_in_dim3A_13 = vector.broadcast %broadcast_in_dim3A_12 : f32 to vector<1x1024xf32>
    %get3A_14 = arith.constant 0 : index
    %get3A_15 = arith.constant 0 : index
    %get3A_16 = vector.load %arg4[%get3A_14, %get3A_15] : memref<8192x64xf32, #tpu.memory_space<vmem>>, vector<1024x64xf32>
    %get3A_17 = arith.constant 0 : index
    %get3A_18 = arith.constant 0 : index
    %get3A_19 = vector.load %arg5[%get3A_17, %get3A_18] : memref<8192x1xf32, #tpu.memory_space<vmem>>, vector<1024x1xf32>
    %dot_general3A = arith.constant dense<0.000000e+00> : vector<1024x1024xf32>
    %dot_general3A_20 = tpu.matmul %get3A_16, %mul3A_5, %dot_general3A {dimension_numbers = #tpu.dot_dimension_numbers<[1], [0], [0], [1], [0, 0, 1, 1], [], []>, transpose_lhs_hint = false} : vector<1024x64xf32>, vector<64x1024xf32>, vector<1024x1024xf32> -> vector<1024x1024xf32>
    %add3A = vector.broadcast %get3A_10 : vector<1x1024xf32> to vector<1024x1024xf32>
    %add3A_21 = vector.broadcast %get3A_19 : vector<1024x1xf32> to vector<1024x1024xf32>
    %add3A_22 = arith.addf %add3A, %add3A_21 : vector<1024x1024xf32>
    %add3A_23 = arith.addf %add3A_22, %dot_general3A_20 : vector<1024x1024xf32>
    %rsqrt3A = math.rsqrt %add3A_23 : vector<1024x1024xf32>
    %mul3A_24 = arith.mulf %add3A_23, %rsqrt3A : vector<1024x1024xf32>
    %reshape3A = vector.shape_cast %mul3A_24 : vector<1024x1024xf32> to vector<64x2x8x1024xf32>
    %reshape3A_25 = vector.shape_cast %convert_element_type3A : vector<1024x1xf32> to vector<64x2x8x1xf32>
    %slice3A = vector.extract_strided_slice %reshape3A {offsets = [0, 0, 0, 0], sizes = [64, 1, 8, 1024], strides = [1, 1, 1, 1]} : vector<64x2x8x1024xf32> to vector<64x1x8x1024xf32>
    %squeeze3A = vector.shape_cast %slice3A : vector<64x1x8x1024xf32> to vector<64x8x1024xf32>
    %slice3A_26 = vector.extract_strided_slice %reshape3A {offsets = [0, 1, 0, 0], sizes = [64, 1, 8, 1024], strides = [1, 1, 1, 1]} : vector<64x2x8x1024xf32> to vector<64x1x8x1024xf32>
    %squeeze3A_27 = vector.shape_cast %slice3A_26 : vector<64x1x8x1024xf32> to vector<64x8x1024xf32>
    %le3A = arith.cmpf ole, %squeeze3A, %squeeze3A_27 : vector<64x8x1024xf32>
    %slice3A_28 = vector.extract_strided_slice %reshape3A {offsets = [0, 0, 0, 0], sizes = [64, 1, 8, 1024], strides = [1, 1, 1, 1]} : vector<64x2x8x1024xf32> to vector<64x1x8x1024xf32>
    %squeeze3A_29 = vector.shape_cast %slice3A_28 : vector<64x1x8x1024xf32> to vector<64x8x1024xf32>
    %slice3A_30 = vector.extract_strided_slice %reshape3A {offsets = [0, 1, 0, 0], sizes = [64, 1, 8, 1024], strides = [1, 1, 1, 1]} : vector<64x2x8x1024xf32> to vector<64x1x8x1024xf32>
    %squeeze3A_31 = vector.shape_cast %slice3A_30 : vector<64x1x8x1024xf32> to vector<64x8x1024xf32>
    %select_n3A = arith.select %le3A, %squeeze3A_29, %squeeze3A_31 : vector<64x8x1024xi1>, vector<64x8x1024xf32>
    %reshape3A_32 = vector.shape_cast %select_n3A : vector<64x8x1024xf32> to vector<512x1024xf32>
    %slice3A_33 = vector.extract_strided_slice %reshape3A_25 {offsets = [0, 0, 0, 0], sizes = [64, 1, 8, 1], strides = [1, 1, 1, 1]} : vector<64x2x8x1xf32> to vector<64x1x8x1xf32>
    %squeeze3A_34 = vector.shape_cast %slice3A_33 : vector<64x1x8x1xf32> to vector<64x8x1xf32>
    %slice3A_35 = vector.extract_strided_slice %reshape3A_25 {offsets = [0, 1, 0, 0], sizes = [64, 1, 8, 1], strides = [1, 1, 1, 1]} : vector<64x2x8x1xf32> to vector<64x1x8x1xf32>
    %squeeze3A_36 = vector.shape_cast %slice3A_35 : vector<64x1x8x1xf32> to vector<64x8x1xf32>
    %broadcast_in_dim3A_37 = vector.shape_cast %squeeze3A_34 : vector<64x8x1xf32> to vector<64x8x1xf32>
    %broadcast_in_dim3A_38 = vector.broadcast %broadcast_in_dim3A_37 : vector<64x8x1xf32> to vector<64x8x1024xf32>
    %broadcast_in_dim3A_39 = vector.shape_cast %squeeze3A_36 : vector<64x8x1xf32> to vector<64x8x1xf32>
    %broadcast_in_dim3A_40 = vector.broadcast %broadcast_in_dim3A_39 : vector<64x8x1xf32> to vector<64x8x1024xf32>
    %select_n3A_41 = arith.select %le3A, %broadcast_in_dim3A_38, %broadcast_in_dim3A_40 : vector<64x8x1024xi1>, vector<64x8x1024xf32>
    %reshape3A_42 = vector.shape_cast %select_n3A_41 : vector<64x8x1024xf32> to vector<512x1024xf32>
    %reshape3A_43 = vector.shape_cast %reshape3A_32 : vector<512x1024xf32> to vector<32x2x8x1024xf32>
    %reshape3A_44 = vector.shape_cast %reshape3A_42 : vector<512x1024xf32> to vector<32x2x8x1024xf32>
    %slice3A_45 = vector.extract_strided_slice %reshape3A_43 {offsets = [0, 0, 0, 0], sizes = [32, 1, 8, 1024], strides = [1, 1, 1, 1]} : vector<32x2x8x1024xf32> to vector<32x1x8x1024xf32>
    %squeeze3A_46 = vector.shape_cast %slice3A_45 : vector<32x1x8x1024xf32> to vector<32x8x1024xf32>
    %slice3A_47 = vector.extract_strided_slice %reshape3A_43 {offsets = [0, 1, 0, 0], sizes = [32, 1, 8, 1024], strides = [1, 1, 1, 1]} : vector<32x2x8x1024xf32> to vector<32x1x8x1024xf32>
    %squeeze3A_48 = vector.shape_cast %slice3A_47 : vector<32x1x8x1024xf32> to vector<32x8x1024xf32>
    %le3A_49 = arith.cmpf ole, %squeeze3A_46, %squeeze3A_48 : vector<32x8x1024xf32>
    %slice3A_50 = vector.extract_strided_slice %reshape3A_43 {offsets = [0, 0, 0, 0], sizes = [32, 1, 8, 1024], strides = [1, 1, 1, 1]} : vector<32x2x8x1024xf32> to vector<32x1x8x1024xf32>
    %squeeze3A_51 = vector.shape_cast %slice3A_50 : vector<32x1x8x1024xf32> to vector<32x8x1024xf32>
    %slice3A_52 = vector.extract_strided_slice %reshape3A_43 {offsets = [0, 1, 0, 0], sizes = [32, 1, 8, 1024], strides = [1, 1, 1, 1]} : vector<32x2x8x1024xf32> to vector<32x1x8x1024xf32>
    %squeeze3A_53 = vector.shape_cast %slice3A_52 : vector<32x1x8x1024xf32> to vector<32x8x1024xf32>
    %select_n3A_54 = arith.select %le3A_49, %squeeze3A_51, %squeeze3A_53 : vector<32x8x1024xi1>, vector<32x8x1024xf32>
    %reshape3A_55 = vector.shape_cast %select_n3A_54 : vector<32x8x1024xf32> to vector<256x1024xf32>
    %slice3A_56 = vector.extract_strided_slice %reshape3A_44 {offsets = [0, 0, 0, 0], sizes = [32, 1, 8, 1024], strides = [1, 1, 1, 1]} : vector<32x2x8x1024xf32> to vector<32x1x8x1024xf32>
    %squeeze3A_57 = vector.shape_cast %slice3A_56 : vector<32x1x8x1024xf32> to vector<32x8x1024xf32>
    %slice3A_58 = vector.extract_strided_slice %reshape3A_44 {offsets = [0, 1, 0, 0], sizes = [32, 1, 8, 1024], strides = [1, 1, 1, 1]} : vector<32x2x8x1024xf32> to vector<32x1x8x1024xf32>
    %squeeze3A_59 = vector.shape_cast %slice3A_58 : vector<32x1x8x1024xf32> to vector<32x8x1024xf32>
    %select_n3A_60 = arith.select %le3A_49, %squeeze3A_57, %squeeze3A_59 : vector<32x8x1024xi1>, vector<32x8x1024xf32>
    %reshape3A_61 = vector.shape_cast %select_n3A_60 : vector<32x8x1024xf32> to vector<256x1024xf32>
    %reshape3A_62 = vector.shape_cast %reshape3A_55 : vector<256x1024xf32> to vector<16x2x8x1024xf32>
    %reshape3A_63 = vector.shape_cast %reshape3A_61 : vector<256x1024xf32> to vector<16x2x8x1024xf32>
    %slice3A_64 = vector.extract_strided_slice %reshape3A_62 {offsets = [0, 0, 0, 0], sizes = [16, 1, 8, 1024], strides = [1, 1, 1, 1]} : vector<16x2x8x1024xf32> to vector<16x1x8x1024xf32>
    %squeeze3A_65 = vector.shape_cast %slice3A_64 : vector<16x1x8x1024xf32> to vector<16x8x1024xf32>
    %slice3A_66 = vector.extract_strided_slice %reshape3A_62 {offsets = [0, 1, 0, 0], sizes = [16, 1, 8, 1024], strides = [1, 1, 1, 1]} : vector<16x2x8x1024xf32> to vector<16x1x8x1024xf32>
    %squeeze3A_67 = vector.shape_cast %slice3A_66 : vector<16x1x8x1024xf32> to vector<16x8x1024xf32>
    %le3A_68 = arith.cmpf ole, %squeeze3A_65, %squeeze3A_67 : vector<16x8x1024xf32>
    %slice3A_69 = vector.extract_strided_slice %reshape3A_62 {offsets = [0, 0, 0, 0], sizes = [16, 1, 8, 1024], strides = [1, 1, 1, 1]} : vector<16x2x8x1024xf32> to vector<16x1x8x1024xf32>
    %squeeze3A_70 = vector.shape_cast %slice3A_69 : vector<16x1x8x1024xf32> to vector<16x8x1024xf32>
    %slice3A_71 = vector.extract_strided_slice %reshape3A_62 {offsets = [0, 1, 0, 0], sizes = [16, 1, 8, 1024], strides = [1, 1, 1, 1]} : vector<16x2x8x1024xf32> to vector<16x1x8x1024xf32>
    %squeeze3A_72 = vector.shape_cast %slice3A_71 : vector<16x1x8x1024xf32> to vector<16x8x1024xf32>
    %select_n3A_73 = arith.select %le3A_68, %squeeze3A_70, %squeeze3A_72 : vector<16x8x1024xi1>, vector<16x8x1024xf32>
    %reshape3A_74 = vector.shape_cast %select_n3A_73 : vector<16x8x1024xf32> to vector<128x1024xf32>
    %slice3A_75 = vector.extract_strided_slice %reshape3A_63 {offsets = [0, 0, 0, 0], sizes = [16, 1, 8, 1024], strides = [1, 1, 1, 1]} : vector<16x2x8x1024xf32> to vector<16x1x8x1024xf32>
    %squeeze3A_76 = vector.shape_cast %slice3A_75 : vector<16x1x8x1024xf32> to vector<16x8x1024xf32>
    %slice3A_77 = vector.extract_strided_slice %reshape3A_63 {offsets = [0, 1, 0, 0], sizes = [16, 1, 8, 1024], strides = [1, 1, 1, 1]} : vector<16x2x8x1024xf32> to vector<16x1x8x1024xf32>
    %squeeze3A_78 = vector.shape_cast %slice3A_77 : vector<16x1x8x1024xf32> to vector<16x8x1024xf32>
    %select_n3A_79 = arith.select %le3A_68, %squeeze3A_76, %squeeze3A_78 : vector<16x8x1024xi1>, vector<16x8x1024xf32>
    %reshape3A_80 = vector.shape_cast %select_n3A_79 : vector<16x8x1024xf32> to vector<128x1024xf32>
    %reshape3A_81 = vector.shape_cast %reshape3A_74 : vector<128x1024xf32> to vector<8x2x8x1024xf32>
    %reshape3A_82 = vector.shape_cast %reshape3A_80 : vector<128x1024xf32> to vector<8x2x8x1024xf32>
    %slice3A_83 = vector.extract_strided_slice %reshape3A_81 {offsets = [0, 0, 0, 0], sizes = [8, 1, 8, 1024], strides = [1, 1, 1, 1]} : vector<8x2x8x1024xf32> to vector<8x1x8x1024xf32>
    %squeeze3A_84 = vector.shape_cast %slice3A_83 : vector<8x1x8x1024xf32> to vector<8x8x1024xf32>
    %slice3A_85 = vector.extract_strided_slice %reshape3A_81 {offsets = [0, 1, 0, 0], sizes = [8, 1, 8, 1024], strides = [1, 1, 1, 1]} : vector<8x2x8x1024xf32> to vector<8x1x8x1024xf32>
    %squeeze3A_86 = vector.shape_cast %slice3A_85 : vector<8x1x8x1024xf32> to vector<8x8x1024xf32>
    %le3A_87 = arith.cmpf ole, %squeeze3A_84, %squeeze3A_86 : vector<8x8x1024xf32>
    %slice3A_88 = vector.extract_strided_slice %reshape3A_81 {offsets = [0, 0, 0, 0], sizes = [8, 1, 8, 1024], strides = [1, 1, 1, 1]} : vector<8x2x8x1024xf32> to vector<8x1x8x1024xf32>
    %squeeze3A_89 = vector.shape_cast %slice3A_88 : vector<8x1x8x1024xf32> to vector<8x8x1024xf32>
    %slice3A_90 = vector.extract_strided_slice %reshape3A_81 {offsets = [0, 1, 0, 0], sizes = [8, 1, 8, 1024], strides = [1, 1, 1, 1]} : vector<8x2x8x1024xf32> to vector<8x1x8x1024xf32>
    %squeeze3A_91 = vector.shape_cast %slice3A_90 : vector<8x1x8x1024xf32> to vector<8x8x1024xf32>
    %select_n3A_92 = arith.select %le3A_87, %squeeze3A_89, %squeeze3A_91 : vector<8x8x1024xi1>, vector<8x8x1024xf32>
    %reshape3A_93 = vector.shape_cast %select_n3A_92 : vector<8x8x1024xf32> to vector<64x1024xf32>
    %slice3A_94 = vector.extract_strided_slice %reshape3A_82 {offsets = [0, 0, 0, 0], sizes = [8, 1, 8, 1024], strides = [1, 1, 1, 1]} : vector<8x2x8x1024xf32> to vector<8x1x8x1024xf32>
    %squeeze3A_95 = vector.shape_cast %slice3A_94 : vector<8x1x8x1024xf32> to vector<8x8x1024xf32>
    %slice3A_96 = vector.extract_strided_slice %reshape3A_82 {offsets = [0, 1, 0, 0], sizes = [8, 1, 8, 1024], strides = [1, 1, 1, 1]} : vector<8x2x8x1024xf32> to vector<8x1x8x1024xf32>
    %squeeze3A_97 = vector.shape_cast %slice3A_96 : vector<8x1x8x1024xf32> to vector<8x8x1024xf32>
    %select_n3A_98 = arith.select %le3A_87, %squeeze3A_95, %squeeze3A_97 : vector<8x8x1024xi1>, vector<8x8x1024xf32>
    %reshape3A_99 = vector.shape_cast %select_n3A_98 : vector<8x8x1024xf32> to vector<64x1024xf32>
    %reshape3A_100 = vector.shape_cast %reshape3A_93 : vector<64x1024xf32> to vector<4x2x8x1024xf32>
    %reshape3A_101 = vector.shape_cast %reshape3A_99 : vector<64x1024xf32> to vector<4x2x8x1024xf32>
    %slice3A_102 = vector.extract_strided_slice %reshape3A_100 {offsets = [0, 0, 0, 0], sizes = [4, 1, 8, 1024], strides = [1, 1, 1, 1]} : vector<4x2x8x1024xf32> to vector<4x1x8x1024xf32>
    %squeeze3A_103 = vector.shape_cast %slice3A_102 : vector<4x1x8x1024xf32> to vector<4x8x1024xf32>
    %slice3A_104 = vector.extract_strided_slice %reshape3A_100 {offsets = [0, 1, 0, 0], sizes = [4, 1, 8, 1024], strides = [1, 1, 1, 1]} : vector<4x2x8x1024xf32> to vector<4x1x8x1024xf32>
    %squeeze3A_105 = vector.shape_cast %slice3A_104 : vector<4x1x8x1024xf32> to vector<4x8x1024xf32>
    %le3A_106 = arith.cmpf ole, %squeeze3A_103, %squeeze3A_105 : vector<4x8x1024xf32>
    %slice3A_107 = vector.extract_strided_slice %reshape3A_100 {offsets = [0, 0, 0, 0], sizes = [4, 1, 8, 1024], strides = [1, 1, 1, 1]} : vector<4x2x8x1024xf32> to vector<4x1x8x1024xf32>
    %squeeze3A_108 = vector.shape_cast %slice3A_107 : vector<4x1x8x1024xf32> to vector<4x8x1024xf32>
    %slice3A_109 = vector.extract_strided_slice %reshape3A_100 {offsets = [0, 1, 0, 0], sizes = [4, 1, 8, 1024], strides = [1, 1, 1, 1]} : vector<4x2x8x1024xf32> to vector<4x1x8x1024xf32>
    %squeeze3A_110 = vector.shape_cast %slice3A_109 : vector<4x1x8x1024xf32> to vector<4x8x1024xf32>
    %select_n3A_111 = arith.select %le3A_106, %squeeze3A_108, %squeeze3A_110 : vector<4x8x1024xi1>, vector<4x8x1024xf32>
    %reshape3A_112 = vector.shape_cast %select_n3A_111 : vector<4x8x1024xf32> to vector<32x1024xf32>
    %slice3A_113 = vector.extract_strided_slice %reshape3A_101 {offsets = [0, 0, 0, 0], sizes = [4, 1, 8, 1024], strides = [1, 1, 1, 1]} : vector<4x2x8x1024xf32> to vector<4x1x8x1024xf32>
    %squeeze3A_114 = vector.shape_cast %slice3A_113 : vector<4x1x8x1024xf32> to vector<4x8x1024xf32>
    %slice3A_115 = vector.extract_strided_slice %reshape3A_101 {offsets = [0, 1, 0, 0], sizes = [4, 1, 8, 1024], strides = [1, 1, 1, 1]} : vector<4x2x8x1024xf32> to vector<4x1x8x1024xf32>
    %squeeze3A_116 = vector.shape_cast %slice3A_115 : vector<4x1x8x1024xf32> to vector<4x8x1024xf32>
    %select_n3A_117 = arith.select %le3A_106, %squeeze3A_114, %squeeze3A_116 : vector<4x8x1024xi1>, vector<4x8x1024xf32>
    %reshape3A_118 = vector.shape_cast %select_n3A_117 : vector<4x8x1024xf32> to vector<32x1024xf32>
    %reshape3A_119 = vector.shape_cast %reshape3A_112 : vector<32x1024xf32> to vector<2x2x8x1024xf32>
    %reshape3A_120 = vector.shape_cast %reshape3A_118 : vector<32x1024xf32> to vector<2x2x8x1024xf32>
    %slice3A_121 = vector.extract_strided_slice %reshape3A_119 {offsets = [0, 0, 0, 0], sizes = [2, 1, 8, 1024], strides = [1, 1, 1, 1]} : vector<2x2x8x1024xf32> to vector<2x1x8x1024xf32>
    %squeeze3A_122 = vector.shape_cast %slice3A_121 : vector<2x1x8x1024xf32> to vector<2x8x1024xf32>
    %slice3A_123 = vector.extract_strided_slice %reshape3A_119 {offsets = [0, 1, 0, 0], sizes = [2, 1, 8, 1024], strides = [1, 1, 1, 1]} : vector<2x2x8x1024xf32> to vector<2x1x8x1024xf32>
    %squeeze3A_124 = vector.shape_cast %slice3A_123 : vector<2x1x8x1024xf32> to vector<2x8x1024xf32>
    %le3A_125 = arith.cmpf ole, %squeeze3A_122, %squeeze3A_124 : vector<2x8x1024xf32>
    %slice3A_126 = vector.extract_strided_slice %reshape3A_119 {offsets = [0, 0, 0, 0], sizes = [2, 1, 8, 1024], strides = [1, 1, 1, 1]} : vector<2x2x8x1024xf32> to vector<2x1x8x1024xf32>
    %squeeze3A_127 = vector.shape_cast %slice3A_126 : vector<2x1x8x1024xf32> to vector<2x8x1024xf32>
    %slice3A_128 = vector.extract_strided_slice %reshape3A_119 {offsets = [0, 1, 0, 0], sizes = [2, 1, 8, 1024], strides = [1, 1, 1, 1]} : vector<2x2x8x1024xf32> to vector<2x1x8x1024xf32>
    %squeeze3A_129 = vector.shape_cast %slice3A_128 : vector<2x1x8x1024xf32> to vector<2x8x1024xf32>
    %select_n3A_130 = arith.select %le3A_125, %squeeze3A_127, %squeeze3A_129 : vector<2x8x1024xi1>, vector<2x8x1024xf32>
    %reshape3A_131 = vector.shape_cast %select_n3A_130 : vector<2x8x1024xf32> to vector<16x1024xf32>
    %slice3A_132 = vector.extract_strided_slice %reshape3A_120 {offsets = [0, 0, 0, 0], sizes = [2, 1, 8, 1024], strides = [1, 1, 1, 1]} : vector<2x2x8x1024xf32> to vector<2x1x8x1024xf32>
    %squeeze3A_133 = vector.shape_cast %slice3A_132 : vector<2x1x8x1024xf32> to vector<2x8x1024xf32>
    %slice3A_134 = vector.extract_strided_slice %reshape3A_120 {offsets = [0, 1, 0, 0], sizes = [2, 1, 8, 1024], strides = [1, 1, 1, 1]} : vector<2x2x8x1024xf32> to vector<2x1x8x1024xf32>
    %squeeze3A_135 = vector.shape_cast %slice3A_134 : vector<2x1x8x1024xf32> to vector<2x8x1024xf32>
    %select_n3A_136 = arith.select %le3A_125, %squeeze3A_133, %squeeze3A_135 : vector<2x8x1024xi1>, vector<2x8x1024xf32>
    %reshape3A_137 = vector.shape_cast %select_n3A_136 : vector<2x8x1024xf32> to vector<16x1024xf32>
    %reshape3A_138 = vector.shape_cast %reshape3A_131 : vector<16x1024xf32> to vector<1x2x8x1024xf32>
    %reshape3A_139 = vector.shape_cast %reshape3A_137 : vector<16x1024xf32> to vector<1x2x8x1024xf32>
    %slice3A_140 = vector.extract_strided_slice %reshape3A_138 {offsets = [0, 0, 0, 0], sizes = [1, 1, 8, 1024], strides = [1, 1, 1, 1]} : vector<1x2x8x1024xf32> to vector<1x1x8x1024xf32>
    %squeeze3A_141 = vector.shape_cast %slice3A_140 : vector<1x1x8x1024xf32> to vector<1x8x1024xf32>
    %slice3A_142 = vector.extract_strided_slice %reshape3A_138 {offsets = [0, 1, 0, 0], sizes = [1, 1, 8, 1024], strides = [1, 1, 1, 1]} : vector<1x2x8x1024xf32> to vector<1x1x8x1024xf32>
    %squeeze3A_143 = vector.shape_cast %slice3A_142 : vector<1x1x8x1024xf32> to vector<1x8x1024xf32>
    %le3A_144 = arith.cmpf ole, %squeeze3A_141, %squeeze3A_143 : vector<1x8x1024xf32>
    %slice3A_145 = vector.extract_strided_slice %reshape3A_138 {offsets = [0, 0, 0, 0], sizes = [1, 1, 8, 1024], strides = [1, 1, 1, 1]} : vector<1x2x8x1024xf32> to vector<1x1x8x1024xf32>
    %squeeze3A_146 = vector.shape_cast %slice3A_145 : vector<1x1x8x1024xf32> to vector<1x8x1024xf32>
    %slice3A_147 = vector.extract_strided_slice %reshape3A_138 {offsets = [0, 1, 0, 0], sizes = [1, 1, 8, 1024], strides = [1, 1, 1, 1]} : vector<1x2x8x1024xf32> to vector<1x1x8x1024xf32>
    %squeeze3A_148 = vector.shape_cast %slice3A_147 : vector<1x1x8x1024xf32> to vector<1x8x1024xf32>
    %select_n3A_149 = arith.select %le3A_144, %squeeze3A_146, %squeeze3A_148 : vector<1x8x1024xi1>, vector<1x8x1024xf32>
    %reshape3A_150 = vector.shape_cast %select_n3A_149 : vector<1x8x1024xf32> to vector<8x1024xf32>
    %slice3A_151 = vector.extract_strided_slice %reshape3A_139 {offsets = [0, 0, 0, 0], sizes = [1, 1, 8, 1024], strides = [1, 1, 1, 1]} : vector<1x2x8x1024xf32> to vector<1x1x8x1024xf32>
    %squeeze3A_152 = vector.shape_cast %slice3A_151 : vector<1x1x8x1024xf32> to vector<1x8x1024xf32>
    %slice3A_153 = vector.extract_strided_slice %reshape3A_139 {offsets = [0, 1, 0, 0], sizes = [1, 1, 8, 1024], strides = [1, 1, 1, 1]} : vector<1x2x8x1024xf32> to vector<1x1x8x1024xf32>
    %squeeze3A_154 = vector.shape_cast %slice3A_153 : vector<1x1x8x1024xf32> to vector<1x8x1024xf32>
    %select_n3A_155 = arith.select %le3A_144, %squeeze3A_152, %squeeze3A_154 : vector<1x8x1024xi1>, vector<1x8x1024xf32>
    %reshape3A_156 = vector.shape_cast %select_n3A_155 : vector<1x8x1024xf32> to vector<8x1024xf32>
    %reduce_min3A = arith.constant dense<0x7F800000> : vector<1024xf32>
    %reduce_min3A_157 = vector.multi_reduction <minimumf>, %reshape3A_150, %reduce_min3A [0] : vector<8x1024xf32> to vector<1024xf32>
    %broadcast_in_dim3A_158 = vector.shape_cast %reduce_min3A_157 : vector<1024xf32> to vector<1x1024xf32>
    %eq3A = vector.broadcast %broadcast_in_dim3A_158 : vector<1x1024xf32> to vector<8x1024xf32>
    %eq3A_159 = arith.cmpf oeq, %reshape3A_150, %eq3A : vector<8x1024xf32>
    %jit3A = arith.constant 3.000000e+38 : f32
    %broadcast_in_dim3A_160 = vector.broadcast %jit3A : f32 to vector<8x1024xf32>
    %select_n3A_161 = arith.select %eq3A_159, %reshape3A_156, %broadcast_in_dim3A_160 : vector<8x1024xi1>, vector<8x1024xf32>
    %reduce_min3A_162 = arith.constant dense<0x7F800000> : vector<1024xf32>
    %reduce_min3A_163 = vector.multi_reduction <minimumf>, %select_n3A_161, %reduce_min3A_162 [0] : vector<8x1024xf32> to vector<1024xf32>
    %broadcast_in_dim3A_164 = vector.shape_cast %reduce_min3A_163 : vector<1024xf32> to vector<1x1024xf32>
    %add3A_165 = arith.constant 0.000000e+00 : f32
    %add3A_166 = vector.broadcast %add3A_165 : f32 to vector<1x1024xf32>
    %add3A_167 = arith.addf %broadcast_in_dim3A_164, %add3A_166 : vector<1x1024xf32>
    %lt3A = arith.cmpf olt, %broadcast_in_dim3A_158, %broadcast_in_dim3A_11 : vector<1x1024xf32>
    %select_n3A_168 = arith.select %lt3A, %broadcast_in_dim3A_158, %broadcast_in_dim3A_11 : vector<1x1024xi1>, vector<1x1024xf32>
    %select_n3A_169 = arith.select %lt3A, %add3A_167, %broadcast_in_dim3A_13 : vector<1x1024xi1>, vector<1x1024xf32>
    %get3A_170 = arith.constant 1024 : index
    %get3A_171 = arith.constant 0 : index
    %get3A_172 = vector.load %arg4[%get3A_170, %get3A_171] : memref<8192x64xf32, #tpu.memory_space<vmem>>, vector<1024x64xf32>
    %get3A_173 = arith.constant 1024 : index
    %get3A_174 = arith.constant 0 : index
    %get3A_175 = vector.load %arg5[%get3A_173, %get3A_174] : memref<8192x1xf32, #tpu.memory_space<vmem>>, vector<1024x1xf32>
    %dot_general3A_176 = arith.constant dense<0.000000e+00> : vector<1024x1024xf32>
    %dot_general3A_177 = tpu.matmul %get3A_172, %mul3A_5, %dot_general3A_176 {dimension_numbers = #tpu.dot_dimension_numbers<[1], [0], [0], [1], [0, 0, 1, 1], [], []>, transpose_lhs_hint = false} : vector<1024x64xf32>, vector<64x1024xf32>, vector<1024x1024xf32> -> vector<1024x1024xf32>
    %add3A_178 = vector.broadcast %get3A_10 : vector<1x1024xf32> to vector<1024x1024xf32>
    %add3A_179 = vector.broadcast %get3A_175 : vector<1024x1xf32> to vector<1024x1024xf32>
    %add3A_180 = arith.addf %add3A_178, %add3A_179 : vector<1024x1024xf32>
    %add3A_181 = arith.addf %add3A_180, %dot_general3A_177 : vector<1024x1024xf32>
    %rsqrt3A_182 = math.rsqrt %add3A_181 : vector<1024x1024xf32>
    %mul3A_183 = arith.mulf %add3A_181, %rsqrt3A_182 : vector<1024x1024xf32>
    %reshape3A_184 = vector.shape_cast %mul3A_183 : vector<1024x1024xf32> to vector<64x2x8x1024xf32>
    %reshape3A_185 = vector.shape_cast %convert_element_type3A : vector<1024x1xf32> to vector<64x2x8x1xf32>
    %slice3A_186 = vector.extract_strided_slice %reshape3A_184 {offsets = [0, 0, 0, 0], sizes = [64, 1, 8, 1024], strides = [1, 1, 1, 1]} : vector<64x2x8x1024xf32> to vector<64x1x8x1024xf32>
    %squeeze3A_187 = vector.shape_cast %slice3A_186 : vector<64x1x8x1024xf32> to vector<64x8x1024xf32>
    %slice3A_188 = vector.extract_strided_slice %reshape3A_184 {offsets = [0, 1, 0, 0], sizes = [64, 1, 8, 1024], strides = [1, 1, 1, 1]} : vector<64x2x8x1024xf32> to vector<64x1x8x1024xf32>
    %squeeze3A_189 = vector.shape_cast %slice3A_188 : vector<64x1x8x1024xf32> to vector<64x8x1024xf32>
    %le3A_190 = arith.cmpf ole, %squeeze3A_187, %squeeze3A_189 : vector<64x8x1024xf32>
    %slice3A_191 = vector.extract_strided_slice %reshape3A_184 {offsets = [0, 0, 0, 0], sizes = [64, 1, 8, 1024], strides = [1, 1, 1, 1]} : vector<64x2x8x1024xf32> to vector<64x1x8x1024xf32>
    %squeeze3A_192 = vector.shape_cast %slice3A_191 : vector<64x1x8x1024xf32> to vector<64x8x1024xf32>
    %slice3A_193 = vector.extract_strided_slice %reshape3A_184 {offsets = [0, 1, 0, 0], sizes = [64, 1, 8, 1024], strides = [1, 1, 1, 1]} : vector<64x2x8x1024xf32> to vector<64x1x8x1024xf32>
    %squeeze3A_194 = vector.shape_cast %slice3A_193 : vector<64x1x8x1024xf32> to vector<64x8x1024xf32>
    %select_n3A_195 = arith.select %le3A_190, %squeeze3A_192, %squeeze3A_194 : vector<64x8x1024xi1>, vector<64x8x1024xf32>
    %reshape3A_196 = vector.shape_cast %select_n3A_195 : vector<64x8x1024xf32> to vector<512x1024xf32>
    %slice3A_197 = vector.extract_strided_slice %reshape3A_185 {offsets = [0, 0, 0, 0], sizes = [64, 1, 8, 1], strides = [1, 1, 1, 1]} : vector<64x2x8x1xf32> to vector<64x1x8x1xf32>
    %squeeze3A_198 = vector.shape_cast %slice3A_197 : vector<64x1x8x1xf32> to vector<64x8x1xf32>
    %slice3A_199 = vector.extract_strided_slice %reshape3A_185 {offsets = [0, 1, 0, 0], sizes = [64, 1, 8, 1], strides = [1, 1, 1, 1]} : vector<64x2x8x1xf32> to vector<64x1x8x1xf32>
    %squeeze3A_200 = vector.shape_cast %slice3A_199 : vector<64x1x8x1xf32> to vector<64x8x1xf32>
    %broadcast_in_dim3A_201 = vector.shape_cast %squeeze3A_198 : vector<64x8x1xf32> to vector<64x8x1xf32>
    %broadcast_in_dim3A_202 = vector.broadcast %broadcast_in_dim3A_201 : vector<64x8x1xf32> to vector<64x8x1024xf32>
    %broadcast_in_dim3A_203 = vector.shape_cast %squeeze3A_200 : vector<64x8x1xf32> to vector<64x8x1xf32>
    %broadcast_in_dim3A_204 = vector.broadcast %broadcast_in_dim3A_203 : vector<64x8x1xf32> to vector<64x8x1024xf32>
    %select_n3A_205 = arith.select %le3A_190, %broadcast_in_dim3A_202, %broadcast_in_dim3A_204 : vector<64x8x1024xi1>, vector<64x8x1024xf32>
    %reshape3A_206 = vector.shape_cast %select_n3A_205 : vector<64x8x1024xf32> to vector<512x1024xf32>
    %reshape3A_207 = vector.shape_cast %reshape3A_196 : vector<512x1024xf32> to vector<32x2x8x1024xf32>
    %reshape3A_208 = vector.shape_cast %reshape3A_206 : vector<512x1024xf32> to vector<32x2x8x1024xf32>
    %slice3A_209 = vector.extract_strided_slice %reshape3A_207 {offsets = [0, 0, 0, 0], sizes = [32, 1, 8, 1024], strides = [1, 1, 1, 1]} : vector<32x2x8x1024xf32> to vector<32x1x8x1024xf32>
    %squeeze3A_210 = vector.shape_cast %slice3A_209 : vector<32x1x8x1024xf32> to vector<32x8x1024xf32>
    %slice3A_211 = vector.extract_strided_slice %reshape3A_207 {offsets = [0, 1, 0, 0], sizes = [32, 1, 8, 1024], strides = [1, 1, 1, 1]} : vector<32x2x8x1024xf32> to vector<32x1x8x1024xf32>
    %squeeze3A_212 = vector.shape_cast %slice3A_211 : vector<32x1x8x1024xf32> to vector<32x8x1024xf32>
    %le3A_213 = arith.cmpf ole, %squeeze3A_210, %squeeze3A_212 : vector<32x8x1024xf32>
    %slice3A_214 = vector.extract_strided_slice %reshape3A_207 {offsets = [0, 0, 0, 0], sizes = [32, 1, 8, 1024], strides = [1, 1, 1, 1]} : vector<32x2x8x1024xf32> to vector<32x1x8x1024xf32>
    %squeeze3A_215 = vector.shape_cast %slice3A_214 : vector<32x1x8x1024xf32> to vector<32x8x1024xf32>
    %slice3A_216 = vector.extract_strided_slice %reshape3A_207 {offsets = [0, 1, 0, 0], sizes = [32, 1, 8, 1024], strides = [1, 1, 1, 1]} : vector<32x2x8x1024xf32> to vector<32x1x8x1024xf32>
    %squeeze3A_217 = vector.shape_cast %slice3A_216 : vector<32x1x8x1024xf32> to vector<32x8x1024xf32>
    %select_n3A_218 = arith.select %le3A_213, %squeeze3A_215, %squeeze3A_217 : vector<32x8x1024xi1>, vector<32x8x1024xf32>
    %reshape3A_219 = vector.shape_cast %select_n3A_218 : vector<32x8x1024xf32> to vector<256x1024xf32>
    %slice3A_220 = vector.extract_strided_slice %reshape3A_208 {offsets = [0, 0, 0, 0], sizes = [32, 1, 8, 1024], strides = [1, 1, 1, 1]} : vector<32x2x8x1024xf32> to vector<32x1x8x1024xf32>
    %squeeze3A_221 = vector.shape_cast %slice3A_220 : vector<32x1x8x1024xf32> to vector<32x8x1024xf32>
    %slice3A_222 = vector.extract_strided_slice %reshape3A_208 {offsets = [0, 1, 0, 0], sizes = [32, 1, 8, 1024], strides = [1, 1, 1, 1]} : vector<32x2x8x1024xf32> to vector<32x1x8x1024xf32>
    %squeeze3A_223 = vector.shape_cast %slice3A_222 : vector<32x1x8x1024xf32> to vector<32x8x1024xf32>
    %select_n3A_224 = arith.select %le3A_213, %squeeze3A_221, %squeeze3A_223 : vector<32x8x1024xi1>, vector<32x8x1024xf32>
    %reshape3A_225 = vector.shape_cast %select_n3A_224 : vector<32x8x1024xf32> to vector<256x1024xf32>
    %reshape3A_226 = vector.shape_cast %reshape3A_219 : vector<256x1024xf32> to vector<16x2x8x1024xf32>
    %reshape3A_227 = vector.shape_cast %reshape3A_225 : vector<256x1024xf32> to vector<16x2x8x1024xf32>
    %slice3A_228 = vector.extract_strided_slice %reshape3A_226 {offsets = [0, 0, 0, 0], sizes = [16, 1, 8, 1024], strides = [1, 1, 1, 1]} : vector<16x2x8x1024xf32> to vector<16x1x8x1024xf32>
    %squeeze3A_229 = vector.shape_cast %slice3A_228 : vector<16x1x8x1024xf32> to vector<16x8x1024xf32>
    %slice3A_230 = vector.extract_strided_slice %reshape3A_226 {offsets = [0, 1, 0, 0], sizes = [16, 1, 8, 1024], strides = [1, 1, 1, 1]} : vector<16x2x8x1024xf32> to vector<16x1x8x1024xf32>
    %squeeze3A_231 = vector.shape_cast %slice3A_230 : vector<16x1x8x1024xf32> to vector<16x8x1024xf32>
    %le3A_232 = arith.cmpf ole, %squeeze3A_229, %squeeze3A_231 : vector<16x8x1024xf32>
    %slice3A_233 = vector.extract_strided_slice %reshape3A_226 {offsets = [0, 0, 0, 0], sizes = [16, 1, 8, 1024], strides = [1, 1, 1, 1]} : vector<16x2x8x1024xf32> to vector<16x1x8x1024xf32>
    %squeeze3A_234 = vector.shape_cast %slice3A_233 : vector<16x1x8x1024xf32> to vector<16x8x1024xf32>
    %slice3A_235 = vector.extract_strided_slice %reshape3A_226 {offsets = [0, 1, 0, 0], sizes = [16, 1, 8, 1024], strides = [1, 1, 1, 1]} : vector<16x2x8x1024xf32> to vector<16x1x8x1024xf32>
    %squeeze3A_236 = vector.shape_cast %slice3A_235 : vector<16x1x8x1024xf32> to vector<16x8x1024xf32>
    %select_n3A_237 = arith.select %le3A_232, %squeeze3A_234, %squeeze3A_236 : vector<16x8x1024xi1>, vector<16x8x1024xf32>
    %reshape3A_238 = vector.shape_cast %select_n3A_237 : vector<16x8x1024xf32> to vector<128x1024xf32>
    %slice3A_239 = vector.extract_strided_slice %reshape3A_227 {offsets = [0, 0, 0, 0], sizes = [16, 1, 8, 1024], strides = [1, 1, 1, 1]} : vector<16x2x8x1024xf32> to vector<16x1x8x1024xf32>
    %squeeze3A_240 = vector.shape_cast %slice3A_239 : vector<16x1x8x1024xf32> to vector<16x8x1024xf32>
    %slice3A_241 = vector.extract_strided_slice %reshape3A_227 {offsets = [0, 1, 0, 0], sizes = [16, 1, 8, 1024], strides = [1, 1, 1, 1]} : vector<16x2x8x1024xf32> to vector<16x1x8x1024xf32>
    %squeeze3A_242 = vector.shape_cast %slice3A_241 : vector<16x1x8x1024xf32> to vector<16x8x1024xf32>
    %select_n3A_243 = arith.select %le3A_232, %squeeze3A_240, %squeeze3A_242 : vector<16x8x1024xi1>, vector<16x8x1024xf32>
    %reshape3A_244 = vector.shape_cast %select_n3A_243 : vector<16x8x1024xf32> to vector<128x1024xf32>
    %reshape3A_245 = vector.shape_cast %reshape3A_238 : vector<128x1024xf32> to vector<8x2x8x1024xf32>
    %reshape3A_246 = vector.shape_cast %reshape3A_244 : vector<128x1024xf32> to vector<8x2x8x1024xf32>
    %slice3A_247 = vector.extract_strided_slice %reshape3A_245 {offsets = [0, 0, 0, 0], sizes = [8, 1, 8, 1024], strides = [1, 1, 1, 1]} : vector<8x2x8x1024xf32> to vector<8x1x8x1024xf32>
    %squeeze3A_248 = vector.shape_cast %slice3A_247 : vector<8x1x8x1024xf32> to vector<8x8x1024xf32>
    %slice3A_249 = vector.extract_strided_slice %reshape3A_245 {offsets = [0, 1, 0, 0], sizes = [8, 1, 8, 1024], strides = [1, 1, 1, 1]} : vector<8x2x8x1024xf32> to vector<8x1x8x1024xf32>
    %squeeze3A_250 = vector.shape_cast %slice3A_249 : vector<8x1x8x1024xf32> to vector<8x8x1024xf32>
    %le3A_251 = arith.cmpf ole, %squeeze3A_248, %squeeze3A_250 : vector<8x8x1024xf32>
    %slice3A_252 = vector.extract_strided_slice %reshape3A_245 {offsets = [0, 0, 0, 0], sizes = [8, 1, 8, 1024], strides = [1, 1, 1, 1]} : vector<8x2x8x1024xf32> to vector<8x1x8x1024xf32>
    %squeeze3A_253 = vector.shape_cast %slice3A_252 : vector<8x1x8x1024xf32> to vector<8x8x1024xf32>
    %slice3A_254 = vector.extract_strided_slice %reshape3A_245 {offsets = [0, 1, 0, 0], sizes = [8, 1, 8, 1024], strides = [1, 1, 1, 1]} : vector<8x2x8x1024xf32> to vector<8x1x8x1024xf32>
    %squeeze3A_255 = vector.shape_cast %slice3A_254 : vector<8x1x8x1024xf32> to vector<8x8x1024xf32>
    %select_n3A_256 = arith.select %le3A_251, %squeeze3A_253, %squeeze3A_255 : vector<8x8x1024xi1>, vector<8x8x1024xf32>
    %reshape3A_257 = vector.shape_cast %select_n3A_256 : vector<8x8x1024xf32> to vector<64x1024xf32>
    %slice3A_258 = vector.extract_strided_slice %reshape3A_246 {offsets = [0, 0, 0, 0], sizes = [8, 1, 8, 1024], strides = [1, 1, 1, 1]} : vector<8x2x8x1024xf32> to vector<8x1x8x1024xf32>
    %squeeze3A_259 = vector.shape_cast %slice3A_258 : vector<8x1x8x1024xf32> to vector<8x8x1024xf32>
    %slice3A_260 = vector.extract_strided_slice %reshape3A_246 {offsets = [0, 1, 0, 0], sizes = [8, 1, 8, 1024], strides = [1, 1, 1, 1]} : vector<8x2x8x1024xf32> to vector<8x1x8x1024xf32>
    %squeeze3A_261 = vector.shape_cast %slice3A_260 : vector<8x1x8x1024xf32> to vector<8x8x1024xf32>
    %select_n3A_262 = arith.select %le3A_251, %squeeze3A_259, %squeeze3A_261 : vector<8x8x1024xi1>, vector<8x8x1024xf32>
    %reshape3A_263 = vector.shape_cast %select_n3A_262 : vector<8x8x1024xf32> to vector<64x1024xf32>
    %reshape3A_264 = vector.shape_cast %reshape3A_257 : vector<64x1024xf32> to vector<4x2x8x1024xf32>
    %reshape3A_265 = vector.shape_cast %reshape3A_263 : vector<64x1024xf32> to vector<4x2x8x1024xf32>
    %slice3A_266 = vector.extract_strided_slice %reshape3A_264 {offsets = [0, 0, 0, 0], sizes = [4, 1, 8, 1024], strides = [1, 1, 1, 1]} : vector<4x2x8x1024xf32> to vector<4x1x8x1024xf32>
    %squeeze3A_267 = vector.shape_cast %slice3A_266 : vector<4x1x8x1024xf32> to vector<4x8x1024xf32>
    %slice3A_268 = vector.extract_strided_slice %reshape3A_264 {offsets = [0, 1, 0, 0], sizes = [4, 1, 8, 1024], strides = [1, 1, 1, 1]} : vector<4x2x8x1024xf32> to vector<4x1x8x1024xf32>
    %squeeze3A_269 = vector.shape_cast %slice3A_268 : vector<4x1x8x1024xf32> to vector<4x8x1024xf32>
    %le3A_270 = arith.cmpf ole, %squeeze3A_267, %squeeze3A_269 : vector<4x8x1024xf32>
    %slice3A_271 = vector.extract_strided_slice %reshape3A_264 {offsets = [0, 0, 0, 0], sizes = [4, 1, 8, 1024], strides = [1, 1, 1, 1]} : vector<4x2x8x1024xf32> to vector<4x1x8x1024xf32>
    %squeeze3A_272 = vector.shape_cast %slice3A_271 : vector<4x1x8x1024xf32> to vector<4x8x1024xf32>
    %slice3A_273 = vector.extract_strided_slice %reshape3A_264 {offsets = [0, 1, 0, 0], sizes = [4, 1, 8, 1024], strides = [1, 1, 1, 1]} : vector<4x2x8x1024xf32> to vector<4x1x8x1024xf32>
    %squeeze3A_274 = vector.shape_cast %slice3A_273 : vector<4x1x8x1024xf32> to vector<4x8x1024xf32>
    %select_n3A_275 = arith.select %le3A_270, %squeeze3A_272, %squeeze3A_274 : vector<4x8x1024xi1>, vector<4x8x1024xf32>
    %reshape3A_276 = vector.shape_cast %select_n3A_275 : vector<4x8x1024xf32> to vector<32x1024xf32>
    %slice3A_277 = vector.extract_strided_slice %reshape3A_265 {offsets = [0, 0, 0, 0], sizes = [4, 1, 8, 1024], strides = [1, 1, 1, 1]} : vector<4x2x8x1024xf32> to vector<4x1x8x1024xf32>
    %squeeze3A_278 = vector.shape_cast %slice3A_277 : vector<4x1x8x1024xf32> to vector<4x8x1024xf32>
    %slice3A_279 = vector.extract_strided_slice %reshape3A_265 {offsets = [0, 1, 0, 0], sizes = [4, 1, 8, 1024], strides = [1, 1, 1, 1]} : vector<4x2x8x1024xf32> to vector<4x1x8x1024xf32>
    %squeeze3A_280 = vector.shape_cast %slice3A_279 : vector<4x1x8x1024xf32> to vector<4x8x1024xf32>
    %select_n3A_281 = arith.select %le3A_270, %squeeze3A_278, %squeeze3A_280 : vector<4x8x1024xi1>, vector<4x8x1024xf32>
    %reshape3A_282 = vector.shape_cast %select_n3A_281 : vector<4x8x1024xf32> to vector<32x1024xf32>
    %reshape3A_283 = vector.shape_cast %reshape3A_276 : vector<32x1024xf32> to vector<2x2x8x1024xf32>
    %reshape3A_284 = vector.shape_cast %reshape3A_282 : vector<32x1024xf32> to vector<2x2x8x1024xf32>
    %slice3A_285 = vector.extract_strided_slice %reshape3A_283 {offsets = [0, 0, 0, 0], sizes = [2, 1, 8, 1024], strides = [1, 1, 1, 1]} : vector<2x2x8x1024xf32> to vector<2x1x8x1024xf32>
    %squeeze3A_286 = vector.shape_cast %slice3A_285 : vector<2x1x8x1024xf32> to vector<2x8x1024xf32>
    %slice3A_287 = vector.extract_strided_slice %reshape3A_283 {offsets = [0, 1, 0, 0], sizes = [2, 1, 8, 1024], strides = [1, 1, 1, 1]} : vector<2x2x8x1024xf32> to vector<2x1x8x1024xf32>
    %squeeze3A_288 = vector.shape_cast %slice3A_287 : vector<2x1x8x1024xf32> to vector<2x8x1024xf32>
    %le3A_289 = arith.cmpf ole, %squeeze3A_286, %squeeze3A_288 : vector<2x8x1024xf32>
    %slice3A_290 = vector.extract_strided_slice %reshape3A_283 {offsets = [0, 0, 0, 0], sizes = [2, 1, 8, 1024], strides = [1, 1, 1, 1]} : vector<2x2x8x1024xf32> to vector<2x1x8x1024xf32>
    %squeeze3A_291 = vector.shape_cast %slice3A_290 : vector<2x1x8x1024xf32> to vector<2x8x1024xf32>
    %slice3A_292 = vector.extract_strided_slice %reshape3A_283 {offsets = [0, 1, 0, 0], sizes = [2, 1, 8, 1024], strides = [1, 1, 1, 1]} : vector<2x2x8x1024xf32> to vector<2x1x8x1024xf32>
    %squeeze3A_293 = vector.shape_cast %slice3A_292 : vector<2x1x8x1024xf32> to vector<2x8x1024xf32>
    %select_n3A_294 = arith.select %le3A_289, %squeeze3A_291, %squeeze3A_293 : vector<2x8x1024xi1>, vector<2x8x1024xf32>
    %reshape3A_295 = vector.shape_cast %select_n3A_294 : vector<2x8x1024xf32> to vector<16x1024xf32>
    %slice3A_296 = vector.extract_strided_slice %reshape3A_284 {offsets = [0, 0, 0, 0], sizes = [2, 1, 8, 1024], strides = [1, 1, 1, 1]} : vector<2x2x8x1024xf32> to vector<2x1x8x1024xf32>
    %squeeze3A_297 = vector.shape_cast %slice3A_296 : vector<2x1x8x1024xf32> to vector<2x8x1024xf32>
    %slice3A_298 = vector.extract_strided_slice %reshape3A_284 {offsets = [0, 1, 0, 0], sizes = [2, 1, 8, 1024], strides = [1, 1, 1, 1]} : vector<2x2x8x1024xf32> to vector<2x1x8x1024xf32>
    %squeeze3A_299 = vector.shape_cast %slice3A_298 : vector<2x1x8x1024xf32> to vector<2x8x1024xf32>
    %select_n3A_300 = arith.select %le3A_289, %squeeze3A_297, %squeeze3A_299 : vector<2x8x1024xi1>, vector<2x8x1024xf32>
    %reshape3A_301 = vector.shape_cast %select_n3A_300 : vector<2x8x1024xf32> to vector<16x1024xf32>
    %reshape3A_302 = vector.shape_cast %reshape3A_295 : vector<16x1024xf32> to vector<1x2x8x1024xf32>
    %reshape3A_303 = vector.shape_cast %reshape3A_301 : vector<16x1024xf32> to vector<1x2x8x1024xf32>
    %slice3A_304 = vector.extract_strided_slice %reshape3A_302 {offsets = [0, 0, 0, 0], sizes = [1, 1, 8, 1024], strides = [1, 1, 1, 1]} : vector<1x2x8x1024xf32> to vector<1x1x8x1024xf32>
    %squeeze3A_305 = vector.shape_cast %slice3A_304 : vector<1x1x8x1024xf32> to vector<1x8x1024xf32>
    %slice3A_306 = vector.extract_strided_slice %reshape3A_302 {offsets = [0, 1, 0, 0], sizes = [1, 1, 8, 1024], strides = [1, 1, 1, 1]} : vector<1x2x8x1024xf32> to vector<1x1x8x1024xf32>
    %squeeze3A_307 = vector.shape_cast %slice3A_306 : vector<1x1x8x1024xf32> to vector<1x8x1024xf32>
    %le3A_308 = arith.cmpf ole, %squeeze3A_305, %squeeze3A_307 : vector<1x8x1024xf32>
    %slice3A_309 = vector.extract_strided_slice %reshape3A_302 {offsets = [0, 0, 0, 0], sizes = [1, 1, 8, 1024], strides = [1, 1, 1, 1]} : vector<1x2x8x1024xf32> to vector<1x1x8x1024xf32>
    %squeeze3A_310 = vector.shape_cast %slice3A_309 : vector<1x1x8x1024xf32> to vector<1x8x1024xf32>
    %slice3A_311 = vector.extract_strided_slice %reshape3A_302 {offsets = [0, 1, 0, 0], sizes = [1, 1, 8, 1024], strides = [1, 1, 1, 1]} : vector<1x2x8x1024xf32> to vector<1x1x8x1024xf32>
    %squeeze3A_312 = vector.shape_cast %slice3A_311 : vector<1x1x8x1024xf32> to vector<1x8x1024xf32>
    %select_n3A_313 = arith.select %le3A_308, %squeeze3A_310, %squeeze3A_312 : vector<1x8x1024xi1>, vector<1x8x1024xf32>
    %reshape3A_314 = vector.shape_cast %select_n3A_313 : vector<1x8x1024xf32> to vector<8x1024xf32>
    %slice3A_315 = vector.extract_strided_slice %reshape3A_303 {offsets = [0, 0, 0, 0], sizes = [1, 1, 8, 1024], strides = [1, 1, 1, 1]} : vector<1x2x8x1024xf32> to vector<1x1x8x1024xf32>
    %squeeze3A_316 = vector.shape_cast %slice3A_315 : vector<1x1x8x1024xf32> to vector<1x8x1024xf32>
    %slice3A_317 = vector.extract_strided_slice %reshape3A_303 {offsets = [0, 1, 0, 0], sizes = [1, 1, 8, 1024], strides = [1, 1, 1, 1]} : vector<1x2x8x1024xf32> to vector<1x1x8x1024xf32>
    %squeeze3A_318 = vector.shape_cast %slice3A_317 : vector<1x1x8x1024xf32> to vector<1x8x1024xf32>
    %select_n3A_319 = arith.select %le3A_308, %squeeze3A_316, %squeeze3A_318 : vector<1x8x1024xi1>, vector<1x8x1024xf32>
    %reshape3A_320 = vector.shape_cast %select_n3A_319 : vector<1x8x1024xf32> to vector<8x1024xf32>
    %reduce_min3A_321 = arith.constant dense<0x7F800000> : vector<1024xf32>
    %reduce_min3A_322 = vector.multi_reduction <minimumf>, %reshape3A_314, %reduce_min3A_321 [0] : vector<8x1024xf32> to vector<1024xf32>
    %broadcast_in_dim3A_323 = vector.shape_cast %reduce_min3A_322 : vector<1024xf32> to vector<1x1024xf32>
    %eq3A_324 = vector.broadcast %broadcast_in_dim3A_323 : vector<1x1024xf32> to vector<8x1024xf32>
    %eq3A_325 = arith.cmpf oeq, %reshape3A_314, %eq3A_324 : vector<8x1024xf32>
    %jit3A_326 = arith.constant 3.000000e+38 : f32
    %broadcast_in_dim3A_327 = vector.broadcast %jit3A_326 : f32 to vector<8x1024xf32>
    %select_n3A_328 = arith.select %eq3A_325, %reshape3A_320, %broadcast_in_dim3A_327 : vector<8x1024xi1>, vector<8x1024xf32>
    %reduce_min3A_329 = arith.constant dense<0x7F800000> : vector<1024xf32>
    %reduce_min3A_330 = vector.multi_reduction <minimumf>, %select_n3A_328, %reduce_min3A_329 [0] : vector<8x1024xf32> to vector<1024xf32>
    %broadcast_in_dim3A_331 = vector.shape_cast %reduce_min3A_330 : vector<1024xf32> to vector<1x1024xf32>
    %add3A_332 = arith.constant 1.024000e+03 : f32
    %add3A_333 = vector.broadcast %add3A_332 : f32 to vector<1x1024xf32>
    %add3A_334 = arith.addf %broadcast_in_dim3A_331, %add3A_333 : vector<1x1024xf32>
    %lt3A_335 = arith.cmpf olt, %broadcast_in_dim3A_323, %select_n3A_168 : vector<1x1024xf32>
    %select_n3A_336 = arith.select %lt3A_335, %broadcast_in_dim3A_323, %select_n3A_168 : vector<1x1024xi1>, vector<1x1024xf32>
    %select_n3A_337 = arith.select %lt3A_335, %add3A_334, %select_n3A_169 : vector<1x1024xi1>, vector<1x1024xf32>
    %get3A_338 = arith.constant 2048 : index
    %get3A_339 = arith.constant 0 : index
    %get3A_340 = vector.load %arg4[%get3A_338, %get3A_339] : memref<8192x64xf32, #tpu.memory_space<vmem>>, vector<1024x64xf32>
    %get3A_341 = arith.constant 2048 : index
    %get3A_342 = arith.constant 0 : index
    %get3A_343 = vector.load %arg5[%get3A_341, %get3A_342] : memref<8192x1xf32, #tpu.memory_space<vmem>>, vector<1024x1xf32>
    %dot_general3A_344 = arith.constant dense<0.000000e+00> : vector<1024x1024xf32>
    %dot_general3A_345 = tpu.matmul %get3A_340, %mul3A_5, %dot_general3A_344 {dimension_numbers = #tpu.dot_dimension_numbers<[1], [0], [0], [1], [0, 0, 1, 1], [], []>, transpose_lhs_hint = false} : vector<1024x64xf32>, vector<64x1024xf32>, vector<1024x1024xf32> -> vector<1024x1024xf32>
    %add3A_346 = vector.broadcast %get3A_10 : vector<1x1024xf32> to vector<1024x1024xf32>
    %add3A_347 = vector.broadcast %get3A_343 : vector<1024x1xf32> to vector<1024x1024xf32>
    %add3A_348 = arith.addf %add3A_346, %add3A_347 : vector<1024x1024xf32>
    %add3A_349 = arith.addf %add3A_348, %dot_general3A_345 : vector<1024x1024xf32>
    %rsqrt3A_350 = math.rsqrt %add3A_349 : vector<1024x1024xf32>
    %mul3A_351 = arith.mulf %add3A_349, %rsqrt3A_350 : vector<1024x1024xf32>
    %reshape3A_352 = vector.shape_cast %mul3A_351 : vector<1024x1024xf32> to vector<64x2x8x1024xf32>
    %reshape3A_353 = vector.shape_cast %convert_element_type3A : vector<1024x1xf32> to vector<64x2x8x1xf32>
    %slice3A_354 = vector.extract_strided_slice %reshape3A_352 {offsets = [0, 0, 0, 0], sizes = [64, 1, 8, 1024], strides = [1, 1, 1, 1]} : vector<64x2x8x1024xf32> to vector<64x1x8x1024xf32>
    %squeeze3A_355 = vector.shape_cast %slice3A_354 : vector<64x1x8x1024xf32> to vector<64x8x1024xf32>
    %slice3A_356 = vector.extract_strided_slice %reshape3A_352 {offsets = [0, 1, 0, 0], sizes = [64, 1, 8, 1024], strides = [1, 1, 1, 1]} : vector<64x2x8x1024xf32> to vector<64x1x8x1024xf32>
    %squeeze3A_357 = vector.shape_cast %slice3A_356 : vector<64x1x8x1024xf32> to vector<64x8x1024xf32>
    %le3A_358 = arith.cmpf ole, %squeeze3A_355, %squeeze3A_357 : vector<64x8x1024xf32>
    %slice3A_359 = vector.extract_strided_slice %reshape3A_352 {offsets = [0, 0, 0, 0], sizes = [64, 1, 8, 1024], strides = [1, 1, 1, 1]} : vector<64x2x8x1024xf32> to vector<64x1x8x1024xf32>
    %squeeze3A_360 = vector.shape_cast %slice3A_359 : vector<64x1x8x1024xf32> to vector<64x8x1024xf32>
    %slice3A_361 = vector.extract_strided_slice %reshape3A_352 {offsets = [0, 1, 0, 0], sizes = [64, 1, 8, 1024], strides = [1, 1, 1, 1]} : vector<64x2x8x1024xf32> to vector<64x1x8x1024xf32>
    %squeeze3A_362 = vector.shape_cast %slice3A_361 : vector<64x1x8x1024xf32> to vector<64x8x1024xf32>
    %select_n3A_363 = arith.select %le3A_358, %squeeze3A_360, %squeeze3A_362 : vector<64x8x1024xi1>, vector<64x8x1024xf32>
    %reshape3A_364 = vector.shape_cast %select_n3A_363 : vector<64x8x1024xf32> to vector<512x1024xf32>
    %slice3A_365 = vector.extract_strided_slice %reshape3A_353 {offsets = [0, 0, 0, 0], sizes = [64, 1, 8, 1], strides = [1, 1, 1, 1]} : vector<64x2x8x1xf32> to vector<64x1x8x1xf32>
    %squeeze3A_366 = vector.shape_cast %slice3A_365 : vector<64x1x8x1xf32> to vector<64x8x1xf32>
    %slice3A_367 = vector.extract_strided_slice %reshape3A_353 {offsets = [0, 1, 0, 0], sizes = [64, 1, 8, 1], strides = [1, 1, 1, 1]} : vector<64x2x8x1xf32> to vector<64x1x8x1xf32>
    %squeeze3A_368 = vector.shape_cast %slice3A_367 : vector<64x1x8x1xf32> to vector<64x8x1xf32>
    %broadcast_in_dim3A_369 = vector.shape_cast %squeeze3A_366 : vector<64x8x1xf32> to vector<64x8x1xf32>
    %broadcast_in_dim3A_370 = vector.broadcast %broadcast_in_dim3A_369 : vector<64x8x1xf32> to vector<64x8x1024xf32>
    %broadcast_in_dim3A_371 = vector.shape_cast %squeeze3A_368 : vector<64x8x1xf32> to vector<64x8x1xf32>
    %broadcast_in_dim3A_372 = vector.broadcast %broadcast_in_dim3A_371 : vector<64x8x1xf32> to vector<64x8x1024xf32>
    %select_n3A_373 = arith.select %le3A_358, %broadcast_in_dim3A_370, %broadcast_in_dim3A_372 : vector<64x8x1024xi1>, vector<64x8x1024xf32>
    %reshape3A_374 = vector.shape_cast %select_n3A_373 : vector<64x8x1024xf32> to vector<512x1024xf32>
    %reshape3A_375 = vector.shape_cast %reshape3A_364 : vector<512x1024xf32> to vector<32x2x8x1024xf32>
    %reshape3A_376 = vector.shape_cast %reshape3A_374 : vector<512x1024xf32> to vector<32x2x8x1024xf32>
    %slice3A_377 = vector.extract_strided_slice %reshape3A_375 {offsets = [0, 0, 0, 0], sizes = [32, 1, 8, 1024], strides = [1, 1, 1, 1]} : vector<32x2x8x1024xf32> to vector<32x1x8x1024xf32>
    %squeeze3A_378 = vector.shape_cast %slice3A_377 : vector<32x1x8x1024xf32> to vector<32x8x1024xf32>
    %slice3A_379 = vector.extract_strided_slice %reshape3A_375 {offsets = [0, 1, 0, 0], sizes = [32, 1, 8, 1024], strides = [1, 1, 1, 1]} : vector<32x2x8x1024xf32> to vector<32x1x8x1024xf32>
    %squeeze3A_380 = vector.shape_cast %slice3A_379 : vector<32x1x8x1024xf32> to vector<32x8x1024xf32>
    %le3A_381 = arith.cmpf ole, %squeeze3A_378, %squeeze3A_380 : vector<32x8x1024xf32>
    %slice3A_382 = vector.extract_strided_slice %reshape3A_375 {offsets = [0, 0, 0, 0], sizes = [32, 1, 8, 1024], strides = [1, 1, 1, 1]} : vector<32x2x8x1024xf32> to vector<32x1x8x1024xf32>
    %squeeze3A_383 = vector.shape_cast %slice3A_382 : vector<32x1x8x1024xf32> to vector<32x8x1024xf32>
    %slice3A_384 = vector.extract_strided_slice %reshape3A_375 {offsets = [0, 1, 0, 0], sizes = [32, 1, 8, 1024], strides = [1, 1, 1, 1]} : vector<32x2x8x1024xf32> to vector<32x1x8x1024xf32>
    %squeeze3A_385 = vector.shape_cast %slice3A_384 : vector<32x1x8x1024xf32> to vector<32x8x1024xf32>
    %select_n3A_386 = arith.select %le3A_381, %squeeze3A_383, %squeeze3A_385 : vector<32x8x1024xi1>, vector<32x8x1024xf32>
    %reshape3A_387 = vector.shape_cast %select_n3A_386 : vector<32x8x1024xf32> to vector<256x1024xf32>
    %slice3A_388 = vector.extract_strided_slice %reshape3A_376 {offsets = [0, 0, 0, 0], sizes = [32, 1, 8, 1024], strides = [1, 1, 1, 1]} : vector<32x2x8x1024xf32> to vector<32x1x8x1024xf32>
    %squeeze3A_389 = vector.shape_cast %slice3A_388 : vector<32x1x8x1024xf32> to vector<32x8x1024xf32>
    %slice3A_390 = vector.extract_strided_slice %reshape3A_376 {offsets = [0, 1, 0, 0], sizes = [32, 1, 8, 1024], strides = [1, 1, 1, 1]} : vector<32x2x8x1024xf32> to vector<32x1x8x1024xf32>
    %squeeze3A_391 = vector.shape_cast %slice3A_390 : vector<32x1x8x1024xf32> to vector<32x8x1024xf32>
    %select_n3A_392 = arith.select %le3A_381, %squeeze3A_389, %squeeze3A_391 : vector<32x8x1024xi1>, vector<32x8x1024xf32>
    %reshape3A_393 = vector.shape_cast %select_n3A_392 : vector<32x8x1024xf32> to vector<256x1024xf32>
    %reshape3A_394 = vector.shape_cast %reshape3A_387 : vector<256x1024xf32> to vector<16x2x8x1024xf32>
    %reshape3A_395 = vector.shape_cast %reshape3A_393 : vector<256x1024xf32> to vector<16x2x8x1024xf32>
    %slice3A_396 = vector.extract_strided_slice %reshape3A_394 {offsets = [0, 0, 0, 0], sizes = [16, 1, 8, 1024], strides = [1, 1, 1, 1]} : vector<16x2x8x1024xf32> to vector<16x1x8x1024xf32>
    %squeeze3A_397 = vector.shape_cast %slice3A_396 : vector<16x1x8x1024xf32> to vector<16x8x1024xf32>
    %slice3A_398 = vector.extract_strided_slice %reshape3A_394 {offsets = [0, 1, 0, 0], sizes = [16, 1, 8, 1024], strides = [1, 1, 1, 1]} : vector<16x2x8x1024xf32> to vector<16x1x8x1024xf32>
    %squeeze3A_399 = vector.shape_cast %slice3A_398 : vector<16x1x8x1024xf32> to vector<16x8x1024xf32>
    %le3A_400 = arith.cmpf ole, %squeeze3A_397, %squeeze3A_399 : vector<16x8x1024xf32>
    %slice3A_401 = vector.extract_strided_slice %reshape3A_394 {offsets = [0, 0, 0, 0], sizes = [16, 1, 8, 1024], strides = [1, 1, 1, 1]} : vector<16x2x8x1024xf32> to vector<16x1x8x1024xf32>
    %squeeze3A_402 = vector.shape_cast %slice3A_401 : vector<16x1x8x1024xf32> to vector<16x8x1024xf32>
    %slice3A_403 = vector.extract_strided_slice %reshape3A_394 {offsets = [0, 1, 0, 0], sizes = [16, 1, 8, 1024], strides = [1, 1, 1, 1]} : vector<16x2x8x1024xf32> to vector<16x1x8x1024xf32>
    %squeeze3A_404 = vector.shape_cast %slice3A_403 : vector<16x1x8x1024xf32> to vector<16x8x1024xf32>
    %select_n3A_405 = arith.select %le3A_400, %squeeze3A_402, %squeeze3A_404 : vector<16x8x1024xi1>, vector<16x8x1024xf32>
    %reshape3A_406 = vector.shape_cast %select_n3A_405 : vector<16x8x1024xf32> to vector<128x1024xf32>
    %slice3A_407 = vector.extract_strided_slice %reshape3A_395 {offsets = [0, 0, 0, 0], sizes = [16, 1, 8, 1024], strides = [1, 1, 1, 1]} : vector<16x2x8x1024xf32> to vector<16x1x8x1024xf32>
    %squeeze3A_408 = vector.shape_cast %slice3A_407 : vector<16x1x8x1024xf32> to vector<16x8x1024xf32>
    %slice3A_409 = vector.extract_strided_slice %reshape3A_395 {offsets = [0, 1, 0, 0], sizes = [16, 1, 8, 1024], strides = [1, 1, 1, 1]} : vector<16x2x8x1024xf32> to vector<16x1x8x1024xf32>
    %squeeze3A_410 = vector.shape_cast %slice3A_409 : vector<16x1x8x1024xf32> to vector<16x8x1024xf32>
    %select_n3A_411 = arith.select %le3A_400, %squeeze3A_408, %squeeze3A_410 : vector<16x8x1024xi1>, vector<16x8x1024xf32>
    %reshape3A_412 = vector.shape_cast %select_n3A_411 : vector<16x8x1024xf32> to vector<128x1024xf32>
    %reshape3A_413 = vector.shape_cast %reshape3A_406 : vector<128x1024xf32> to vector<8x2x8x1024xf32>
    %reshape3A_414 = vector.shape_cast %reshape3A_412 : vector<128x1024xf32> to vector<8x2x8x1024xf32>
    %slice3A_415 = vector.extract_strided_slice %reshape3A_413 {offsets = [0, 0, 0, 0], sizes = [8, 1, 8, 1024], strides = [1, 1, 1, 1]} : vector<8x2x8x1024xf32> to vector<8x1x8x1024xf32>
    %squeeze3A_416 = vector.shape_cast %slice3A_415 : vector<8x1x8x1024xf32> to vector<8x8x1024xf32>
    %slice3A_417 = vector.extract_strided_slice %reshape3A_413 {offsets = [0, 1, 0, 0], sizes = [8, 1, 8, 1024], strides = [1, 1, 1, 1]} : vector<8x2x8x1024xf32> to vector<8x1x8x1024xf32>
    %squeeze3A_418 = vector.shape_cast %slice3A_417 : vector<8x1x8x1024xf32> to vector<8x8x1024xf32>
    %le3A_419 = arith.cmpf ole, %squeeze3A_416, %squeeze3A_418 : vector<8x8x1024xf32>
    %slice3A_420 = vector.extract_strided_slice %reshape3A_413 {offsets = [0, 0, 0, 0], sizes = [8, 1, 8, 1024], strides = [1, 1, 1, 1]} : vector<8x2x8x1024xf32> to vector<8x1x8x1024xf32>
    %squeeze3A_421 = vector.shape_cast %slice3A_420 : vector<8x1x8x1024xf32> to vector<8x8x1024xf32>
    %slice3A_422 = vector.extract_strided_slice %reshape3A_413 {offsets = [0, 1, 0, 0], sizes = [8, 1, 8, 1024], strides = [1, 1, 1, 1]} : vector<8x2x8x1024xf32> to vector<8x1x8x1024xf32>
    %squeeze3A_423 = vector.shape_cast %slice3A_422 : vector<8x1x8x1024xf32> to vector<8x8x1024xf32>
    %select_n3A_424 = arith.select %le3A_419, %squeeze3A_421, %squeeze3A_423 : vector<8x8x1024xi1>, vector<8x8x1024xf32>
    %reshape3A_425 = vector.shape_cast %select_n3A_424 : vector<8x8x1024xf32> to vector<64x1024xf32>
    %slice3A_426 = vector.extract_strided_slice %reshape3A_414 {offsets = [0, 0, 0, 0], sizes = [8, 1, 8, 1024], strides = [1, 1, 1, 1]} : vector<8x2x8x1024xf32> to vector<8x1x8x1024xf32>
    %squeeze3A_427 = vector.shape_cast %slice3A_426 : vector<8x1x8x1024xf32> to vector<8x8x1024xf32>
    %slice3A_428 = vector.extract_strided_slice %reshape3A_414 {offsets = [0, 1, 0, 0], sizes = [8, 1, 8, 1024], strides = [1, 1, 1, 1]} : vector<8x2x8x1024xf32> to vector<8x1x8x1024xf32>
    %squeeze3A_429 = vector.shape_cast %slice3A_428 : vector<8x1x8x1024xf32> to vector<8x8x1024xf32>
    %select_n3A_430 = arith.select %le3A_419, %squeeze3A_427, %squeeze3A_429 : vector<8x8x1024xi1>, vector<8x8x1024xf32>
    %reshape3A_431 = vector.shape_cast %select_n3A_430 : vector<8x8x1024xf32> to vector<64x1024xf32>
    %reshape3A_432 = vector.shape_cast %reshape3A_425 : vector<64x1024xf32> to vector<4x2x8x1024xf32>
    %reshape3A_433 = vector.shape_cast %reshape3A_431 : vector<64x1024xf32> to vector<4x2x8x1024xf32>
    %slice3A_434 = vector.extract_strided_slice %reshape3A_432 {offsets = [0, 0, 0, 0], sizes = [4, 1, 8, 1024], strides = [1, 1, 1, 1]} : vector<4x2x8x1024xf32> to vector<4x1x8x1024xf32>
    %squeeze3A_435 = vector.shape_cast %slice3A_434 : vector<4x1x8x1024xf32> to vector<4x8x1024xf32>
    %slice3A_436 = vector.extract_strided_slice %reshape3A_432 {offsets = [0, 1, 0, 0], sizes = [4, 1, 8, 1024], strides = [1, 1, 1, 1]} : vector<4x2x8x1024xf32> to vector<4x1x8x1024xf32>
    %squeeze3A_437 = vector.shape_cast %slice3A_436 : vector<4x1x8x1024xf32> to vector<4x8x1024xf32>
    %le3A_438 = arith.cmpf ole, %squeeze3A_435, %squeeze3A_437 : vector<4x8x1024xf32>
    %slice3A_439 = vector.extract_strided_slice %reshape3A_432 {offsets = [0, 0, 0, 0], sizes = [4, 1, 8, 1024], strides = [1, 1, 1, 1]} : vector<4x2x8x1024xf32> to vector<4x1x8x1024xf32>
    %squeeze3A_440 = vector.shape_cast %slice3A_439 : vector<4x1x8x1024xf32> to vector<4x8x1024xf32>
    %slice3A_441 = vector.extract_strided_slice %reshape3A_432 {offsets = [0, 1, 0, 0], sizes = [4, 1, 8, 1024], strides = [1, 1, 1, 1]} : vector<4x2x8x1024xf32> to vector<4x1x8x1024xf32>
    %squeeze3A_442 = vector.shape_cast %slice3A_441 : vector<4x1x8x1024xf32> to vector<4x8x1024xf32>
    %select_n3A_443 = arith.select %le3A_438, %squeeze3A_440, %squeeze3A_442 : vector<4x8x1024xi1>, vector<4x8x1024xf32>
    %reshape3A_444 = vector.shape_cast %select_n3A_443 : vector<4x8x1024xf32> to vector<32x1024xf32>
    %slice3A_445 = vector.extract_strided_slice %reshape3A_433 {offsets = [0, 0, 0, 0], sizes = [4, 1, 8, 1024], strides = [1, 1, 1, 1]} : vector<4x2x8x1024xf32> to vector<4x1x8x1024xf32>
    %squeeze3A_446 = vector.shape_cast %slice3A_445 : vector<4x1x8x1024xf32> to vector<4x8x1024xf32>
    %slice3A_447 = vector.extract_strided_slice %reshape3A_433 {offsets = [0, 1, 0, 0], sizes = [4, 1, 8, 1024], strides = [1, 1, 1, 1]} : vector<4x2x8x1024xf32> to vector<4x1x8x1024xf32>
    %squeeze3A_448 = vector.shape_cast %slice3A_447 : vector<4x1x8x1024xf32> to vector<4x8x1024xf32>
    %select_n3A_449 = arith.select %le3A_438, %squeeze3A_446, %squeeze3A_448 : vector<4x8x1024xi1>, vector<4x8x1024xf32>
    %reshape3A_450 = vector.shape_cast %select_n3A_449 : vector<4x8x1024xf32> to vector<32x1024xf32>
    %reshape3A_451 = vector.shape_cast %reshape3A_444 : vector<32x1024xf32> to vector<2x2x8x1024xf32>
    %reshape3A_452 = vector.shape_cast %reshape3A_450 : vector<32x1024xf32> to vector<2x2x8x1024xf32>
    %slice3A_453 = vector.extract_strided_slice %reshape3A_451 {offsets = [0, 0, 0, 0], sizes = [2, 1, 8, 1024], strides = [1, 1, 1, 1]} : vector<2x2x8x1024xf32> to vector<2x1x8x1024xf32>
    %squeeze3A_454 = vector.shape_cast %slice3A_453 : vector<2x1x8x1024xf32> to vector<2x8x1024xf32>
    %slice3A_455 = vector.extract_strided_slice %reshape3A_451 {offsets = [0, 1, 0, 0], sizes = [2, 1, 8, 1024], strides = [1, 1, 1, 1]} : vector<2x2x8x1024xf32> to vector<2x1x8x1024xf32>
    %squeeze3A_456 = vector.shape_cast %slice3A_455 : vector<2x1x8x1024xf32> to vector<2x8x1024xf32>
    %le3A_457 = arith.cmpf ole, %squeeze3A_454, %squeeze3A_456 : vector<2x8x1024xf32>
    %slice3A_458 = vector.extract_strided_slice %reshape3A_451 {offsets = [0, 0, 0, 0], sizes = [2, 1, 8, 1024], strides = [1, 1, 1, 1]} : vector<2x2x8x1024xf32> to vector<2x1x8x1024xf32>
    %squeeze3A_459 = vector.shape_cast %slice3A_458 : vector<2x1x8x1024xf32> to vector<2x8x1024xf32>
    %slice3A_460 = vector.extract_strided_slice %reshape3A_451 {offsets = [0, 1, 0, 0], sizes = [2, 1, 8, 1024], strides = [1, 1, 1, 1]} : vector<2x2x8x1024xf32> to vector<2x1x8x1024xf32>
    %squeeze3A_461 = vector.shape_cast %slice3A_460 : vector<2x1x8x1024xf32> to vector<2x8x1024xf32>
    %select_n3A_462 = arith.select %le3A_457, %squeeze3A_459, %squeeze3A_461 : vector<2x8x1024xi1>, vector<2x8x1024xf32>
    %reshape3A_463 = vector.shape_cast %select_n3A_462 : vector<2x8x1024xf32> to vector<16x1024xf32>
    %slice3A_464 = vector.extract_strided_slice %reshape3A_452 {offsets = [0, 0, 0, 0], sizes = [2, 1, 8, 1024], strides = [1, 1, 1, 1]} : vector<2x2x8x1024xf32> to vector<2x1x8x1024xf32>
    %squeeze3A_465 = vector.shape_cast %slice3A_464 : vector<2x1x8x1024xf32> to vector<2x8x1024xf32>
    %slice3A_466 = vector.extract_strided_slice %reshape3A_452 {offsets = [0, 1, 0, 0], sizes = [2, 1, 8, 1024], strides = [1, 1, 1, 1]} : vector<2x2x8x1024xf32> to vector<2x1x8x1024xf32>
    %squeeze3A_467 = vector.shape_cast %slice3A_466 : vector<2x1x8x1024xf32> to vector<2x8x1024xf32>
    %select_n3A_468 = arith.select %le3A_457, %squeeze3A_465, %squeeze3A_467 : vector<2x8x1024xi1>, vector<2x8x1024xf32>
    %reshape3A_469 = vector.shape_cast %select_n3A_468 : vector<2x8x1024xf32> to vector<16x1024xf32>
    %reshape3A_470 = vector.shape_cast %reshape3A_463 : vector<16x1024xf32> to vector<1x2x8x1024xf32>
    %reshape3A_471 = vector.shape_cast %reshape3A_469 : vector<16x1024xf32> to vector<1x2x8x1024xf32>
    %slice3A_472 = vector.extract_strided_slice %reshape3A_470 {offsets = [0, 0, 0, 0], sizes = [1, 1, 8, 1024], strides = [1, 1, 1, 1]} : vector<1x2x8x1024xf32> to vector<1x1x8x1024xf32>
    %squeeze3A_473 = vector.shape_cast %slice3A_472 : vector<1x1x8x1024xf32> to vector<1x8x1024xf32>
    %slice3A_474 = vector.extract_strided_slice %reshape3A_470 {offsets = [0, 1, 0, 0], sizes = [1, 1, 8, 1024], strides = [1, 1, 1, 1]} : vector<1x2x8x1024xf32> to vector<1x1x8x1024xf32>
    %squeeze3A_475 = vector.shape_cast %slice3A_474 : vector<1x1x8x1024xf32> to vector<1x8x1024xf32>
    %le3A_476 = arith.cmpf ole, %squeeze3A_473, %squeeze3A_475 : vector<1x8x1024xf32>
    %slice3A_477 = vector.extract_strided_slice %reshape3A_470 {offsets = [0, 0, 0, 0], sizes = [1, 1, 8, 1024], strides = [1, 1, 1, 1]} : vector<1x2x8x1024xf32> to vector<1x1x8x1024xf32>
    %squeeze3A_478 = vector.shape_cast %slice3A_477 : vector<1x1x8x1024xf32> to vector<1x8x1024xf32>
    %slice3A_479 = vector.extract_strided_slice %reshape3A_470 {offsets = [0, 1, 0, 0], sizes = [1, 1, 8, 1024], strides = [1, 1, 1, 1]} : vector<1x2x8x1024xf32> to vector<1x1x8x1024xf32>
    %squeeze3A_480 = vector.shape_cast %slice3A_479 : vector<1x1x8x1024xf32> to vector<1x8x1024xf32>
    %select_n3A_481 = arith.select %le3A_476, %squeeze3A_478, %squeeze3A_480 : vector<1x8x1024xi1>, vector<1x8x1024xf32>
    %reshape3A_482 = vector.shape_cast %select_n3A_481 : vector<1x8x1024xf32> to vector<8x1024xf32>
    %slice3A_483 = vector.extract_strided_slice %reshape3A_471 {offsets = [0, 0, 0, 0], sizes = [1, 1, 8, 1024], strides = [1, 1, 1, 1]} : vector<1x2x8x1024xf32> to vector<1x1x8x1024xf32>
    %squeeze3A_484 = vector.shape_cast %slice3A_483 : vector<1x1x8x1024xf32> to vector<1x8x1024xf32>
    %slice3A_485 = vector.extract_strided_slice %reshape3A_471 {offsets = [0, 1, 0, 0], sizes = [1, 1, 8, 1024], strides = [1, 1, 1, 1]} : vector<1x2x8x1024xf32> to vector<1x1x8x1024xf32>
    %squeeze3A_486 = vector.shape_cast %slice3A_485 : vector<1x1x8x1024xf32> to vector<1x8x1024xf32>
    %select_n3A_487 = arith.select %le3A_476, %squeeze3A_484, %squeeze3A_486 : vector<1x8x1024xi1>, vector<1x8x1024xf32>
    %reshape3A_488 = vector.shape_cast %select_n3A_487 : vector<1x8x1024xf32> to vector<8x1024xf32>
    %reduce_min3A_489 = arith.constant dense<0x7F800000> : vector<1024xf32>
    %reduce_min3A_490 = vector.multi_reduction <minimumf>, %reshape3A_482, %reduce_min3A_489 [0] : vector<8x1024xf32> to vector<1024xf32>
    %broadcast_in_dim3A_491 = vector.shape_cast %reduce_min3A_490 : vector<1024xf32> to vector<1x1024xf32>
    %eq3A_492 = vector.broadcast %broadcast_in_dim3A_491 : vector<1x1024xf32> to vector<8x1024xf32>
    %eq3A_493 = arith.cmpf oeq, %reshape3A_482, %eq3A_492 : vector<8x1024xf32>
    %jit3A_494 = arith.constant 3.000000e+38 : f32
    %broadcast_in_dim3A_495 = vector.broadcast %jit3A_494 : f32 to vector<8x1024xf32>
    %select_n3A_496 = arith.select %eq3A_493, %reshape3A_488, %broadcast_in_dim3A_495 : vector<8x1024xi1>, vector<8x1024xf32>
    %reduce_min3A_497 = arith.constant dense<0x7F800000> : vector<1024xf32>
    %reduce_min3A_498 = vector.multi_reduction <minimumf>, %select_n3A_496, %reduce_min3A_497 [0] : vector<8x1024xf32> to vector<1024xf32>
    %broadcast_in_dim3A_499 = vector.shape_cast %reduce_min3A_498 : vector<1024xf32> to vector<1x1024xf32>
    %add3A_500 = arith.constant 2.048000e+03 : f32
    %add3A_501 = vector.broadcast %add3A_500 : f32 to vector<1x1024xf32>
    %add3A_502 = arith.addf %broadcast_in_dim3A_499, %add3A_501 : vector<1x1024xf32>
    %lt3A_503 = arith.cmpf olt, %broadcast_in_dim3A_491, %select_n3A_336 : vector<1x1024xf32>
    %select_n3A_504 = arith.select %lt3A_503, %broadcast_in_dim3A_491, %select_n3A_336 : vector<1x1024xi1>, vector<1x1024xf32>
    %select_n3A_505 = arith.select %lt3A_503, %add3A_502, %select_n3A_337 : vector<1x1024xi1>, vector<1x1024xf32>
    %get3A_506 = arith.constant 3072 : index
    %get3A_507 = arith.constant 0 : index
    %get3A_508 = vector.load %arg4[%get3A_506, %get3A_507] : memref<8192x64xf32, #tpu.memory_space<vmem>>, vector<1024x64xf32>
    %get3A_509 = arith.constant 3072 : index
    %get3A_510 = arith.constant 0 : index
    %get3A_511 = vector.load %arg5[%get3A_509, %get3A_510] : memref<8192x1xf32, #tpu.memory_space<vmem>>, vector<1024x1xf32>
    %dot_general3A_512 = arith.constant dense<0.000000e+00> : vector<1024x1024xf32>
    %dot_general3A_513 = tpu.matmul %get3A_508, %mul3A_5, %dot_general3A_512 {dimension_numbers = #tpu.dot_dimension_numbers<[1], [0], [0], [1], [0, 0, 1, 1], [], []>, transpose_lhs_hint = false} : vector<1024x64xf32>, vector<64x1024xf32>, vector<1024x1024xf32> -> vector<1024x1024xf32>
    %add3A_514 = vector.broadcast %get3A_10 : vector<1x1024xf32> to vector<1024x1024xf32>
    %add3A_515 = vector.broadcast %get3A_511 : vector<1024x1xf32> to vector<1024x1024xf32>
    %add3A_516 = arith.addf %add3A_514, %add3A_515 : vector<1024x1024xf32>
    %add3A_517 = arith.addf %add3A_516, %dot_general3A_513 : vector<1024x1024xf32>
    %rsqrt3A_518 = math.rsqrt %add3A_517 : vector<1024x1024xf32>
    %mul3A_519 = arith.mulf %add3A_517, %rsqrt3A_518 : vector<1024x1024xf32>
    %reshape3A_520 = vector.shape_cast %mul3A_519 : vector<1024x1024xf32> to vector<64x2x8x1024xf32>
    %reshape3A_521 = vector.shape_cast %convert_element_type3A : vector<1024x1xf32> to vector<64x2x8x1xf32>
    %slice3A_522 = vector.extract_strided_slice %reshape3A_520 {offsets = [0, 0, 0, 0], sizes = [64, 1, 8, 1024], strides = [1, 1, 1, 1]} : vector<64x2x8x1024xf32> to vector<64x1x8x1024xf32>
    %squeeze3A_523 = vector.shape_cast %slice3A_522 : vector<64x1x8x1024xf32> to vector<64x8x1024xf32>
    %slice3A_524 = vector.extract_strided_slice %reshape3A_520 {offsets = [0, 1, 0, 0], sizes = [64, 1, 8, 1024], strides = [1, 1, 1, 1]} : vector<64x2x8x1024xf32> to vector<64x1x8x1024xf32>
    %squeeze3A_525 = vector.shape_cast %slice3A_524 : vector<64x1x8x1024xf32> to vector<64x8x1024xf32>
    %le3A_526 = arith.cmpf ole, %squeeze3A_523, %squeeze3A_525 : vector<64x8x1024xf32>
    %slice3A_527 = vector.extract_strided_slice %reshape3A_520 {offsets = [0, 0, 0, 0], sizes = [64, 1, 8, 1024], strides = [1, 1, 1, 1]} : vector<64x2x8x1024xf32> to vector<64x1x8x1024xf32>
    %squeeze3A_528 = vector.shape_cast %slice3A_527 : vector<64x1x8x1024xf32> to vector<64x8x1024xf32>
    %slice3A_529 = vector.extract_strided_slice %reshape3A_520 {offsets = [0, 1, 0, 0], sizes = [64, 1, 8, 1024], strides = [1, 1, 1, 1]} : vector<64x2x8x1024xf32> to vector<64x1x8x1024xf32>
    %squeeze3A_530 = vector.shape_cast %slice3A_529 : vector<64x1x8x1024xf32> to vector<64x8x1024xf32>
    %select_n3A_531 = arith.select %le3A_526, %squeeze3A_528, %squeeze3A_530 : vector<64x8x1024xi1>, vector<64x8x1024xf32>
    %reshape3A_532 = vector.shape_cast %select_n3A_531 : vector<64x8x1024xf32> to vector<512x1024xf32>
    %slice3A_533 = vector.extract_strided_slice %reshape3A_521 {offsets = [0, 0, 0, 0], sizes = [64, 1, 8, 1], strides = [1, 1, 1, 1]} : vector<64x2x8x1xf32> to vector<64x1x8x1xf32>
    %squeeze3A_534 = vector.shape_cast %slice3A_533 : vector<64x1x8x1xf32> to vector<64x8x1xf32>
    %slice3A_535 = vector.extract_strided_slice %reshape3A_521 {offsets = [0, 1, 0, 0], sizes = [64, 1, 8, 1], strides = [1, 1, 1, 1]} : vector<64x2x8x1xf32> to vector<64x1x8x1xf32>
    %squeeze3A_536 = vector.shape_cast %slice3A_535 : vector<64x1x8x1xf32> to vector<64x8x1xf32>
    %broadcast_in_dim3A_537 = vector.shape_cast %squeeze3A_534 : vector<64x8x1xf32> to vector<64x8x1xf32>
    %broadcast_in_dim3A_538 = vector.broadcast %broadcast_in_dim3A_537 : vector<64x8x1xf32> to vector<64x8x1024xf32>
    %broadcast_in_dim3A_539 = vector.shape_cast %squeeze3A_536 : vector<64x8x1xf32> to vector<64x8x1xf32>
    %broadcast_in_dim3A_540 = vector.broadcast %broadcast_in_dim3A_539 : vector<64x8x1xf32> to vector<64x8x1024xf32>
    %select_n3A_541 = arith.select %le3A_526, %broadcast_in_dim3A_538, %broadcast_in_dim3A_540 : vector<64x8x1024xi1>, vector<64x8x1024xf32>
    %reshape3A_542 = vector.shape_cast %select_n3A_541 : vector<64x8x1024xf32> to vector<512x1024xf32>
    %reshape3A_543 = vector.shape_cast %reshape3A_532 : vector<512x1024xf32> to vector<32x2x8x1024xf32>
    %reshape3A_544 = vector.shape_cast %reshape3A_542 : vector<512x1024xf32> to vector<32x2x8x1024xf32>
    %slice3A_545 = vector.extract_strided_slice %reshape3A_543 {offsets = [0, 0, 0, 0], sizes = [32, 1, 8, 1024], strides = [1, 1, 1, 1]} : vector<32x2x8x1024xf32> to vector<32x1x8x1024xf32>
    %squeeze3A_546 = vector.shape_cast %slice3A_545 : vector<32x1x8x1024xf32> to vector<32x8x1024xf32>
    %slice3A_547 = vector.extract_strided_slice %reshape3A_543 {offsets = [0, 1, 0, 0], sizes = [32, 1, 8, 1024], strides = [1, 1, 1, 1]} : vector<32x2x8x1024xf32> to vector<32x1x8x1024xf32>
    %squeeze3A_548 = vector.shape_cast %slice3A_547 : vector<32x1x8x1024xf32> to vector<32x8x1024xf32>
    %le3A_549 = arith.cmpf ole, %squeeze3A_546, %squeeze3A_548 : vector<32x8x1024xf32>
    %slice3A_550 = vector.extract_strided_slice %reshape3A_543 {offsets = [0, 0, 0, 0], sizes = [32, 1, 8, 1024], strides = [1, 1, 1, 1]} : vector<32x2x8x1024xf32> to vector<32x1x8x1024xf32>
    %squeeze3A_551 = vector.shape_cast %slice3A_550 : vector<32x1x8x1024xf32> to vector<32x8x1024xf32>
    %slice3A_552 = vector.extract_strided_slice %reshape3A_543 {offsets = [0, 1, 0, 0], sizes = [32, 1, 8, 1024], strides = [1, 1, 1, 1]} : vector<32x2x8x1024xf32> to vector<32x1x8x1024xf32>
    %squeeze3A_553 = vector.shape_cast %slice3A_552 : vector<32x1x8x1024xf32> to vector<32x8x1024xf32>
    %select_n3A_554 = arith.select %le3A_549, %squeeze3A_551, %squeeze3A_553 : vector<32x8x1024xi1>, vector<32x8x1024xf32>
    %reshape3A_555 = vector.shape_cast %select_n3A_554 : vector<32x8x1024xf32> to vector<256x1024xf32>
    %slice3A_556 = vector.extract_strided_slice %reshape3A_544 {offsets = [0, 0, 0, 0], sizes = [32, 1, 8, 1024], strides = [1, 1, 1, 1]} : vector<32x2x8x1024xf32> to vector<32x1x8x1024xf32>
    %squeeze3A_557 = vector.shape_cast %slice3A_556 : vector<32x1x8x1024xf32> to vector<32x8x1024xf32>
    %slice3A_558 = vector.extract_strided_slice %reshape3A_544 {offsets = [0, 1, 0, 0], sizes = [32, 1, 8, 1024], strides = [1, 1, 1, 1]} : vector<32x2x8x1024xf32> to vector<32x1x8x1024xf32>
    %squeeze3A_559 = vector.shape_cast %slice3A_558 : vector<32x1x8x1024xf32> to vector<32x8x1024xf32>
    %select_n3A_560 = arith.select %le3A_549, %squeeze3A_557, %squeeze3A_559 : vector<32x8x1024xi1>, vector<32x8x1024xf32>
    %reshape3A_561 = vector.shape_cast %select_n3A_560 : vector<32x8x1024xf32> to vector<256x1024xf32>
    %reshape3A_562 = vector.shape_cast %reshape3A_555 : vector<256x1024xf32> to vector<16x2x8x1024xf32>
    %reshape3A_563 = vector.shape_cast %reshape3A_561 : vector<256x1024xf32> to vector<16x2x8x1024xf32>
    %slice3A_564 = vector.extract_strided_slice %reshape3A_562 {offsets = [0, 0, 0, 0], sizes = [16, 1, 8, 1024], strides = [1, 1, 1, 1]} : vector<16x2x8x1024xf32> to vector<16x1x8x1024xf32>
    %squeeze3A_565 = vector.shape_cast %slice3A_564 : vector<16x1x8x1024xf32> to vector<16x8x1024xf32>
    %slice3A_566 = vector.extract_strided_slice %reshape3A_562 {offsets = [0, 1, 0, 0], sizes = [16, 1, 8, 1024], strides = [1, 1, 1, 1]} : vector<16x2x8x1024xf32> to vector<16x1x8x1024xf32>
    %squeeze3A_567 = vector.shape_cast %slice3A_566 : vector<16x1x8x1024xf32> to vector<16x8x1024xf32>
    %le3A_568 = arith.cmpf ole, %squeeze3A_565, %squeeze3A_567 : vector<16x8x1024xf32>
    %slice3A_569 = vector.extract_strided_slice %reshape3A_562 {offsets = [0, 0, 0, 0], sizes = [16, 1, 8, 1024], strides = [1, 1, 1, 1]} : vector<16x2x8x1024xf32> to vector<16x1x8x1024xf32>
    %squeeze3A_570 = vector.shape_cast %slice3A_569 : vector<16x1x8x1024xf32> to vector<16x8x1024xf32>
    %slice3A_571 = vector.extract_strided_slice %reshape3A_562 {offsets = [0, 1, 0, 0], sizes = [16, 1, 8, 1024], strides = [1, 1, 1, 1]} : vector<16x2x8x1024xf32> to vector<16x1x8x1024xf32>
    %squeeze3A_572 = vector.shape_cast %slice3A_571 : vector<16x1x8x1024xf32> to vector<16x8x1024xf32>
    %select_n3A_573 = arith.select %le3A_568, %squeeze3A_570, %squeeze3A_572 : vector<16x8x1024xi1>, vector<16x8x1024xf32>
    %reshape3A_574 = vector.shape_cast %select_n3A_573 : vector<16x8x1024xf32> to vector<128x1024xf32>
    %slice3A_575 = vector.extract_strided_slice %reshape3A_563 {offsets = [0, 0, 0, 0], sizes = [16, 1, 8, 1024], strides = [1, 1, 1, 1]} : vector<16x2x8x1024xf32> to vector<16x1x8x1024xf32>
    %squeeze3A_576 = vector.shape_cast %slice3A_575 : vector<16x1x8x1024xf32> to vector<16x8x1024xf32>
    %slice3A_577 = vector.extract_strided_slice %reshape3A_563 {offsets = [0, 1, 0, 0], sizes = [16, 1, 8, 1024], strides = [1, 1, 1, 1]} : vector<16x2x8x1024xf32> to vector<16x1x8x1024xf32>
    %squeeze3A_578 = vector.shape_cast %slice3A_577 : vector<16x1x8x1024xf32> to vector<16x8x1024xf32>
    %select_n3A_579 = arith.select %le3A_568, %squeeze3A_576, %squeeze3A_578 : vector<16x8x1024xi1>, vector<16x8x1024xf32>
    %reshape3A_580 = vector.shape_cast %select_n3A_579 : vector<16x8x1024xf32> to vector<128x1024xf32>
    %reshape3A_581 = vector.shape_cast %reshape3A_574 : vector<128x1024xf32> to vector<8x2x8x1024xf32>
    %reshape3A_582 = vector.shape_cast %reshape3A_580 : vector<128x1024xf32> to vector<8x2x8x1024xf32>
    %slice3A_583 = vector.extract_strided_slice %reshape3A_581 {offsets = [0, 0, 0, 0], sizes = [8, 1, 8, 1024], strides = [1, 1, 1, 1]} : vector<8x2x8x1024xf32> to vector<8x1x8x1024xf32>
    %squeeze3A_584 = vector.shape_cast %slice3A_583 : vector<8x1x8x1024xf32> to vector<8x8x1024xf32>
    %slice3A_585 = vector.extract_strided_slice %reshape3A_581 {offsets = [0, 1, 0, 0], sizes = [8, 1, 8, 1024], strides = [1, 1, 1, 1]} : vector<8x2x8x1024xf32> to vector<8x1x8x1024xf32>
    %squeeze3A_586 = vector.shape_cast %slice3A_585 : vector<8x1x8x1024xf32> to vector<8x8x1024xf32>
    %le3A_587 = arith.cmpf ole, %squeeze3A_584, %squeeze3A_586 : vector<8x8x1024xf32>
    %slice3A_588 = vector.extract_strided_slice %reshape3A_581 {offsets = [0, 0, 0, 0], sizes = [8, 1, 8, 1024], strides = [1, 1, 1, 1]} : vector<8x2x8x1024xf32> to vector<8x1x8x1024xf32>
    %squeeze3A_589 = vector.shape_cast %slice3A_588 : vector<8x1x8x1024xf32> to vector<8x8x1024xf32>
    %slice3A_590 = vector.extract_strided_slice %reshape3A_581 {offsets = [0, 1, 0, 0], sizes = [8, 1, 8, 1024], strides = [1, 1, 1, 1]} : vector<8x2x8x1024xf32> to vector<8x1x8x1024xf32>
    %squeeze3A_591 = vector.shape_cast %slice3A_590 : vector<8x1x8x1024xf32> to vector<8x8x1024xf32>
    %select_n3A_592 = arith.select %le3A_587, %squeeze3A_589, %squeeze3A_591 : vector<8x8x1024xi1>, vector<8x8x1024xf32>
    %reshape3A_593 = vector.shape_cast %select_n3A_592 : vector<8x8x1024xf32> to vector<64x1024xf32>
    %slice3A_594 = vector.extract_strided_slice %reshape3A_582 {offsets = [0, 0, 0, 0], sizes = [8, 1, 8, 1024], strides = [1, 1, 1, 1]} : vector<8x2x8x1024xf32> to vector<8x1x8x1024xf32>
    %squeeze3A_595 = vector.shape_cast %slice3A_594 : vector<8x1x8x1024xf32> to vector<8x8x1024xf32>
    %slice3A_596 = vector.extract_strided_slice %reshape3A_582 {offsets = [0, 1, 0, 0], sizes = [8, 1, 8, 1024], strides = [1, 1, 1, 1]} : vector<8x2x8x1024xf32> to vector<8x1x8x1024xf32>
    %squeeze3A_597 = vector.shape_cast %slice3A_596 : vector<8x1x8x1024xf32> to vector<8x8x1024xf32>
    %select_n3A_598 = arith.select %le3A_587, %squeeze3A_595, %squeeze3A_597 : vector<8x8x1024xi1>, vector<8x8x1024xf32>
    %reshape3A_599 = vector.shape_cast %select_n3A_598 : vector<8x8x1024xf32> to vector<64x1024xf32>
    %reshape3A_600 = vector.shape_cast %reshape3A_593 : vector<64x1024xf32> to vector<4x2x8x1024xf32>
    %reshape3A_601 = vector.shape_cast %reshape3A_599 : vector<64x1024xf32> to vector<4x2x8x1024xf32>
    %slice3A_602 = vector.extract_strided_slice %reshape3A_600 {offsets = [0, 0, 0, 0], sizes = [4, 1, 8, 1024], strides = [1, 1, 1, 1]} : vector<4x2x8x1024xf32> to vector<4x1x8x1024xf32>
    %squeeze3A_603 = vector.shape_cast %slice3A_602 : vector<4x1x8x1024xf32> to vector<4x8x1024xf32>
    %slice3A_604 = vector.extract_strided_slice %reshape3A_600 {offsets = [0, 1, 0, 0], sizes = [4, 1, 8, 1024], strides = [1, 1, 1, 1]} : vector<4x2x8x1024xf32> to vector<4x1x8x1024xf32>
    %squeeze3A_605 = vector.shape_cast %slice3A_604 : vector<4x1x8x1024xf32> to vector<4x8x1024xf32>
    %le3A_606 = arith.cmpf ole, %squeeze3A_603, %squeeze3A_605 : vector<4x8x1024xf32>
    %slice3A_607 = vector.extract_strided_slice %reshape3A_600 {offsets = [0, 0, 0, 0], sizes = [4, 1, 8, 1024], strides = [1, 1, 1, 1]} : vector<4x2x8x1024xf32> to vector<4x1x8x1024xf32>
    %squeeze3A_608 = vector.shape_cast %slice3A_607 : vector<4x1x8x1024xf32> to vector<4x8x1024xf32>
    %slice3A_609 = vector.extract_strided_slice %reshape3A_600 {offsets = [0, 1, 0, 0], sizes = [4, 1, 8, 1024], strides = [1, 1, 1, 1]} : vector<4x2x8x1024xf32> to vector<4x1x8x1024xf32>
    %squeeze3A_610 = vector.shape_cast %slice3A_609 : vector<4x1x8x1024xf32> to vector<4x8x1024xf32>
    %select_n3A_611 = arith.select %le3A_606, %squeeze3A_608, %squeeze3A_610 : vector<4x8x1024xi1>, vector<4x8x1024xf32>
    %reshape3A_612 = vector.shape_cast %select_n3A_611 : vector<4x8x1024xf32> to vector<32x1024xf32>
    %slice3A_613 = vector.extract_strided_slice %reshape3A_601 {offsets = [0, 0, 0, 0], sizes = [4, 1, 8, 1024], strides = [1, 1, 1, 1]} : vector<4x2x8x1024xf32> to vector<4x1x8x1024xf32>
    %squeeze3A_614 = vector.shape_cast %slice3A_613 : vector<4x1x8x1024xf32> to vector<4x8x1024xf32>
    %slice3A_615 = vector.extract_strided_slice %reshape3A_601 {offsets = [0, 1, 0, 0], sizes = [4, 1, 8, 1024], strides = [1, 1, 1, 1]} : vector<4x2x8x1024xf32> to vector<4x1x8x1024xf32>
    %squeeze3A_616 = vector.shape_cast %slice3A_615 : vector<4x1x8x1024xf32> to vector<4x8x1024xf32>
    %select_n3A_617 = arith.select %le3A_606, %squeeze3A_614, %squeeze3A_616 : vector<4x8x1024xi1>, vector<4x8x1024xf32>
    %reshape3A_618 = vector.shape_cast %select_n3A_617 : vector<4x8x1024xf32> to vector<32x1024xf32>
    %reshape3A_619 = vector.shape_cast %reshape3A_612 : vector<32x1024xf32> to vector<2x2x8x1024xf32>
    %reshape3A_620 = vector.shape_cast %reshape3A_618 : vector<32x1024xf32> to vector<2x2x8x1024xf32>
    %slice3A_621 = vector.extract_strided_slice %reshape3A_619 {offsets = [0, 0, 0, 0], sizes = [2, 1, 8, 1024], strides = [1, 1, 1, 1]} : vector<2x2x8x1024xf32> to vector<2x1x8x1024xf32>
    %squeeze3A_622 = vector.shape_cast %slice3A_621 : vector<2x1x8x1024xf32> to vector<2x8x1024xf32>
    %slice3A_623 = vector.extract_strided_slice %reshape3A_619 {offsets = [0, 1, 0, 0], sizes = [2, 1, 8, 1024], strides = [1, 1, 1, 1]} : vector<2x2x8x1024xf32> to vector<2x1x8x1024xf32>
    %squeeze3A_624 = vector.shape_cast %slice3A_623 : vector<2x1x8x1024xf32> to vector<2x8x1024xf32>
    %le3A_625 = arith.cmpf ole, %squeeze3A_622, %squeeze3A_624 : vector<2x8x1024xf32>
    %slice3A_626 = vector.extract_strided_slice %reshape3A_619 {offsets = [0, 0, 0, 0], sizes = [2, 1, 8, 1024], strides = [1, 1, 1, 1]} : vector<2x2x8x1024xf32> to vector<2x1x8x1024xf32>
    %squeeze3A_627 = vector.shape_cast %slice3A_626 : vector<2x1x8x1024xf32> to vector<2x8x1024xf32>
    %slice3A_628 = vector.extract_strided_slice %reshape3A_619 {offsets = [0, 1, 0, 0], sizes = [2, 1, 8, 1024], strides = [1, 1, 1, 1]} : vector<2x2x8x1024xf32> to vector<2x1x8x1024xf32>
    %squeeze3A_629 = vector.shape_cast %slice3A_628 : vector<2x1x8x1024xf32> to vector<2x8x1024xf32>
    %select_n3A_630 = arith.select %le3A_625, %squeeze3A_627, %squeeze3A_629 : vector<2x8x1024xi1>, vector<2x8x1024xf32>
    %reshape3A_631 = vector.shape_cast %select_n3A_630 : vector<2x8x1024xf32> to vector<16x1024xf32>
    %slice3A_632 = vector.extract_strided_slice %reshape3A_620 {offsets = [0, 0, 0, 0], sizes = [2, 1, 8, 1024], strides = [1, 1, 1, 1]} : vector<2x2x8x1024xf32> to vector<2x1x8x1024xf32>
    %squeeze3A_633 = vector.shape_cast %slice3A_632 : vector<2x1x8x1024xf32> to vector<2x8x1024xf32>
    %slice3A_634 = vector.extract_strided_slice %reshape3A_620 {offsets = [0, 1, 0, 0], sizes = [2, 1, 8, 1024], strides = [1, 1, 1, 1]} : vector<2x2x8x1024xf32> to vector<2x1x8x1024xf32>
    %squeeze3A_635 = vector.shape_cast %slice3A_634 : vector<2x1x8x1024xf32> to vector<2x8x1024xf32>
    %select_n3A_636 = arith.select %le3A_625, %squeeze3A_633, %squeeze3A_635 : vector<2x8x1024xi1>, vector<2x8x1024xf32>
    %reshape3A_637 = vector.shape_cast %select_n3A_636 : vector<2x8x1024xf32> to vector<16x1024xf32>
    %reshape3A_638 = vector.shape_cast %reshape3A_631 : vector<16x1024xf32> to vector<1x2x8x1024xf32>
    %reshape3A_639 = vector.shape_cast %reshape3A_637 : vector<16x1024xf32> to vector<1x2x8x1024xf32>
    %slice3A_640 = vector.extract_strided_slice %reshape3A_638 {offsets = [0, 0, 0, 0], sizes = [1, 1, 8, 1024], strides = [1, 1, 1, 1]} : vector<1x2x8x1024xf32> to vector<1x1x8x1024xf32>
    %squeeze3A_641 = vector.shape_cast %slice3A_640 : vector<1x1x8x1024xf32> to vector<1x8x1024xf32>
    %slice3A_642 = vector.extract_strided_slice %reshape3A_638 {offsets = [0, 1, 0, 0], sizes = [1, 1, 8, 1024], strides = [1, 1, 1, 1]} : vector<1x2x8x1024xf32> to vector<1x1x8x1024xf32>
    %squeeze3A_643 = vector.shape_cast %slice3A_642 : vector<1x1x8x1024xf32> to vector<1x8x1024xf32>
    %le3A_644 = arith.cmpf ole, %squeeze3A_641, %squeeze3A_643 : vector<1x8x1024xf32>
    %slice3A_645 = vector.extract_strided_slice %reshape3A_638 {offsets = [0, 0, 0, 0], sizes = [1, 1, 8, 1024], strides = [1, 1, 1, 1]} : vector<1x2x8x1024xf32> to vector<1x1x8x1024xf32>
    %squeeze3A_646 = vector.shape_cast %slice3A_645 : vector<1x1x8x1024xf32> to vector<1x8x1024xf32>
    %slice3A_647 = vector.extract_strided_slice %reshape3A_638 {offsets = [0, 1, 0, 0], sizes = [1, 1, 8, 1024], strides = [1, 1, 1, 1]} : vector<1x2x8x1024xf32> to vector<1x1x8x1024xf32>
    %squeeze3A_648 = vector.shape_cast %slice3A_647 : vector<1x1x8x1024xf32> to vector<1x8x1024xf32>
    %select_n3A_649 = arith.select %le3A_644, %squeeze3A_646, %squeeze3A_648 : vector<1x8x1024xi1>, vector<1x8x1024xf32>
    %reshape3A_650 = vector.shape_cast %select_n3A_649 : vector<1x8x1024xf32> to vector<8x1024xf32>
    %slice3A_651 = vector.extract_strided_slice %reshape3A_639 {offsets = [0, 0, 0, 0], sizes = [1, 1, 8, 1024], strides = [1, 1, 1, 1]} : vector<1x2x8x1024xf32> to vector<1x1x8x1024xf32>
    %squeeze3A_652 = vector.shape_cast %slice3A_651 : vector<1x1x8x1024xf32> to vector<1x8x1024xf32>
    %slice3A_653 = vector.extract_strided_slice %reshape3A_639 {offsets = [0, 1, 0, 0], sizes = [1, 1, 8, 1024], strides = [1, 1, 1, 1]} : vector<1x2x8x1024xf32> to vector<1x1x8x1024xf32>
    %squeeze3A_654 = vector.shape_cast %slice3A_653 : vector<1x1x8x1024xf32> to vector<1x8x1024xf32>
    %select_n3A_655 = arith.select %le3A_644, %squeeze3A_652, %squeeze3A_654 : vector<1x8x1024xi1>, vector<1x8x1024xf32>
    %reshape3A_656 = vector.shape_cast %select_n3A_655 : vector<1x8x1024xf32> to vector<8x1024xf32>
    %reduce_min3A_657 = arith.constant dense<0x7F800000> : vector<1024xf32>
    %reduce_min3A_658 = vector.multi_reduction <minimumf>, %reshape3A_650, %reduce_min3A_657 [0] : vector<8x1024xf32> to vector<1024xf32>
    %broadcast_in_dim3A_659 = vector.shape_cast %reduce_min3A_658 : vector<1024xf32> to vector<1x1024xf32>
    %eq3A_660 = vector.broadcast %broadcast_in_dim3A_659 : vector<1x1024xf32> to vector<8x1024xf32>
    %eq3A_661 = arith.cmpf oeq, %reshape3A_650, %eq3A_660 : vector<8x1024xf32>
    %jit3A_662 = arith.constant 3.000000e+38 : f32
    %broadcast_in_dim3A_663 = vector.broadcast %jit3A_662 : f32 to vector<8x1024xf32>
    %select_n3A_664 = arith.select %eq3A_661, %reshape3A_656, %broadcast_in_dim3A_663 : vector<8x1024xi1>, vector<8x1024xf32>
    %reduce_min3A_665 = arith.constant dense<0x7F800000> : vector<1024xf32>
    %reduce_min3A_666 = vector.multi_reduction <minimumf>, %select_n3A_664, %reduce_min3A_665 [0] : vector<8x1024xf32> to vector<1024xf32>
    %broadcast_in_dim3A_667 = vector.shape_cast %reduce_min3A_666 : vector<1024xf32> to vector<1x1024xf32>
    %add3A_668 = arith.constant 3.072000e+03 : f32
    %add3A_669 = vector.broadcast %add3A_668 : f32 to vector<1x1024xf32>
    %add3A_670 = arith.addf %broadcast_in_dim3A_667, %add3A_669 : vector<1x1024xf32>
    %lt3A_671 = arith.cmpf olt, %broadcast_in_dim3A_659, %select_n3A_504 : vector<1x1024xf32>
    %select_n3A_672 = arith.select %lt3A_671, %broadcast_in_dim3A_659, %select_n3A_504 : vector<1x1024xi1>, vector<1x1024xf32>
    %select_n3A_673 = arith.select %lt3A_671, %add3A_670, %select_n3A_505 : vector<1x1024xi1>, vector<1x1024xf32>
    %get3A_674 = arith.constant 4096 : index
    %get3A_675 = arith.constant 0 : index
    %get3A_676 = vector.load %arg4[%get3A_674, %get3A_675] : memref<8192x64xf32, #tpu.memory_space<vmem>>, vector<1024x64xf32>
    %get3A_677 = arith.constant 4096 : index
    %get3A_678 = arith.constant 0 : index
    %get3A_679 = vector.load %arg5[%get3A_677, %get3A_678] : memref<8192x1xf32, #tpu.memory_space<vmem>>, vector<1024x1xf32>
    %dot_general3A_680 = arith.constant dense<0.000000e+00> : vector<1024x1024xf32>
    %dot_general3A_681 = tpu.matmul %get3A_676, %mul3A_5, %dot_general3A_680 {dimension_numbers = #tpu.dot_dimension_numbers<[1], [0], [0], [1], [0, 0, 1, 1], [], []>, transpose_lhs_hint = false} : vector<1024x64xf32>, vector<64x1024xf32>, vector<1024x1024xf32> -> vector<1024x1024xf32>
    %add3A_682 = vector.broadcast %get3A_10 : vector<1x1024xf32> to vector<1024x1024xf32>
    %add3A_683 = vector.broadcast %get3A_679 : vector<1024x1xf32> to vector<1024x1024xf32>
    %add3A_684 = arith.addf %add3A_682, %add3A_683 : vector<1024x1024xf32>
    %add3A_685 = arith.addf %add3A_684, %dot_general3A_681 : vector<1024x1024xf32>
    %rsqrt3A_686 = math.rsqrt %add3A_685 : vector<1024x1024xf32>
    %mul3A_687 = arith.mulf %add3A_685, %rsqrt3A_686 : vector<1024x1024xf32>
    %reshape3A_688 = vector.shape_cast %mul3A_687 : vector<1024x1024xf32> to vector<64x2x8x1024xf32>
    %reshape3A_689 = vector.shape_cast %convert_element_type3A : vector<1024x1xf32> to vector<64x2x8x1xf32>
    %slice3A_690 = vector.extract_strided_slice %reshape3A_688 {offsets = [0, 0, 0, 0], sizes = [64, 1, 8, 1024], strides = [1, 1, 1, 1]} : vector<64x2x8x1024xf32> to vector<64x1x8x1024xf32>
    %squeeze3A_691 = vector.shape_cast %slice3A_690 : vector<64x1x8x1024xf32> to vector<64x8x1024xf32>
    %slice3A_692 = vector.extract_strided_slice %reshape3A_688 {offsets = [0, 1, 0, 0], sizes = [64, 1, 8, 1024], strides = [1, 1, 1, 1]} : vector<64x2x8x1024xf32> to vector<64x1x8x1024xf32>
    %squeeze3A_693 = vector.shape_cast %slice3A_692 : vector<64x1x8x1024xf32> to vector<64x8x1024xf32>
    %le3A_694 = arith.cmpf ole, %squeeze3A_691, %squeeze3A_693 : vector<64x8x1024xf32>
    %slice3A_695 = vector.extract_strided_slice %reshape3A_688 {offsets = [0, 0, 0, 0], sizes = [64, 1, 8, 1024], strides = [1, 1, 1, 1]} : vector<64x2x8x1024xf32> to vector<64x1x8x1024xf32>
    %squeeze3A_696 = vector.shape_cast %slice3A_695 : vector<64x1x8x1024xf32> to vector<64x8x1024xf32>
    %slice3A_697 = vector.extract_strided_slice %reshape3A_688 {offsets = [0, 1, 0, 0], sizes = [64, 1, 8, 1024], strides = [1, 1, 1, 1]} : vector<64x2x8x1024xf32> to vector<64x1x8x1024xf32>
    %squeeze3A_698 = vector.shape_cast %slice3A_697 : vector<64x1x8x1024xf32> to vector<64x8x1024xf32>
    %select_n3A_699 = arith.select %le3A_694, %squeeze3A_696, %squeeze3A_698 : vector<64x8x1024xi1>, vector<64x8x1024xf32>
    %reshape3A_700 = vector.shape_cast %select_n3A_699 : vector<64x8x1024xf32> to vector<512x1024xf32>
    %slice3A_701 = vector.extract_strided_slice %reshape3A_689 {offsets = [0, 0, 0, 0], sizes = [64, 1, 8, 1], strides = [1, 1, 1, 1]} : vector<64x2x8x1xf32> to vector<64x1x8x1xf32>
    %squeeze3A_702 = vector.shape_cast %slice3A_701 : vector<64x1x8x1xf32> to vector<64x8x1xf32>
    %slice3A_703 = vector.extract_strided_slice %reshape3A_689 {offsets = [0, 1, 0, 0], sizes = [64, 1, 8, 1], strides = [1, 1, 1, 1]} : vector<64x2x8x1xf32> to vector<64x1x8x1xf32>
    %squeeze3A_704 = vector.shape_cast %slice3A_703 : vector<64x1x8x1xf32> to vector<64x8x1xf32>
    %broadcast_in_dim3A_705 = vector.shape_cast %squeeze3A_702 : vector<64x8x1xf32> to vector<64x8x1xf32>
    %broadcast_in_dim3A_706 = vector.broadcast %broadcast_in_dim3A_705 : vector<64x8x1xf32> to vector<64x8x1024xf32>
    %broadcast_in_dim3A_707 = vector.shape_cast %squeeze3A_704 : vector<64x8x1xf32> to vector<64x8x1xf32>
    %broadcast_in_dim3A_708 = vector.broadcast %broadcast_in_dim3A_707 : vector<64x8x1xf32> to vector<64x8x1024xf32>
    %select_n3A_709 = arith.select %le3A_694, %broadcast_in_dim3A_706, %broadcast_in_dim3A_708 : vector<64x8x1024xi1>, vector<64x8x1024xf32>
    %reshape3A_710 = vector.shape_cast %select_n3A_709 : vector<64x8x1024xf32> to vector<512x1024xf32>
    %reshape3A_711 = vector.shape_cast %reshape3A_700 : vector<512x1024xf32> to vector<32x2x8x1024xf32>
    %reshape3A_712 = vector.shape_cast %reshape3A_710 : vector<512x1024xf32> to vector<32x2x8x1024xf32>
    %slice3A_713 = vector.extract_strided_slice %reshape3A_711 {offsets = [0, 0, 0, 0], sizes = [32, 1, 8, 1024], strides = [1, 1, 1, 1]} : vector<32x2x8x1024xf32> to vector<32x1x8x1024xf32>
    %squeeze3A_714 = vector.shape_cast %slice3A_713 : vector<32x1x8x1024xf32> to vector<32x8x1024xf32>
    %slice3A_715 = vector.extract_strided_slice %reshape3A_711 {offsets = [0, 1, 0, 0], sizes = [32, 1, 8, 1024], strides = [1, 1, 1, 1]} : vector<32x2x8x1024xf32> to vector<32x1x8x1024xf32>
    %squeeze3A_716 = vector.shape_cast %slice3A_715 : vector<32x1x8x1024xf32> to vector<32x8x1024xf32>
    %le3A_717 = arith.cmpf ole, %squeeze3A_714, %squeeze3A_716 : vector<32x8x1024xf32>
    %slice3A_718 = vector.extract_strided_slice %reshape3A_711 {offsets = [0, 0, 0, 0], sizes = [32, 1, 8, 1024], strides = [1, 1, 1, 1]} : vector<32x2x8x1024xf32> to vector<32x1x8x1024xf32>
    %squeeze3A_719 = vector.shape_cast %slice3A_718 : vector<32x1x8x1024xf32> to vector<32x8x1024xf32>
    %slice3A_720 = vector.extract_strided_slice %reshape3A_711 {offsets = [0, 1, 0, 0], sizes = [32, 1, 8, 1024], strides = [1, 1, 1, 1]} : vector<32x2x8x1024xf32> to vector<32x1x8x1024xf32>
    %squeeze3A_721 = vector.shape_cast %slice3A_720 : vector<32x1x8x1024xf32> to vector<32x8x1024xf32>
    %select_n3A_722 = arith.select %le3A_717, %squeeze3A_719, %squeeze3A_721 : vector<32x8x1024xi1>, vector<32x8x1024xf32>
    %reshape3A_723 = vector.shape_cast %select_n3A_722 : vector<32x8x1024xf32> to vector<256x1024xf32>
    %slice3A_724 = vector.extract_strided_slice %reshape3A_712 {offsets = [0, 0, 0, 0], sizes = [32, 1, 8, 1024], strides = [1, 1, 1, 1]} : vector<32x2x8x1024xf32> to vector<32x1x8x1024xf32>
    %squeeze3A_725 = vector.shape_cast %slice3A_724 : vector<32x1x8x1024xf32> to vector<32x8x1024xf32>
    %slice3A_726 = vector.extract_strided_slice %reshape3A_712 {offsets = [0, 1, 0, 0], sizes = [32, 1, 8, 1024], strides = [1, 1, 1, 1]} : vector<32x2x8x1024xf32> to vector<32x1x8x1024xf32>
    %squeeze3A_727 = vector.shape_cast %slice3A_726 : vector<32x1x8x1024xf32> to vector<32x8x1024xf32>
    %select_n3A_728 = arith.select %le3A_717, %squeeze3A_725, %squeeze3A_727 : vector<32x8x1024xi1>, vector<32x8x1024xf32>
    %reshape3A_729 = vector.shape_cast %select_n3A_728 : vector<32x8x1024xf32> to vector<256x1024xf32>
    %reshape3A_730 = vector.shape_cast %reshape3A_723 : vector<256x1024xf32> to vector<16x2x8x1024xf32>
    %reshape3A_731 = vector.shape_cast %reshape3A_729 : vector<256x1024xf32> to vector<16x2x8x1024xf32>
    %slice3A_732 = vector.extract_strided_slice %reshape3A_730 {offsets = [0, 0, 0, 0], sizes = [16, 1, 8, 1024], strides = [1, 1, 1, 1]} : vector<16x2x8x1024xf32> to vector<16x1x8x1024xf32>
    %squeeze3A_733 = vector.shape_cast %slice3A_732 : vector<16x1x8x1024xf32> to vector<16x8x1024xf32>
    %slice3A_734 = vector.extract_strided_slice %reshape3A_730 {offsets = [0, 1, 0, 0], sizes = [16, 1, 8, 1024], strides = [1, 1, 1, 1]} : vector<16x2x8x1024xf32> to vector<16x1x8x1024xf32>
    %squeeze3A_735 = vector.shape_cast %slice3A_734 : vector<16x1x8x1024xf32> to vector<16x8x1024xf32>
    %le3A_736 = arith.cmpf ole, %squeeze3A_733, %squeeze3A_735 : vector<16x8x1024xf32>
    %slice3A_737 = vector.extract_strided_slice %reshape3A_730 {offsets = [0, 0, 0, 0], sizes = [16, 1, 8, 1024], strides = [1, 1, 1, 1]} : vector<16x2x8x1024xf32> to vector<16x1x8x1024xf32>
    %squeeze3A_738 = vector.shape_cast %slice3A_737 : vector<16x1x8x1024xf32> to vector<16x8x1024xf32>
    %slice3A_739 = vector.extract_strided_slice %reshape3A_730 {offsets = [0, 1, 0, 0], sizes = [16, 1, 8, 1024], strides = [1, 1, 1, 1]} : vector<16x2x8x1024xf32> to vector<16x1x8x1024xf32>
    %squeeze3A_740 = vector.shape_cast %slice3A_739 : vector<16x1x8x1024xf32> to vector<16x8x1024xf32>
    %select_n3A_741 = arith.select %le3A_736, %squeeze3A_738, %squeeze3A_740 : vector<16x8x1024xi1>, vector<16x8x1024xf32>
    %reshape3A_742 = vector.shape_cast %select_n3A_741 : vector<16x8x1024xf32> to vector<128x1024xf32>
    %slice3A_743 = vector.extract_strided_slice %reshape3A_731 {offsets = [0, 0, 0, 0], sizes = [16, 1, 8, 1024], strides = [1, 1, 1, 1]} : vector<16x2x8x1024xf32> to vector<16x1x8x1024xf32>
    %squeeze3A_744 = vector.shape_cast %slice3A_743 : vector<16x1x8x1024xf32> to vector<16x8x1024xf32>
    %slice3A_745 = vector.extract_strided_slice %reshape3A_731 {offsets = [0, 1, 0, 0], sizes = [16, 1, 8, 1024], strides = [1, 1, 1, 1]} : vector<16x2x8x1024xf32> to vector<16x1x8x1024xf32>
    %squeeze3A_746 = vector.shape_cast %slice3A_745 : vector<16x1x8x1024xf32> to vector<16x8x1024xf32>
    %select_n3A_747 = arith.select %le3A_736, %squeeze3A_744, %squeeze3A_746 : vector<16x8x1024xi1>, vector<16x8x1024xf32>
    %reshape3A_748 = vector.shape_cast %select_n3A_747 : vector<16x8x1024xf32> to vector<128x1024xf32>
    %reshape3A_749 = vector.shape_cast %reshape3A_742 : vector<128x1024xf32> to vector<8x2x8x1024xf32>
    %reshape3A_750 = vector.shape_cast %reshape3A_748 : vector<128x1024xf32> to vector<8x2x8x1024xf32>
    %slice3A_751 = vector.extract_strided_slice %reshape3A_749 {offsets = [0, 0, 0, 0], sizes = [8, 1, 8, 1024], strides = [1, 1, 1, 1]} : vector<8x2x8x1024xf32> to vector<8x1x8x1024xf32>
    %squeeze3A_752 = vector.shape_cast %slice3A_751 : vector<8x1x8x1024xf32> to vector<8x8x1024xf32>
    %slice3A_753 = vector.extract_strided_slice %reshape3A_749 {offsets = [0, 1, 0, 0], sizes = [8, 1, 8, 1024], strides = [1, 1, 1, 1]} : vector<8x2x8x1024xf32> to vector<8x1x8x1024xf32>
    %squeeze3A_754 = vector.shape_cast %slice3A_753 : vector<8x1x8x1024xf32> to vector<8x8x1024xf32>
    %le3A_755 = arith.cmpf ole, %squeeze3A_752, %squeeze3A_754 : vector<8x8x1024xf32>
    %slice3A_756 = vector.extract_strided_slice %reshape3A_749 {offsets = [0, 0, 0, 0], sizes = [8, 1, 8, 1024], strides = [1, 1, 1, 1]} : vector<8x2x8x1024xf32> to vector<8x1x8x1024xf32>
    %squeeze3A_757 = vector.shape_cast %slice3A_756 : vector<8x1x8x1024xf32> to vector<8x8x1024xf32>
    %slice3A_758 = vector.extract_strided_slice %reshape3A_749 {offsets = [0, 1, 0, 0], sizes = [8, 1, 8, 1024], strides = [1, 1, 1, 1]} : vector<8x2x8x1024xf32> to vector<8x1x8x1024xf32>
    %squeeze3A_759 = vector.shape_cast %slice3A_758 : vector<8x1x8x1024xf32> to vector<8x8x1024xf32>
    %select_n3A_760 = arith.select %le3A_755, %squeeze3A_757, %squeeze3A_759 : vector<8x8x1024xi1>, vector<8x8x1024xf32>
    %reshape3A_761 = vector.shape_cast %select_n3A_760 : vector<8x8x1024xf32> to vector<64x1024xf32>
    %slice3A_762 = vector.extract_strided_slice %reshape3A_750 {offsets = [0, 0, 0, 0], sizes = [8, 1, 8, 1024], strides = [1, 1, 1, 1]} : vector<8x2x8x1024xf32> to vector<8x1x8x1024xf32>
    %squeeze3A_763 = vector.shape_cast %slice3A_762 : vector<8x1x8x1024xf32> to vector<8x8x1024xf32>
    %slice3A_764 = vector.extract_strided_slice %reshape3A_750 {offsets = [0, 1, 0, 0], sizes = [8, 1, 8, 1024], strides = [1, 1, 1, 1]} : vector<8x2x8x1024xf32> to vector<8x1x8x1024xf32>
    %squeeze3A_765 = vector.shape_cast %slice3A_764 : vector<8x1x8x1024xf32> to vector<8x8x1024xf32>
    %select_n3A_766 = arith.select %le3A_755, %squeeze3A_763, %squeeze3A_765 : vector<8x8x1024xi1>, vector<8x8x1024xf32>
    %reshape3A_767 = vector.shape_cast %select_n3A_766 : vector<8x8x1024xf32> to vector<64x1024xf32>
    %reshape3A_768 = vector.shape_cast %reshape3A_761 : vector<64x1024xf32> to vector<4x2x8x1024xf32>
    %reshape3A_769 = vector.shape_cast %reshape3A_767 : vector<64x1024xf32> to vector<4x2x8x1024xf32>
    %slice3A_770 = vector.extract_strided_slice %reshape3A_768 {offsets = [0, 0, 0, 0], sizes = [4, 1, 8, 1024], strides = [1, 1, 1, 1]} : vector<4x2x8x1024xf32> to vector<4x1x8x1024xf32>
    %squeeze3A_771 = vector.shape_cast %slice3A_770 : vector<4x1x8x1024xf32> to vector<4x8x1024xf32>
    %slice3A_772 = vector.extract_strided_slice %reshape3A_768 {offsets = [0, 1, 0, 0], sizes = [4, 1, 8, 1024], strides = [1, 1, 1, 1]} : vector<4x2x8x1024xf32> to vector<4x1x8x1024xf32>
    %squeeze3A_773 = vector.shape_cast %slice3A_772 : vector<4x1x8x1024xf32> to vector<4x8x1024xf32>
    %le3A_774 = arith.cmpf ole, %squeeze3A_771, %squeeze3A_773 : vector<4x8x1024xf32>
    %slice3A_775 = vector.extract_strided_slice %reshape3A_768 {offsets = [0, 0, 0, 0], sizes = [4, 1, 8, 1024], strides = [1, 1, 1, 1]} : vector<4x2x8x1024xf32> to vector<4x1x8x1024xf32>
    %squeeze3A_776 = vector.shape_cast %slice3A_775 : vector<4x1x8x1024xf32> to vector<4x8x1024xf32>
    %slice3A_777 = vector.extract_strided_slice %reshape3A_768 {offsets = [0, 1, 0, 0], sizes = [4, 1, 8, 1024], strides = [1, 1, 1, 1]} : vector<4x2x8x1024xf32> to vector<4x1x8x1024xf32>
    %squeeze3A_778 = vector.shape_cast %slice3A_777 : vector<4x1x8x1024xf32> to vector<4x8x1024xf32>
    %select_n3A_779 = arith.select %le3A_774, %squeeze3A_776, %squeeze3A_778 : vector<4x8x1024xi1>, vector<4x8x1024xf32>
    %reshape3A_780 = vector.shape_cast %select_n3A_779 : vector<4x8x1024xf32> to vector<32x1024xf32>
    %slice3A_781 = vector.extract_strided_slice %reshape3A_769 {offsets = [0, 0, 0, 0], sizes = [4, 1, 8, 1024], strides = [1, 1, 1, 1]} : vector<4x2x8x1024xf32> to vector<4x1x8x1024xf32>
    %squeeze3A_782 = vector.shape_cast %slice3A_781 : vector<4x1x8x1024xf32> to vector<4x8x1024xf32>
    %slice3A_783 = vector.extract_strided_slice %reshape3A_769 {offsets = [0, 1, 0, 0], sizes = [4, 1, 8, 1024], strides = [1, 1, 1, 1]} : vector<4x2x8x1024xf32> to vector<4x1x8x1024xf32>
    %squeeze3A_784 = vector.shape_cast %slice3A_783 : vector<4x1x8x1024xf32> to vector<4x8x1024xf32>
    %select_n3A_785 = arith.select %le3A_774, %squeeze3A_782, %squeeze3A_784 : vector<4x8x1024xi1>, vector<4x8x1024xf32>
    %reshape3A_786 = vector.shape_cast %select_n3A_785 : vector<4x8x1024xf32> to vector<32x1024xf32>
    %reshape3A_787 = vector.shape_cast %reshape3A_780 : vector<32x1024xf32> to vector<2x2x8x1024xf32>
    %reshape3A_788 = vector.shape_cast %reshape3A_786 : vector<32x1024xf32> to vector<2x2x8x1024xf32>
    %slice3A_789 = vector.extract_strided_slice %reshape3A_787 {offsets = [0, 0, 0, 0], sizes = [2, 1, 8, 1024], strides = [1, 1, 1, 1]} : vector<2x2x8x1024xf32> to vector<2x1x8x1024xf32>
    %squeeze3A_790 = vector.shape_cast %slice3A_789 : vector<2x1x8x1024xf32> to vector<2x8x1024xf32>
    %slice3A_791 = vector.extract_strided_slice %reshape3A_787 {offsets = [0, 1, 0, 0], sizes = [2, 1, 8, 1024], strides = [1, 1, 1, 1]} : vector<2x2x8x1024xf32> to vector<2x1x8x1024xf32>
    %squeeze3A_792 = vector.shape_cast %slice3A_791 : vector<2x1x8x1024xf32> to vector<2x8x1024xf32>
    %le3A_793 = arith.cmpf ole, %squeeze3A_790, %squeeze3A_792 : vector<2x8x1024xf32>
    %slice3A_794 = vector.extract_strided_slice %reshape3A_787 {offsets = [0, 0, 0, 0], sizes = [2, 1, 8, 1024], strides = [1, 1, 1, 1]} : vector<2x2x8x1024xf32> to vector<2x1x8x1024xf32>
    %squeeze3A_795 = vector.shape_cast %slice3A_794 : vector<2x1x8x1024xf32> to vector<2x8x1024xf32>
    %slice3A_796 = vector.extract_strided_slice %reshape3A_787 {offsets = [0, 1, 0, 0], sizes = [2, 1, 8, 1024], strides = [1, 1, 1, 1]} : vector<2x2x8x1024xf32> to vector<2x1x8x1024xf32>
    %squeeze3A_797 = vector.shape_cast %slice3A_796 : vector<2x1x8x1024xf32> to vector<2x8x1024xf32>
    %select_n3A_798 = arith.select %le3A_793, %squeeze3A_795, %squeeze3A_797 : vector<2x8x1024xi1>, vector<2x8x1024xf32>
    %reshape3A_799 = vector.shape_cast %select_n3A_798 : vector<2x8x1024xf32> to vector<16x1024xf32>
    %slice3A_800 = vector.extract_strided_slice %reshape3A_788 {offsets = [0, 0, 0, 0], sizes = [2, 1, 8, 1024], strides = [1, 1, 1, 1]} : vector<2x2x8x1024xf32> to vector<2x1x8x1024xf32>
    %squeeze3A_801 = vector.shape_cast %slice3A_800 : vector<2x1x8x1024xf32> to vector<2x8x1024xf32>
    %slice3A_802 = vector.extract_strided_slice %reshape3A_788 {offsets = [0, 1, 0, 0], sizes = [2, 1, 8, 1024], strides = [1, 1, 1, 1]} : vector<2x2x8x1024xf32> to vector<2x1x8x1024xf32>
    %squeeze3A_803 = vector.shape_cast %slice3A_802 : vector<2x1x8x1024xf32> to vector<2x8x1024xf32>
    %select_n3A_804 = arith.select %le3A_793, %squeeze3A_801, %squeeze3A_803 : vector<2x8x1024xi1>, vector<2x8x1024xf32>
    %reshape3A_805 = vector.shape_cast %select_n3A_804 : vector<2x8x1024xf32> to vector<16x1024xf32>
    %reshape3A_806 = vector.shape_cast %reshape3A_799 : vector<16x1024xf32> to vector<1x2x8x1024xf32>
    %reshape3A_807 = vector.shape_cast %reshape3A_805 : vector<16x1024xf32> to vector<1x2x8x1024xf32>
    %slice3A_808 = vector.extract_strided_slice %reshape3A_806 {offsets = [0, 0, 0, 0], sizes = [1, 1, 8, 1024], strides = [1, 1, 1, 1]} : vector<1x2x8x1024xf32> to vector<1x1x8x1024xf32>
    %squeeze3A_809 = vector.shape_cast %slice3A_808 : vector<1x1x8x1024xf32> to vector<1x8x1024xf32>
    %slice3A_810 = vector.extract_strided_slice %reshape3A_806 {offsets = [0, 1, 0, 0], sizes = [1, 1, 8, 1024], strides = [1, 1, 1, 1]} : vector<1x2x8x1024xf32> to vector<1x1x8x1024xf32>
    %squeeze3A_811 = vector.shape_cast %slice3A_810 : vector<1x1x8x1024xf32> to vector<1x8x1024xf32>
    %le3A_812 = arith.cmpf ole, %squeeze3A_809, %squeeze3A_811 : vector<1x8x1024xf32>
    %slice3A_813 = vector.extract_strided_slice %reshape3A_806 {offsets = [0, 0, 0, 0], sizes = [1, 1, 8, 1024], strides = [1, 1, 1, 1]} : vector<1x2x8x1024xf32> to vector<1x1x8x1024xf32>
    %squeeze3A_814 = vector.shape_cast %slice3A_813 : vector<1x1x8x1024xf32> to vector<1x8x1024xf32>
    %slice3A_815 = vector.extract_strided_slice %reshape3A_806 {offsets = [0, 1, 0, 0], sizes = [1, 1, 8, 1024], strides = [1, 1, 1, 1]} : vector<1x2x8x1024xf32> to vector<1x1x8x1024xf32>
    %squeeze3A_816 = vector.shape_cast %slice3A_815 : vector<1x1x8x1024xf32> to vector<1x8x1024xf32>
    %select_n3A_817 = arith.select %le3A_812, %squeeze3A_814, %squeeze3A_816 : vector<1x8x1024xi1>, vector<1x8x1024xf32>
    %reshape3A_818 = vector.shape_cast %select_n3A_817 : vector<1x8x1024xf32> to vector<8x1024xf32>
    %slice3A_819 = vector.extract_strided_slice %reshape3A_807 {offsets = [0, 0, 0, 0], sizes = [1, 1, 8, 1024], strides = [1, 1, 1, 1]} : vector<1x2x8x1024xf32> to vector<1x1x8x1024xf32>
    %squeeze3A_820 = vector.shape_cast %slice3A_819 : vector<1x1x8x1024xf32> to vector<1x8x1024xf32>
    %slice3A_821 = vector.extract_strided_slice %reshape3A_807 {offsets = [0, 1, 0, 0], sizes = [1, 1, 8, 1024], strides = [1, 1, 1, 1]} : vector<1x2x8x1024xf32> to vector<1x1x8x1024xf32>
    %squeeze3A_822 = vector.shape_cast %slice3A_821 : vector<1x1x8x1024xf32> to vector<1x8x1024xf32>
    %select_n3A_823 = arith.select %le3A_812, %squeeze3A_820, %squeeze3A_822 : vector<1x8x1024xi1>, vector<1x8x1024xf32>
    %reshape3A_824 = vector.shape_cast %select_n3A_823 : vector<1x8x1024xf32> to vector<8x1024xf32>
    %reduce_min3A_825 = arith.constant dense<0x7F800000> : vector<1024xf32>
    %reduce_min3A_826 = vector.multi_reduction <minimumf>, %reshape3A_818, %reduce_min3A_825 [0] : vector<8x1024xf32> to vector<1024xf32>
    %broadcast_in_dim3A_827 = vector.shape_cast %reduce_min3A_826 : vector<1024xf32> to vector<1x1024xf32>
    %eq3A_828 = vector.broadcast %broadcast_in_dim3A_827 : vector<1x1024xf32> to vector<8x1024xf32>
    %eq3A_829 = arith.cmpf oeq, %reshape3A_818, %eq3A_828 : vector<8x1024xf32>
    %jit3A_830 = arith.constant 3.000000e+38 : f32
    %broadcast_in_dim3A_831 = vector.broadcast %jit3A_830 : f32 to vector<8x1024xf32>
    %select_n3A_832 = arith.select %eq3A_829, %reshape3A_824, %broadcast_in_dim3A_831 : vector<8x1024xi1>, vector<8x1024xf32>
    %reduce_min3A_833 = arith.constant dense<0x7F800000> : vector<1024xf32>
    %reduce_min3A_834 = vector.multi_reduction <minimumf>, %select_n3A_832, %reduce_min3A_833 [0] : vector<8x1024xf32> to vector<1024xf32>
    %broadcast_in_dim3A_835 = vector.shape_cast %reduce_min3A_834 : vector<1024xf32> to vector<1x1024xf32>
    %add3A_836 = arith.constant 4.096000e+03 : f32
    %add3A_837 = vector.broadcast %add3A_836 : f32 to vector<1x1024xf32>
    %add3A_838 = arith.addf %broadcast_in_dim3A_835, %add3A_837 : vector<1x1024xf32>
    %lt3A_839 = arith.cmpf olt, %broadcast_in_dim3A_827, %select_n3A_672 : vector<1x1024xf32>
    %select_n3A_840 = arith.select %lt3A_839, %broadcast_in_dim3A_827, %select_n3A_672 : vector<1x1024xi1>, vector<1x1024xf32>
    %select_n3A_841 = arith.select %lt3A_839, %add3A_838, %select_n3A_673 : vector<1x1024xi1>, vector<1x1024xf32>
    %get3A_842 = arith.constant 5120 : index
    %get3A_843 = arith.constant 0 : index
    %get3A_844 = vector.load %arg4[%get3A_842, %get3A_843] : memref<8192x64xf32, #tpu.memory_space<vmem>>, vector<1024x64xf32>
    %get3A_845 = arith.constant 5120 : index
    %get3A_846 = arith.constant 0 : index
    %get3A_847 = vector.load %arg5[%get3A_845, %get3A_846] : memref<8192x1xf32, #tpu.memory_space<vmem>>, vector<1024x1xf32>
    %dot_general3A_848 = arith.constant dense<0.000000e+00> : vector<1024x1024xf32>
    %dot_general3A_849 = tpu.matmul %get3A_844, %mul3A_5, %dot_general3A_848 {dimension_numbers = #tpu.dot_dimension_numbers<[1], [0], [0], [1], [0, 0, 1, 1], [], []>, transpose_lhs_hint = false} : vector<1024x64xf32>, vector<64x1024xf32>, vector<1024x1024xf32> -> vector<1024x1024xf32>
    %add3A_850 = vector.broadcast %get3A_10 : vector<1x1024xf32> to vector<1024x1024xf32>
    %add3A_851 = vector.broadcast %get3A_847 : vector<1024x1xf32> to vector<1024x1024xf32>
    %add3A_852 = arith.addf %add3A_850, %add3A_851 : vector<1024x1024xf32>
    %add3A_853 = arith.addf %add3A_852, %dot_general3A_849 : vector<1024x1024xf32>
    %rsqrt3A_854 = math.rsqrt %add3A_853 : vector<1024x1024xf32>
    %mul3A_855 = arith.mulf %add3A_853, %rsqrt3A_854 : vector<1024x1024xf32>
    %reshape3A_856 = vector.shape_cast %mul3A_855 : vector<1024x1024xf32> to vector<64x2x8x1024xf32>
    %reshape3A_857 = vector.shape_cast %convert_element_type3A : vector<1024x1xf32> to vector<64x2x8x1xf32>
    %slice3A_858 = vector.extract_strided_slice %reshape3A_856 {offsets = [0, 0, 0, 0], sizes = [64, 1, 8, 1024], strides = [1, 1, 1, 1]} : vector<64x2x8x1024xf32> to vector<64x1x8x1024xf32>
    %squeeze3A_859 = vector.shape_cast %slice3A_858 : vector<64x1x8x1024xf32> to vector<64x8x1024xf32>
    %slice3A_860 = vector.extract_strided_slice %reshape3A_856 {offsets = [0, 1, 0, 0], sizes = [64, 1, 8, 1024], strides = [1, 1, 1, 1]} : vector<64x2x8x1024xf32> to vector<64x1x8x1024xf32>
    %squeeze3A_861 = vector.shape_cast %slice3A_860 : vector<64x1x8x1024xf32> to vector<64x8x1024xf32>
    %le3A_862 = arith.cmpf ole, %squeeze3A_859, %squeeze3A_861 : vector<64x8x1024xf32>
    %slice3A_863 = vector.extract_strided_slice %reshape3A_856 {offsets = [0, 0, 0, 0], sizes = [64, 1, 8, 1024], strides = [1, 1, 1, 1]} : vector<64x2x8x1024xf32> to vector<64x1x8x1024xf32>
    %squeeze3A_864 = vector.shape_cast %slice3A_863 : vector<64x1x8x1024xf32> to vector<64x8x1024xf32>
    %slice3A_865 = vector.extract_strided_slice %reshape3A_856 {offsets = [0, 1, 0, 0], sizes = [64, 1, 8, 1024], strides = [1, 1, 1, 1]} : vector<64x2x8x1024xf32> to vector<64x1x8x1024xf32>
    %squeeze3A_866 = vector.shape_cast %slice3A_865 : vector<64x1x8x1024xf32> to vector<64x8x1024xf32>
    %select_n3A_867 = arith.select %le3A_862, %squeeze3A_864, %squeeze3A_866 : vector<64x8x1024xi1>, vector<64x8x1024xf32>
    %reshape3A_868 = vector.shape_cast %select_n3A_867 : vector<64x8x1024xf32> to vector<512x1024xf32>
    %slice3A_869 = vector.extract_strided_slice %reshape3A_857 {offsets = [0, 0, 0, 0], sizes = [64, 1, 8, 1], strides = [1, 1, 1, 1]} : vector<64x2x8x1xf32> to vector<64x1x8x1xf32>
    %squeeze3A_870 = vector.shape_cast %slice3A_869 : vector<64x1x8x1xf32> to vector<64x8x1xf32>
    %slice3A_871 = vector.extract_strided_slice %reshape3A_857 {offsets = [0, 1, 0, 0], sizes = [64, 1, 8, 1], strides = [1, 1, 1, 1]} : vector<64x2x8x1xf32> to vector<64x1x8x1xf32>
    %squeeze3A_872 = vector.shape_cast %slice3A_871 : vector<64x1x8x1xf32> to vector<64x8x1xf32>
    %broadcast_in_dim3A_873 = vector.shape_cast %squeeze3A_870 : vector<64x8x1xf32> to vector<64x8x1xf32>
    %broadcast_in_dim3A_874 = vector.broadcast %broadcast_in_dim3A_873 : vector<64x8x1xf32> to vector<64x8x1024xf32>
    %broadcast_in_dim3A_875 = vector.shape_cast %squeeze3A_872 : vector<64x8x1xf32> to vector<64x8x1xf32>
    %broadcast_in_dim3A_876 = vector.broadcast %broadcast_in_dim3A_875 : vector<64x8x1xf32> to vector<64x8x1024xf32>
    %select_n3A_877 = arith.select %le3A_862, %broadcast_in_dim3A_874, %broadcast_in_dim3A_876 : vector<64x8x1024xi1>, vector<64x8x1024xf32>
    %reshape3A_878 = vector.shape_cast %select_n3A_877 : vector<64x8x1024xf32> to vector<512x1024xf32>
    %reshape3A_879 = vector.shape_cast %reshape3A_868 : vector<512x1024xf32> to vector<32x2x8x1024xf32>
    %reshape3A_880 = vector.shape_cast %reshape3A_878 : vector<512x1024xf32> to vector<32x2x8x1024xf32>
    %slice3A_881 = vector.extract_strided_slice %reshape3A_879 {offsets = [0, 0, 0, 0], sizes = [32, 1, 8, 1024], strides = [1, 1, 1, 1]} : vector<32x2x8x1024xf32> to vector<32x1x8x1024xf32>
    %squeeze3A_882 = vector.shape_cast %slice3A_881 : vector<32x1x8x1024xf32> to vector<32x8x1024xf32>
    %slice3A_883 = vector.extract_strided_slice %reshape3A_879 {offsets = [0, 1, 0, 0], sizes = [32, 1, 8, 1024], strides = [1, 1, 1, 1]} : vector<32x2x8x1024xf32> to vector<32x1x8x1024xf32>
    %squeeze3A_884 = vector.shape_cast %slice3A_883 : vector<32x1x8x1024xf32> to vector<32x8x1024xf32>
    %le3A_885 = arith.cmpf ole, %squeeze3A_882, %squeeze3A_884 : vector<32x8x1024xf32>
    %slice3A_886 = vector.extract_strided_slice %reshape3A_879 {offsets = [0, 0, 0, 0], sizes = [32, 1, 8, 1024], strides = [1, 1, 1, 1]} : vector<32x2x8x1024xf32> to vector<32x1x8x1024xf32>
    %squeeze3A_887 = vector.shape_cast %slice3A_886 : vector<32x1x8x1024xf32> to vector<32x8x1024xf32>
    %slice3A_888 = vector.extract_strided_slice %reshape3A_879 {offsets = [0, 1, 0, 0], sizes = [32, 1, 8, 1024], strides = [1, 1, 1, 1]} : vector<32x2x8x1024xf32> to vector<32x1x8x1024xf32>
    %squeeze3A_889 = vector.shape_cast %slice3A_888 : vector<32x1x8x1024xf32> to vector<32x8x1024xf32>
    %select_n3A_890 = arith.select %le3A_885, %squeeze3A_887, %squeeze3A_889 : vector<32x8x1024xi1>, vector<32x8x1024xf32>
    %reshape3A_891 = vector.shape_cast %select_n3A_890 : vector<32x8x1024xf32> to vector<256x1024xf32>
    %slice3A_892 = vector.extract_strided_slice %reshape3A_880 {offsets = [0, 0, 0, 0], sizes = [32, 1, 8, 1024], strides = [1, 1, 1, 1]} : vector<32x2x8x1024xf32> to vector<32x1x8x1024xf32>
    %squeeze3A_893 = vector.shape_cast %slice3A_892 : vector<32x1x8x1024xf32> to vector<32x8x1024xf32>
    %slice3A_894 = vector.extract_strided_slice %reshape3A_880 {offsets = [0, 1, 0, 0], sizes = [32, 1, 8, 1024], strides = [1, 1, 1, 1]} : vector<32x2x8x1024xf32> to vector<32x1x8x1024xf32>
    %squeeze3A_895 = vector.shape_cast %slice3A_894 : vector<32x1x8x1024xf32> to vector<32x8x1024xf32>
    %select_n3A_896 = arith.select %le3A_885, %squeeze3A_893, %squeeze3A_895 : vector<32x8x1024xi1>, vector<32x8x1024xf32>
    %reshape3A_897 = vector.shape_cast %select_n3A_896 : vector<32x8x1024xf32> to vector<256x1024xf32>
    %reshape3A_898 = vector.shape_cast %reshape3A_891 : vector<256x1024xf32> to vector<16x2x8x1024xf32>
    %reshape3A_899 = vector.shape_cast %reshape3A_897 : vector<256x1024xf32> to vector<16x2x8x1024xf32>
    %slice3A_900 = vector.extract_strided_slice %reshape3A_898 {offsets = [0, 0, 0, 0], sizes = [16, 1, 8, 1024], strides = [1, 1, 1, 1]} : vector<16x2x8x1024xf32> to vector<16x1x8x1024xf32>
    %squeeze3A_901 = vector.shape_cast %slice3A_900 : vector<16x1x8x1024xf32> to vector<16x8x1024xf32>
    %slice3A_902 = vector.extract_strided_slice %reshape3A_898 {offsets = [0, 1, 0, 0], sizes = [16, 1, 8, 1024], strides = [1, 1, 1, 1]} : vector<16x2x8x1024xf32> to vector<16x1x8x1024xf32>
    %squeeze3A_903 = vector.shape_cast %slice3A_902 : vector<16x1x8x1024xf32> to vector<16x8x1024xf32>
    %le3A_904 = arith.cmpf ole, %squeeze3A_901, %squeeze3A_903 : vector<16x8x1024xf32>
    %slice3A_905 = vector.extract_strided_slice %reshape3A_898 {offsets = [0, 0, 0, 0], sizes = [16, 1, 8, 1024], strides = [1, 1, 1, 1]} : vector<16x2x8x1024xf32> to vector<16x1x8x1024xf32>
    %squeeze3A_906 = vector.shape_cast %slice3A_905 : vector<16x1x8x1024xf32> to vector<16x8x1024xf32>
    %slice3A_907 = vector.extract_strided_slice %reshape3A_898 {offsets = [0, 1, 0, 0], sizes = [16, 1, 8, 1024], strides = [1, 1, 1, 1]} : vector<16x2x8x1024xf32> to vector<16x1x8x1024xf32>
    %squeeze3A_908 = vector.shape_cast %slice3A_907 : vector<16x1x8x1024xf32> to vector<16x8x1024xf32>
    %select_n3A_909 = arith.select %le3A_904, %squeeze3A_906, %squeeze3A_908 : vector<16x8x1024xi1>, vector<16x8x1024xf32>
    %reshape3A_910 = vector.shape_cast %select_n3A_909 : vector<16x8x1024xf32> to vector<128x1024xf32>
    %slice3A_911 = vector.extract_strided_slice %reshape3A_899 {offsets = [0, 0, 0, 0], sizes = [16, 1, 8, 1024], strides = [1, 1, 1, 1]} : vector<16x2x8x1024xf32> to vector<16x1x8x1024xf32>
    %squeeze3A_912 = vector.shape_cast %slice3A_911 : vector<16x1x8x1024xf32> to vector<16x8x1024xf32>
    %slice3A_913 = vector.extract_strided_slice %reshape3A_899 {offsets = [0, 1, 0, 0], sizes = [16, 1, 8, 1024], strides = [1, 1, 1, 1]} : vector<16x2x8x1024xf32> to vector<16x1x8x1024xf32>
    %squeeze3A_914 = vector.shape_cast %slice3A_913 : vector<16x1x8x1024xf32> to vector<16x8x1024xf32>
    %select_n3A_915 = arith.select %le3A_904, %squeeze3A_912, %squeeze3A_914 : vector<16x8x1024xi1>, vector<16x8x1024xf32>
    %reshape3A_916 = vector.shape_cast %select_n3A_915 : vector<16x8x1024xf32> to vector<128x1024xf32>
    %reshape3A_917 = vector.shape_cast %reshape3A_910 : vector<128x1024xf32> to vector<8x2x8x1024xf32>
    %reshape3A_918 = vector.shape_cast %reshape3A_916 : vector<128x1024xf32> to vector<8x2x8x1024xf32>
    %slice3A_919 = vector.extract_strided_slice %reshape3A_917 {offsets = [0, 0, 0, 0], sizes = [8, 1, 8, 1024], strides = [1, 1, 1, 1]} : vector<8x2x8x1024xf32> to vector<8x1x8x1024xf32>
    %squeeze3A_920 = vector.shape_cast %slice3A_919 : vector<8x1x8x1024xf32> to vector<8x8x1024xf32>
    %slice3A_921 = vector.extract_strided_slice %reshape3A_917 {offsets = [0, 1, 0, 0], sizes = [8, 1, 8, 1024], strides = [1, 1, 1, 1]} : vector<8x2x8x1024xf32> to vector<8x1x8x1024xf32>
    %squeeze3A_922 = vector.shape_cast %slice3A_921 : vector<8x1x8x1024xf32> to vector<8x8x1024xf32>
    %le3A_923 = arith.cmpf ole, %squeeze3A_920, %squeeze3A_922 : vector<8x8x1024xf32>
    %slice3A_924 = vector.extract_strided_slice %reshape3A_917 {offsets = [0, 0, 0, 0], sizes = [8, 1, 8, 1024], strides = [1, 1, 1, 1]} : vector<8x2x8x1024xf32> to vector<8x1x8x1024xf32>
    %squeeze3A_925 = vector.shape_cast %slice3A_924 : vector<8x1x8x1024xf32> to vector<8x8x1024xf32>
    %slice3A_926 = vector.extract_strided_slice %reshape3A_917 {offsets = [0, 1, 0, 0], sizes = [8, 1, 8, 1024], strides = [1, 1, 1, 1]} : vector<8x2x8x1024xf32> to vector<8x1x8x1024xf32>
    %squeeze3A_927 = vector.shape_cast %slice3A_926 : vector<8x1x8x1024xf32> to vector<8x8x1024xf32>
    %select_n3A_928 = arith.select %le3A_923, %squeeze3A_925, %squeeze3A_927 : vector<8x8x1024xi1>, vector<8x8x1024xf32>
    %reshape3A_929 = vector.shape_cast %select_n3A_928 : vector<8x8x1024xf32> to vector<64x1024xf32>
    %slice3A_930 = vector.extract_strided_slice %reshape3A_918 {offsets = [0, 0, 0, 0], sizes = [8, 1, 8, 1024], strides = [1, 1, 1, 1]} : vector<8x2x8x1024xf32> to vector<8x1x8x1024xf32>
    %squeeze3A_931 = vector.shape_cast %slice3A_930 : vector<8x1x8x1024xf32> to vector<8x8x1024xf32>
    %slice3A_932 = vector.extract_strided_slice %reshape3A_918 {offsets = [0, 1, 0, 0], sizes = [8, 1, 8, 1024], strides = [1, 1, 1, 1]} : vector<8x2x8x1024xf32> to vector<8x1x8x1024xf32>
    %squeeze3A_933 = vector.shape_cast %slice3A_932 : vector<8x1x8x1024xf32> to vector<8x8x1024xf32>
    %select_n3A_934 = arith.select %le3A_923, %squeeze3A_931, %squeeze3A_933 : vector<8x8x1024xi1>, vector<8x8x1024xf32>
    %reshape3A_935 = vector.shape_cast %select_n3A_934 : vector<8x8x1024xf32> to vector<64x1024xf32>
    %reshape3A_936 = vector.shape_cast %reshape3A_929 : vector<64x1024xf32> to vector<4x2x8x1024xf32>
    %reshape3A_937 = vector.shape_cast %reshape3A_935 : vector<64x1024xf32> to vector<4x2x8x1024xf32>
    %slice3A_938 = vector.extract_strided_slice %reshape3A_936 {offsets = [0, 0, 0, 0], sizes = [4, 1, 8, 1024], strides = [1, 1, 1, 1]} : vector<4x2x8x1024xf32> to vector<4x1x8x1024xf32>
    %squeeze3A_939 = vector.shape_cast %slice3A_938 : vector<4x1x8x1024xf32> to vector<4x8x1024xf32>
    %slice3A_940 = vector.extract_strided_slice %reshape3A_936 {offsets = [0, 1, 0, 0], sizes = [4, 1, 8, 1024], strides = [1, 1, 1, 1]} : vector<4x2x8x1024xf32> to vector<4x1x8x1024xf32>
    %squeeze3A_941 = vector.shape_cast %slice3A_940 : vector<4x1x8x1024xf32> to vector<4x8x1024xf32>
    %le3A_942 = arith.cmpf ole, %squeeze3A_939, %squeeze3A_941 : vector<4x8x1024xf32>
    %slice3A_943 = vector.extract_strided_slice %reshape3A_936 {offsets = [0, 0, 0, 0], sizes = [4, 1, 8, 1024], strides = [1, 1, 1, 1]} : vector<4x2x8x1024xf32> to vector<4x1x8x1024xf32>
    %squeeze3A_944 = vector.shape_cast %slice3A_943 : vector<4x1x8x1024xf32> to vector<4x8x1024xf32>
    %slice3A_945 = vector.extract_strided_slice %reshape3A_936 {offsets = [0, 1, 0, 0], sizes = [4, 1, 8, 1024], strides = [1, 1, 1, 1]} : vector<4x2x8x1024xf32> to vector<4x1x8x1024xf32>
    %squeeze3A_946 = vector.shape_cast %slice3A_945 : vector<4x1x8x1024xf32> to vector<4x8x1024xf32>
    %select_n3A_947 = arith.select %le3A_942, %squeeze3A_944, %squeeze3A_946 : vector<4x8x1024xi1>, vector<4x8x1024xf32>
    %reshape3A_948 = vector.shape_cast %select_n3A_947 : vector<4x8x1024xf32> to vector<32x1024xf32>
    %slice3A_949 = vector.extract_strided_slice %reshape3A_937 {offsets = [0, 0, 0, 0], sizes = [4, 1, 8, 1024], strides = [1, 1, 1, 1]} : vector<4x2x8x1024xf32> to vector<4x1x8x1024xf32>
    %squeeze3A_950 = vector.shape_cast %slice3A_949 : vector<4x1x8x1024xf32> to vector<4x8x1024xf32>
    %slice3A_951 = vector.extract_strided_slice %reshape3A_937 {offsets = [0, 1, 0, 0], sizes = [4, 1, 8, 1024], strides = [1, 1, 1, 1]} : vector<4x2x8x1024xf32> to vector<4x1x8x1024xf32>
    %squeeze3A_952 = vector.shape_cast %slice3A_951 : vector<4x1x8x1024xf32> to vector<4x8x1024xf32>
    %select_n3A_953 = arith.select %le3A_942, %squeeze3A_950, %squeeze3A_952 : vector<4x8x1024xi1>, vector<4x8x1024xf32>
    %reshape3A_954 = vector.shape_cast %select_n3A_953 : vector<4x8x1024xf32> to vector<32x1024xf32>
    %reshape3A_955 = vector.shape_cast %reshape3A_948 : vector<32x1024xf32> to vector<2x2x8x1024xf32>
    %reshape3A_956 = vector.shape_cast %reshape3A_954 : vector<32x1024xf32> to vector<2x2x8x1024xf32>
    %slice3A_957 = vector.extract_strided_slice %reshape3A_955 {offsets = [0, 0, 0, 0], sizes = [2, 1, 8, 1024], strides = [1, 1, 1, 1]} : vector<2x2x8x1024xf32> to vector<2x1x8x1024xf32>
    %squeeze3A_958 = vector.shape_cast %slice3A_957 : vector<2x1x8x1024xf32> to vector<2x8x1024xf32>
    %slice3A_959 = vector.extract_strided_slice %reshape3A_955 {offsets = [0, 1, 0, 0], sizes = [2, 1, 8, 1024], strides = [1, 1, 1, 1]} : vector<2x2x8x1024xf32> to vector<2x1x8x1024xf32>
    %squeeze3A_960 = vector.shape_cast %slice3A_959 : vector<2x1x8x1024xf32> to vector<2x8x1024xf32>
    %le3A_961 = arith.cmpf ole, %squeeze3A_958, %squeeze3A_960 : vector<2x8x1024xf32>
    %slice3A_962 = vector.extract_strided_slice %reshape3A_955 {offsets = [0, 0, 0, 0], sizes = [2, 1, 8, 1024], strides = [1, 1, 1, 1]} : vector<2x2x8x1024xf32> to vector<2x1x8x1024xf32>
    %squeeze3A_963 = vector.shape_cast %slice3A_962 : vector<2x1x8x1024xf32> to vector<2x8x1024xf32>
    %slice3A_964 = vector.extract_strided_slice %reshape3A_955 {offsets = [0, 1, 0, 0], sizes = [2, 1, 8, 1024], strides = [1, 1, 1, 1]} : vector<2x2x8x1024xf32> to vector<2x1x8x1024xf32>
    %squeeze3A_965 = vector.shape_cast %slice3A_964 : vector<2x1x8x1024xf32> to vector<2x8x1024xf32>
    %select_n3A_966 = arith.select %le3A_961, %squeeze3A_963, %squeeze3A_965 : vector<2x8x1024xi1>, vector<2x8x1024xf32>
    %reshape3A_967 = vector.shape_cast %select_n3A_966 : vector<2x8x1024xf32> to vector<16x1024xf32>
    %slice3A_968 = vector.extract_strided_slice %reshape3A_956 {offsets = [0, 0, 0, 0], sizes = [2, 1, 8, 1024], strides = [1, 1, 1, 1]} : vector<2x2x8x1024xf32> to vector<2x1x8x1024xf32>
    %squeeze3A_969 = vector.shape_cast %slice3A_968 : vector<2x1x8x1024xf32> to vector<2x8x1024xf32>
    %slice3A_970 = vector.extract_strided_slice %reshape3A_956 {offsets = [0, 1, 0, 0], sizes = [2, 1, 8, 1024], strides = [1, 1, 1, 1]} : vector<2x2x8x1024xf32> to vector<2x1x8x1024xf32>
    %squeeze3A_971 = vector.shape_cast %slice3A_970 : vector<2x1x8x1024xf32> to vector<2x8x1024xf32>
    %select_n3A_972 = arith.select %le3A_961, %squeeze3A_969, %squeeze3A_971 : vector<2x8x1024xi1>, vector<2x8x1024xf32>
    %reshape3A_973 = vector.shape_cast %select_n3A_972 : vector<2x8x1024xf32> to vector<16x1024xf32>
    %reshape3A_974 = vector.shape_cast %reshape3A_967 : vector<16x1024xf32> to vector<1x2x8x1024xf32>
    %reshape3A_975 = vector.shape_cast %reshape3A_973 : vector<16x1024xf32> to vector<1x2x8x1024xf32>
    %slice3A_976 = vector.extract_strided_slice %reshape3A_974 {offsets = [0, 0, 0, 0], sizes = [1, 1, 8, 1024], strides = [1, 1, 1, 1]} : vector<1x2x8x1024xf32> to vector<1x1x8x1024xf32>
    %squeeze3A_977 = vector.shape_cast %slice3A_976 : vector<1x1x8x1024xf32> to vector<1x8x1024xf32>
    %slice3A_978 = vector.extract_strided_slice %reshape3A_974 {offsets = [0, 1, 0, 0], sizes = [1, 1, 8, 1024], strides = [1, 1, 1, 1]} : vector<1x2x8x1024xf32> to vector<1x1x8x1024xf32>
    %squeeze3A_979 = vector.shape_cast %slice3A_978 : vector<1x1x8x1024xf32> to vector<1x8x1024xf32>
    %le3A_980 = arith.cmpf ole, %squeeze3A_977, %squeeze3A_979 : vector<1x8x1024xf32>
    %slice3A_981 = vector.extract_strided_slice %reshape3A_974 {offsets = [0, 0, 0, 0], sizes = [1, 1, 8, 1024], strides = [1, 1, 1, 1]} : vector<1x2x8x1024xf32> to vector<1x1x8x1024xf32>
    %squeeze3A_982 = vector.shape_cast %slice3A_981 : vector<1x1x8x1024xf32> to vector<1x8x1024xf32>
    %slice3A_983 = vector.extract_strided_slice %reshape3A_974 {offsets = [0, 1, 0, 0], sizes = [1, 1, 8, 1024], strides = [1, 1, 1, 1]} : vector<1x2x8x1024xf32> to vector<1x1x8x1024xf32>
    %squeeze3A_984 = vector.shape_cast %slice3A_983 : vector<1x1x8x1024xf32> to vector<1x8x1024xf32>
    %select_n3A_985 = arith.select %le3A_980, %squeeze3A_982, %squeeze3A_984 : vector<1x8x1024xi1>, vector<1x8x1024xf32>
    %reshape3A_986 = vector.shape_cast %select_n3A_985 : vector<1x8x1024xf32> to vector<8x1024xf32>
    %slice3A_987 = vector.extract_strided_slice %reshape3A_975 {offsets = [0, 0, 0, 0], sizes = [1, 1, 8, 1024], strides = [1, 1, 1, 1]} : vector<1x2x8x1024xf32> to vector<1x1x8x1024xf32>
    %squeeze3A_988 = vector.shape_cast %slice3A_987 : vector<1x1x8x1024xf32> to vector<1x8x1024xf32>
    %slice3A_989 = vector.extract_strided_slice %reshape3A_975 {offsets = [0, 1, 0, 0], sizes = [1, 1, 8, 1024], strides = [1, 1, 1, 1]} : vector<1x2x8x1024xf32> to vector<1x1x8x1024xf32>
    %squeeze3A_990 = vector.shape_cast %slice3A_989 : vector<1x1x8x1024xf32> to vector<1x8x1024xf32>
    %select_n3A_991 = arith.select %le3A_980, %squeeze3A_988, %squeeze3A_990 : vector<1x8x1024xi1>, vector<1x8x1024xf32>
    %reshape3A_992 = vector.shape_cast %select_n3A_991 : vector<1x8x1024xf32> to vector<8x1024xf32>
    %reduce_min3A_993 = arith.constant dense<0x7F800000> : vector<1024xf32>
    %reduce_min3A_994 = vector.multi_reduction <minimumf>, %reshape3A_986, %reduce_min3A_993 [0] : vector<8x1024xf32> to vector<1024xf32>
    %broadcast_in_dim3A_995 = vector.shape_cast %reduce_min3A_994 : vector<1024xf32> to vector<1x1024xf32>
    %eq3A_996 = vector.broadcast %broadcast_in_dim3A_995 : vector<1x1024xf32> to vector<8x1024xf32>
    %eq3A_997 = arith.cmpf oeq, %reshape3A_986, %eq3A_996 : vector<8x1024xf32>
    %jit3A_998 = arith.constant 3.000000e+38 : f32
    %broadcast_in_dim3A_999 = vector.broadcast %jit3A_998 : f32 to vector<8x1024xf32>
    %select_n3A_1000 = arith.select %eq3A_997, %reshape3A_992, %broadcast_in_dim3A_999 : vector<8x1024xi1>, vector<8x1024xf32>
    %reduce_min3A_1001 = arith.constant dense<0x7F800000> : vector<1024xf32>
    %reduce_min3A_1002 = vector.multi_reduction <minimumf>, %select_n3A_1000, %reduce_min3A_1001 [0] : vector<8x1024xf32> to vector<1024xf32>
    %broadcast_in_dim3A_1003 = vector.shape_cast %reduce_min3A_1002 : vector<1024xf32> to vector<1x1024xf32>
    %add3A_1004 = arith.constant 5.120000e+03 : f32
    %add3A_1005 = vector.broadcast %add3A_1004 : f32 to vector<1x1024xf32>
    %add3A_1006 = arith.addf %broadcast_in_dim3A_1003, %add3A_1005 : vector<1x1024xf32>
    %lt3A_1007 = arith.cmpf olt, %broadcast_in_dim3A_995, %select_n3A_840 : vector<1x1024xf32>
    %select_n3A_1008 = arith.select %lt3A_1007, %broadcast_in_dim3A_995, %select_n3A_840 : vector<1x1024xi1>, vector<1x1024xf32>
    %select_n3A_1009 = arith.select %lt3A_1007, %add3A_1006, %select_n3A_841 : vector<1x1024xi1>, vector<1x1024xf32>
    %get3A_1010 = arith.constant 6144 : index
    %get3A_1011 = arith.constant 0 : index
    %get3A_1012 = vector.load %arg4[%get3A_1010, %get3A_1011] : memref<8192x64xf32, #tpu.memory_space<vmem>>, vector<1024x64xf32>
    %get3A_1013 = arith.constant 6144 : index
    %get3A_1014 = arith.constant 0 : index
    %get3A_1015 = vector.load %arg5[%get3A_1013, %get3A_1014] : memref<8192x1xf32, #tpu.memory_space<vmem>>, vector<1024x1xf32>
    %dot_general3A_1016 = arith.constant dense<0.000000e+00> : vector<1024x1024xf32>
    %dot_general3A_1017 = tpu.matmul %get3A_1012, %mul3A_5, %dot_general3A_1016 {dimension_numbers = #tpu.dot_dimension_numbers<[1], [0], [0], [1], [0, 0, 1, 1], [], []>, transpose_lhs_hint = false} : vector<1024x64xf32>, vector<64x1024xf32>, vector<1024x1024xf32> -> vector<1024x1024xf32>
    %add3A_1018 = vector.broadcast %get3A_10 : vector<1x1024xf32> to vector<1024x1024xf32>
    %add3A_1019 = vector.broadcast %get3A_1015 : vector<1024x1xf32> to vector<1024x1024xf32>
    %add3A_1020 = arith.addf %add3A_1018, %add3A_1019 : vector<1024x1024xf32>
    %add3A_1021 = arith.addf %add3A_1020, %dot_general3A_1017 : vector<1024x1024xf32>
    %rsqrt3A_1022 = math.rsqrt %add3A_1021 : vector<1024x1024xf32>
    %mul3A_1023 = arith.mulf %add3A_1021, %rsqrt3A_1022 : vector<1024x1024xf32>
    %reshape3A_1024 = vector.shape_cast %mul3A_1023 : vector<1024x1024xf32> to vector<64x2x8x1024xf32>
    %reshape3A_1025 = vector.shape_cast %convert_element_type3A : vector<1024x1xf32> to vector<64x2x8x1xf32>
    %slice3A_1026 = vector.extract_strided_slice %reshape3A_1024 {offsets = [0, 0, 0, 0], sizes = [64, 1, 8, 1024], strides = [1, 1, 1, 1]} : vector<64x2x8x1024xf32> to vector<64x1x8x1024xf32>
    %squeeze3A_1027 = vector.shape_cast %slice3A_1026 : vector<64x1x8x1024xf32> to vector<64x8x1024xf32>
    %slice3A_1028 = vector.extract_strided_slice %reshape3A_1024 {offsets = [0, 1, 0, 0], sizes = [64, 1, 8, 1024], strides = [1, 1, 1, 1]} : vector<64x2x8x1024xf32> to vector<64x1x8x1024xf32>
    %squeeze3A_1029 = vector.shape_cast %slice3A_1028 : vector<64x1x8x1024xf32> to vector<64x8x1024xf32>
    %le3A_1030 = arith.cmpf ole, %squeeze3A_1027, %squeeze3A_1029 : vector<64x8x1024xf32>
    %slice3A_1031 = vector.extract_strided_slice %reshape3A_1024 {offsets = [0, 0, 0, 0], sizes = [64, 1, 8, 1024], strides = [1, 1, 1, 1]} : vector<64x2x8x1024xf32> to vector<64x1x8x1024xf32>
    %squeeze3A_1032 = vector.shape_cast %slice3A_1031 : vector<64x1x8x1024xf32> to vector<64x8x1024xf32>
    %slice3A_1033 = vector.extract_strided_slice %reshape3A_1024 {offsets = [0, 1, 0, 0], sizes = [64, 1, 8, 1024], strides = [1, 1, 1, 1]} : vector<64x2x8x1024xf32> to vector<64x1x8x1024xf32>
    %squeeze3A_1034 = vector.shape_cast %slice3A_1033 : vector<64x1x8x1024xf32> to vector<64x8x1024xf32>
    %select_n3A_1035 = arith.select %le3A_1030, %squeeze3A_1032, %squeeze3A_1034 : vector<64x8x1024xi1>, vector<64x8x1024xf32>
    %reshape3A_1036 = vector.shape_cast %select_n3A_1035 : vector<64x8x1024xf32> to vector<512x1024xf32>
    %slice3A_1037 = vector.extract_strided_slice %reshape3A_1025 {offsets = [0, 0, 0, 0], sizes = [64, 1, 8, 1], strides = [1, 1, 1, 1]} : vector<64x2x8x1xf32> to vector<64x1x8x1xf32>
    %squeeze3A_1038 = vector.shape_cast %slice3A_1037 : vector<64x1x8x1xf32> to vector<64x8x1xf32>
    %slice3A_1039 = vector.extract_strided_slice %reshape3A_1025 {offsets = [0, 1, 0, 0], sizes = [64, 1, 8, 1], strides = [1, 1, 1, 1]} : vector<64x2x8x1xf32> to vector<64x1x8x1xf32>
    %squeeze3A_1040 = vector.shape_cast %slice3A_1039 : vector<64x1x8x1xf32> to vector<64x8x1xf32>
    %broadcast_in_dim3A_1041 = vector.shape_cast %squeeze3A_1038 : vector<64x8x1xf32> to vector<64x8x1xf32>
    %broadcast_in_dim3A_1042 = vector.broadcast %broadcast_in_dim3A_1041 : vector<64x8x1xf32> to vector<64x8x1024xf32>
    %broadcast_in_dim3A_1043 = vector.shape_cast %squeeze3A_1040 : vector<64x8x1xf32> to vector<64x8x1xf32>
    %broadcast_in_dim3A_1044 = vector.broadcast %broadcast_in_dim3A_1043 : vector<64x8x1xf32> to vector<64x8x1024xf32>
    %select_n3A_1045 = arith.select %le3A_1030, %broadcast_in_dim3A_1042, %broadcast_in_dim3A_1044 : vector<64x8x1024xi1>, vector<64x8x1024xf32>
    %reshape3A_1046 = vector.shape_cast %select_n3A_1045 : vector<64x8x1024xf32> to vector<512x1024xf32>
    %reshape3A_1047 = vector.shape_cast %reshape3A_1036 : vector<512x1024xf32> to vector<32x2x8x1024xf32>
    %reshape3A_1048 = vector.shape_cast %reshape3A_1046 : vector<512x1024xf32> to vector<32x2x8x1024xf32>
    %slice3A_1049 = vector.extract_strided_slice %reshape3A_1047 {offsets = [0, 0, 0, 0], sizes = [32, 1, 8, 1024], strides = [1, 1, 1, 1]} : vector<32x2x8x1024xf32> to vector<32x1x8x1024xf32>
    %squeeze3A_1050 = vector.shape_cast %slice3A_1049 : vector<32x1x8x1024xf32> to vector<32x8x1024xf32>
    %slice3A_1051 = vector.extract_strided_slice %reshape3A_1047 {offsets = [0, 1, 0, 0], sizes = [32, 1, 8, 1024], strides = [1, 1, 1, 1]} : vector<32x2x8x1024xf32> to vector<32x1x8x1024xf32>
    %squeeze3A_1052 = vector.shape_cast %slice3A_1051 : vector<32x1x8x1024xf32> to vector<32x8x1024xf32>
    %le3A_1053 = arith.cmpf ole, %squeeze3A_1050, %squeeze3A_1052 : vector<32x8x1024xf32>
    %slice3A_1054 = vector.extract_strided_slice %reshape3A_1047 {offsets = [0, 0, 0, 0], sizes = [32, 1, 8, 1024], strides = [1, 1, 1, 1]} : vector<32x2x8x1024xf32> to vector<32x1x8x1024xf32>
    %squeeze3A_1055 = vector.shape_cast %slice3A_1054 : vector<32x1x8x1024xf32> to vector<32x8x1024xf32>
    %slice3A_1056 = vector.extract_strided_slice %reshape3A_1047 {offsets = [0, 1, 0, 0], sizes = [32, 1, 8, 1024], strides = [1, 1, 1, 1]} : vector<32x2x8x1024xf32> to vector<32x1x8x1024xf32>
    %squeeze3A_1057 = vector.shape_cast %slice3A_1056 : vector<32x1x8x1024xf32> to vector<32x8x1024xf32>
    %select_n3A_1058 = arith.select %le3A_1053, %squeeze3A_1055, %squeeze3A_1057 : vector<32x8x1024xi1>, vector<32x8x1024xf32>
    %reshape3A_1059 = vector.shape_cast %select_n3A_1058 : vector<32x8x1024xf32> to vector<256x1024xf32>
    %slice3A_1060 = vector.extract_strided_slice %reshape3A_1048 {offsets = [0, 0, 0, 0], sizes = [32, 1, 8, 1024], strides = [1, 1, 1, 1]} : vector<32x2x8x1024xf32> to vector<32x1x8x1024xf32>
    %squeeze3A_1061 = vector.shape_cast %slice3A_1060 : vector<32x1x8x1024xf32> to vector<32x8x1024xf32>
    %slice3A_1062 = vector.extract_strided_slice %reshape3A_1048 {offsets = [0, 1, 0, 0], sizes = [32, 1, 8, 1024], strides = [1, 1, 1, 1]} : vector<32x2x8x1024xf32> to vector<32x1x8x1024xf32>
    %squeeze3A_1063 = vector.shape_cast %slice3A_1062 : vector<32x1x8x1024xf32> to vector<32x8x1024xf32>
    %select_n3A_1064 = arith.select %le3A_1053, %squeeze3A_1061, %squeeze3A_1063 : vector<32x8x1024xi1>, vector<32x8x1024xf32>
    %reshape3A_1065 = vector.shape_cast %select_n3A_1064 : vector<32x8x1024xf32> to vector<256x1024xf32>
    %reshape3A_1066 = vector.shape_cast %reshape3A_1059 : vector<256x1024xf32> to vector<16x2x8x1024xf32>
    %reshape3A_1067 = vector.shape_cast %reshape3A_1065 : vector<256x1024xf32> to vector<16x2x8x1024xf32>
    %slice3A_1068 = vector.extract_strided_slice %reshape3A_1066 {offsets = [0, 0, 0, 0], sizes = [16, 1, 8, 1024], strides = [1, 1, 1, 1]} : vector<16x2x8x1024xf32> to vector<16x1x8x1024xf32>
    %squeeze3A_1069 = vector.shape_cast %slice3A_1068 : vector<16x1x8x1024xf32> to vector<16x8x1024xf32>
    %slice3A_1070 = vector.extract_strided_slice %reshape3A_1066 {offsets = [0, 1, 0, 0], sizes = [16, 1, 8, 1024], strides = [1, 1, 1, 1]} : vector<16x2x8x1024xf32> to vector<16x1x8x1024xf32>
    %squeeze3A_1071 = vector.shape_cast %slice3A_1070 : vector<16x1x8x1024xf32> to vector<16x8x1024xf32>
    %le3A_1072 = arith.cmpf ole, %squeeze3A_1069, %squeeze3A_1071 : vector<16x8x1024xf32>
    %slice3A_1073 = vector.extract_strided_slice %reshape3A_1066 {offsets = [0, 0, 0, 0], sizes = [16, 1, 8, 1024], strides = [1, 1, 1, 1]} : vector<16x2x8x1024xf32> to vector<16x1x8x1024xf32>
    %squeeze3A_1074 = vector.shape_cast %slice3A_1073 : vector<16x1x8x1024xf32> to vector<16x8x1024xf32>
    %slice3A_1075 = vector.extract_strided_slice %reshape3A_1066 {offsets = [0, 1, 0, 0], sizes = [16, 1, 8, 1024], strides = [1, 1, 1, 1]} : vector<16x2x8x1024xf32> to vector<16x1x8x1024xf32>
    %squeeze3A_1076 = vector.shape_cast %slice3A_1075 : vector<16x1x8x1024xf32> to vector<16x8x1024xf32>
    %select_n3A_1077 = arith.select %le3A_1072, %squeeze3A_1074, %squeeze3A_1076 : vector<16x8x1024xi1>, vector<16x8x1024xf32>
    %reshape3A_1078 = vector.shape_cast %select_n3A_1077 : vector<16x8x1024xf32> to vector<128x1024xf32>
    %slice3A_1079 = vector.extract_strided_slice %reshape3A_1067 {offsets = [0, 0, 0, 0], sizes = [16, 1, 8, 1024], strides = [1, 1, 1, 1]} : vector<16x2x8x1024xf32> to vector<16x1x8x1024xf32>
    %squeeze3A_1080 = vector.shape_cast %slice3A_1079 : vector<16x1x8x1024xf32> to vector<16x8x1024xf32>
    %slice3A_1081 = vector.extract_strided_slice %reshape3A_1067 {offsets = [0, 1, 0, 0], sizes = [16, 1, 8, 1024], strides = [1, 1, 1, 1]} : vector<16x2x8x1024xf32> to vector<16x1x8x1024xf32>
    %squeeze3A_1082 = vector.shape_cast %slice3A_1081 : vector<16x1x8x1024xf32> to vector<16x8x1024xf32>
    %select_n3A_1083 = arith.select %le3A_1072, %squeeze3A_1080, %squeeze3A_1082 : vector<16x8x1024xi1>, vector<16x8x1024xf32>
    %reshape3A_1084 = vector.shape_cast %select_n3A_1083 : vector<16x8x1024xf32> to vector<128x1024xf32>
    %reshape3A_1085 = vector.shape_cast %reshape3A_1078 : vector<128x1024xf32> to vector<8x2x8x1024xf32>
    %reshape3A_1086 = vector.shape_cast %reshape3A_1084 : vector<128x1024xf32> to vector<8x2x8x1024xf32>
    %slice3A_1087 = vector.extract_strided_slice %reshape3A_1085 {offsets = [0, 0, 0, 0], sizes = [8, 1, 8, 1024], strides = [1, 1, 1, 1]} : vector<8x2x8x1024xf32> to vector<8x1x8x1024xf32>
    %squeeze3A_1088 = vector.shape_cast %slice3A_1087 : vector<8x1x8x1024xf32> to vector<8x8x1024xf32>
    %slice3A_1089 = vector.extract_strided_slice %reshape3A_1085 {offsets = [0, 1, 0, 0], sizes = [8, 1, 8, 1024], strides = [1, 1, 1, 1]} : vector<8x2x8x1024xf32> to vector<8x1x8x1024xf32>
    %squeeze3A_1090 = vector.shape_cast %slice3A_1089 : vector<8x1x8x1024xf32> to vector<8x8x1024xf32>
    %le3A_1091 = arith.cmpf ole, %squeeze3A_1088, %squeeze3A_1090 : vector<8x8x1024xf32>
    %slice3A_1092 = vector.extract_strided_slice %reshape3A_1085 {offsets = [0, 0, 0, 0], sizes = [8, 1, 8, 1024], strides = [1, 1, 1, 1]} : vector<8x2x8x1024xf32> to vector<8x1x8x1024xf32>
    %squeeze3A_1093 = vector.shape_cast %slice3A_1092 : vector<8x1x8x1024xf32> to vector<8x8x1024xf32>
    %slice3A_1094 = vector.extract_strided_slice %reshape3A_1085 {offsets = [0, 1, 0, 0], sizes = [8, 1, 8, 1024], strides = [1, 1, 1, 1]} : vector<8x2x8x1024xf32> to vector<8x1x8x1024xf32>
    %squeeze3A_1095 = vector.shape_cast %slice3A_1094 : vector<8x1x8x1024xf32> to vector<8x8x1024xf32>
    %select_n3A_1096 = arith.select %le3A_1091, %squeeze3A_1093, %squeeze3A_1095 : vector<8x8x1024xi1>, vector<8x8x1024xf32>
    %reshape3A_1097 = vector.shape_cast %select_n3A_1096 : vector<8x8x1024xf32> to vector<64x1024xf32>
    %slice3A_1098 = vector.extract_strided_slice %reshape3A_1086 {offsets = [0, 0, 0, 0], sizes = [8, 1, 8, 1024], strides = [1, 1, 1, 1]} : vector<8x2x8x1024xf32> to vector<8x1x8x1024xf32>
    %squeeze3A_1099 = vector.shape_cast %slice3A_1098 : vector<8x1x8x1024xf32> to vector<8x8x1024xf32>
    %slice3A_1100 = vector.extract_strided_slice %reshape3A_1086 {offsets = [0, 1, 0, 0], sizes = [8, 1, 8, 1024], strides = [1, 1, 1, 1]} : vector<8x2x8x1024xf32> to vector<8x1x8x1024xf32>
    %squeeze3A_1101 = vector.shape_cast %slice3A_1100 : vector<8x1x8x1024xf32> to vector<8x8x1024xf32>
    %select_n3A_1102 = arith.select %le3A_1091, %squeeze3A_1099, %squeeze3A_1101 : vector<8x8x1024xi1>, vector<8x8x1024xf32>
    %reshape3A_1103 = vector.shape_cast %select_n3A_1102 : vector<8x8x1024xf32> to vector<64x1024xf32>
    %reshape3A_1104 = vector.shape_cast %reshape3A_1097 : vector<64x1024xf32> to vector<4x2x8x1024xf32>
    %reshape3A_1105 = vector.shape_cast %reshape3A_1103 : vector<64x1024xf32> to vector<4x2x8x1024xf32>
    %slice3A_1106 = vector.extract_strided_slice %reshape3A_1104 {offsets = [0, 0, 0, 0], sizes = [4, 1, 8, 1024], strides = [1, 1, 1, 1]} : vector<4x2x8x1024xf32> to vector<4x1x8x1024xf32>
    %squeeze3A_1107 = vector.shape_cast %slice3A_1106 : vector<4x1x8x1024xf32> to vector<4x8x1024xf32>
    %slice3A_1108 = vector.extract_strided_slice %reshape3A_1104 {offsets = [0, 1, 0, 0], sizes = [4, 1, 8, 1024], strides = [1, 1, 1, 1]} : vector<4x2x8x1024xf32> to vector<4x1x8x1024xf32>
    %squeeze3A_1109 = vector.shape_cast %slice3A_1108 : vector<4x1x8x1024xf32> to vector<4x8x1024xf32>
    %le3A_1110 = arith.cmpf ole, %squeeze3A_1107, %squeeze3A_1109 : vector<4x8x1024xf32>
    %slice3A_1111 = vector.extract_strided_slice %reshape3A_1104 {offsets = [0, 0, 0, 0], sizes = [4, 1, 8, 1024], strides = [1, 1, 1, 1]} : vector<4x2x8x1024xf32> to vector<4x1x8x1024xf32>
    %squeeze3A_1112 = vector.shape_cast %slice3A_1111 : vector<4x1x8x1024xf32> to vector<4x8x1024xf32>
    %slice3A_1113 = vector.extract_strided_slice %reshape3A_1104 {offsets = [0, 1, 0, 0], sizes = [4, 1, 8, 1024], strides = [1, 1, 1, 1]} : vector<4x2x8x1024xf32> to vector<4x1x8x1024xf32>
    %squeeze3A_1114 = vector.shape_cast %slice3A_1113 : vector<4x1x8x1024xf32> to vector<4x8x1024xf32>
    %select_n3A_1115 = arith.select %le3A_1110, %squeeze3A_1112, %squeeze3A_1114 : vector<4x8x1024xi1>, vector<4x8x1024xf32>
    %reshape3A_1116 = vector.shape_cast %select_n3A_1115 : vector<4x8x1024xf32> to vector<32x1024xf32>
    %slice3A_1117 = vector.extract_strided_slice %reshape3A_1105 {offsets = [0, 0, 0, 0], sizes = [4, 1, 8, 1024], strides = [1, 1, 1, 1]} : vector<4x2x8x1024xf32> to vector<4x1x8x1024xf32>
    %squeeze3A_1118 = vector.shape_cast %slice3A_1117 : vector<4x1x8x1024xf32> to vector<4x8x1024xf32>
    %slice3A_1119 = vector.extract_strided_slice %reshape3A_1105 {offsets = [0, 1, 0, 0], sizes = [4, 1, 8, 1024], strides = [1, 1, 1, 1]} : vector<4x2x8x1024xf32> to vector<4x1x8x1024xf32>
    %squeeze3A_1120 = vector.shape_cast %slice3A_1119 : vector<4x1x8x1024xf32> to vector<4x8x1024xf32>
    %select_n3A_1121 = arith.select %le3A_1110, %squeeze3A_1118, %squeeze3A_1120 : vector<4x8x1024xi1>, vector<4x8x1024xf32>
    %reshape3A_1122 = vector.shape_cast %select_n3A_1121 : vector<4x8x1024xf32> to vector<32x1024xf32>
    %reshape3A_1123 = vector.shape_cast %reshape3A_1116 : vector<32x1024xf32> to vector<2x2x8x1024xf32>
    %reshape3A_1124 = vector.shape_cast %reshape3A_1122 : vector<32x1024xf32> to vector<2x2x8x1024xf32>
    %slice3A_1125 = vector.extract_strided_slice %reshape3A_1123 {offsets = [0, 0, 0, 0], sizes = [2, 1, 8, 1024], strides = [1, 1, 1, 1]} : vector<2x2x8x1024xf32> to vector<2x1x8x1024xf32>
    %squeeze3A_1126 = vector.shape_cast %slice3A_1125 : vector<2x1x8x1024xf32> to vector<2x8x1024xf32>
    %slice3A_1127 = vector.extract_strided_slice %reshape3A_1123 {offsets = [0, 1, 0, 0], sizes = [2, 1, 8, 1024], strides = [1, 1, 1, 1]} : vector<2x2x8x1024xf32> to vector<2x1x8x1024xf32>
    %squeeze3A_1128 = vector.shape_cast %slice3A_1127 : vector<2x1x8x1024xf32> to vector<2x8x1024xf32>
    %le3A_1129 = arith.cmpf ole, %squeeze3A_1126, %squeeze3A_1128 : vector<2x8x1024xf32>
    %slice3A_1130 = vector.extract_strided_slice %reshape3A_1123 {offsets = [0, 0, 0, 0], sizes = [2, 1, 8, 1024], strides = [1, 1, 1, 1]} : vector<2x2x8x1024xf32> to vector<2x1x8x1024xf32>
    %squeeze3A_1131 = vector.shape_cast %slice3A_1130 : vector<2x1x8x1024xf32> to vector<2x8x1024xf32>
    %slice3A_1132 = vector.extract_strided_slice %reshape3A_1123 {offsets = [0, 1, 0, 0], sizes = [2, 1, 8, 1024], strides = [1, 1, 1, 1]} : vector<2x2x8x1024xf32> to vector<2x1x8x1024xf32>
    %squeeze3A_1133 = vector.shape_cast %slice3A_1132 : vector<2x1x8x1024xf32> to vector<2x8x1024xf32>
    %select_n3A_1134 = arith.select %le3A_1129, %squeeze3A_1131, %squeeze3A_1133 : vector<2x8x1024xi1>, vector<2x8x1024xf32>
    %reshape3A_1135 = vector.shape_cast %select_n3A_1134 : vector<2x8x1024xf32> to vector<16x1024xf32>
    %slice3A_1136 = vector.extract_strided_slice %reshape3A_1124 {offsets = [0, 0, 0, 0], sizes = [2, 1, 8, 1024], strides = [1, 1, 1, 1]} : vector<2x2x8x1024xf32> to vector<2x1x8x1024xf32>
    %squeeze3A_1137 = vector.shape_cast %slice3A_1136 : vector<2x1x8x1024xf32> to vector<2x8x1024xf32>
    %slice3A_1138 = vector.extract_strided_slice %reshape3A_1124 {offsets = [0, 1, 0, 0], sizes = [2, 1, 8, 1024], strides = [1, 1, 1, 1]} : vector<2x2x8x1024xf32> to vector<2x1x8x1024xf32>
    %squeeze3A_1139 = vector.shape_cast %slice3A_1138 : vector<2x1x8x1024xf32> to vector<2x8x1024xf32>
    %select_n3A_1140 = arith.select %le3A_1129, %squeeze3A_1137, %squeeze3A_1139 : vector<2x8x1024xi1>, vector<2x8x1024xf32>
    %reshape3A_1141 = vector.shape_cast %select_n3A_1140 : vector<2x8x1024xf32> to vector<16x1024xf32>
    %reshape3A_1142 = vector.shape_cast %reshape3A_1135 : vector<16x1024xf32> to vector<1x2x8x1024xf32>
    %reshape3A_1143 = vector.shape_cast %reshape3A_1141 : vector<16x1024xf32> to vector<1x2x8x1024xf32>
    %slice3A_1144 = vector.extract_strided_slice %reshape3A_1142 {offsets = [0, 0, 0, 0], sizes = [1, 1, 8, 1024], strides = [1, 1, 1, 1]} : vector<1x2x8x1024xf32> to vector<1x1x8x1024xf32>
    %squeeze3A_1145 = vector.shape_cast %slice3A_1144 : vector<1x1x8x1024xf32> to vector<1x8x1024xf32>
    %slice3A_1146 = vector.extract_strided_slice %reshape3A_1142 {offsets = [0, 1, 0, 0], sizes = [1, 1, 8, 1024], strides = [1, 1, 1, 1]} : vector<1x2x8x1024xf32> to vector<1x1x8x1024xf32>
    %squeeze3A_1147 = vector.shape_cast %slice3A_1146 : vector<1x1x8x1024xf32> to vector<1x8x1024xf32>
    %le3A_1148 = arith.cmpf ole, %squeeze3A_1145, %squeeze3A_1147 : vector<1x8x1024xf32>
    %slice3A_1149 = vector.extract_strided_slice %reshape3A_1142 {offsets = [0, 0, 0, 0], sizes = [1, 1, 8, 1024], strides = [1, 1, 1, 1]} : vector<1x2x8x1024xf32> to vector<1x1x8x1024xf32>
    %squeeze3A_1150 = vector.shape_cast %slice3A_1149 : vector<1x1x8x1024xf32> to vector<1x8x1024xf32>
    %slice3A_1151 = vector.extract_strided_slice %reshape3A_1142 {offsets = [0, 1, 0, 0], sizes = [1, 1, 8, 1024], strides = [1, 1, 1, 1]} : vector<1x2x8x1024xf32> to vector<1x1x8x1024xf32>
    %squeeze3A_1152 = vector.shape_cast %slice3A_1151 : vector<1x1x8x1024xf32> to vector<1x8x1024xf32>
    %select_n3A_1153 = arith.select %le3A_1148, %squeeze3A_1150, %squeeze3A_1152 : vector<1x8x1024xi1>, vector<1x8x1024xf32>
    %reshape3A_1154 = vector.shape_cast %select_n3A_1153 : vector<1x8x1024xf32> to vector<8x1024xf32>
    %slice3A_1155 = vector.extract_strided_slice %reshape3A_1143 {offsets = [0, 0, 0, 0], sizes = [1, 1, 8, 1024], strides = [1, 1, 1, 1]} : vector<1x2x8x1024xf32> to vector<1x1x8x1024xf32>
    %squeeze3A_1156 = vector.shape_cast %slice3A_1155 : vector<1x1x8x1024xf32> to vector<1x8x1024xf32>
    %slice3A_1157 = vector.extract_strided_slice %reshape3A_1143 {offsets = [0, 1, 0, 0], sizes = [1, 1, 8, 1024], strides = [1, 1, 1, 1]} : vector<1x2x8x1024xf32> to vector<1x1x8x1024xf32>
    %squeeze3A_1158 = vector.shape_cast %slice3A_1157 : vector<1x1x8x1024xf32> to vector<1x8x1024xf32>
    %select_n3A_1159 = arith.select %le3A_1148, %squeeze3A_1156, %squeeze3A_1158 : vector<1x8x1024xi1>, vector<1x8x1024xf32>
    %reshape3A_1160 = vector.shape_cast %select_n3A_1159 : vector<1x8x1024xf32> to vector<8x1024xf32>
    %reduce_min3A_1161 = arith.constant dense<0x7F800000> : vector<1024xf32>
    %reduce_min3A_1162 = vector.multi_reduction <minimumf>, %reshape3A_1154, %reduce_min3A_1161 [0] : vector<8x1024xf32> to vector<1024xf32>
    %broadcast_in_dim3A_1163 = vector.shape_cast %reduce_min3A_1162 : vector<1024xf32> to vector<1x1024xf32>
    %eq3A_1164 = vector.broadcast %broadcast_in_dim3A_1163 : vector<1x1024xf32> to vector<8x1024xf32>
    %eq3A_1165 = arith.cmpf oeq, %reshape3A_1154, %eq3A_1164 : vector<8x1024xf32>
    %jit3A_1166 = arith.constant 3.000000e+38 : f32
    %broadcast_in_dim3A_1167 = vector.broadcast %jit3A_1166 : f32 to vector<8x1024xf32>
    %select_n3A_1168 = arith.select %eq3A_1165, %reshape3A_1160, %broadcast_in_dim3A_1167 : vector<8x1024xi1>, vector<8x1024xf32>
    %reduce_min3A_1169 = arith.constant dense<0x7F800000> : vector<1024xf32>
    %reduce_min3A_1170 = vector.multi_reduction <minimumf>, %select_n3A_1168, %reduce_min3A_1169 [0] : vector<8x1024xf32> to vector<1024xf32>
    %broadcast_in_dim3A_1171 = vector.shape_cast %reduce_min3A_1170 : vector<1024xf32> to vector<1x1024xf32>
    %add3A_1172 = arith.constant 6.144000e+03 : f32
    %add3A_1173 = vector.broadcast %add3A_1172 : f32 to vector<1x1024xf32>
    %add3A_1174 = arith.addf %broadcast_in_dim3A_1171, %add3A_1173 : vector<1x1024xf32>
    %lt3A_1175 = arith.cmpf olt, %broadcast_in_dim3A_1163, %select_n3A_1008 : vector<1x1024xf32>
    %select_n3A_1176 = arith.select %lt3A_1175, %broadcast_in_dim3A_1163, %select_n3A_1008 : vector<1x1024xi1>, vector<1x1024xf32>
    %select_n3A_1177 = arith.select %lt3A_1175, %add3A_1174, %select_n3A_1009 : vector<1x1024xi1>, vector<1x1024xf32>
    %get3A_1178 = arith.constant 7168 : index
    %get3A_1179 = arith.constant 0 : index
    %get3A_1180 = vector.load %arg4[%get3A_1178, %get3A_1179] : memref<8192x64xf32, #tpu.memory_space<vmem>>, vector<1024x64xf32>
    %get3A_1181 = arith.constant 7168 : index
    %get3A_1182 = arith.constant 0 : index
    %get3A_1183 = vector.load %arg5[%get3A_1181, %get3A_1182] : memref<8192x1xf32, #tpu.memory_space<vmem>>, vector<1024x1xf32>
    %dot_general3A_1184 = arith.constant dense<0.000000e+00> : vector<1024x1024xf32>
    %dot_general3A_1185 = tpu.matmul %get3A_1180, %mul3A_5, %dot_general3A_1184 {dimension_numbers = #tpu.dot_dimension_numbers<[1], [0], [0], [1], [0, 0, 1, 1], [], []>, transpose_lhs_hint = false} : vector<1024x64xf32>, vector<64x1024xf32>, vector<1024x1024xf32> -> vector<1024x1024xf32>
    %add3A_1186 = vector.broadcast %get3A_10 : vector<1x1024xf32> to vector<1024x1024xf32>
    %add3A_1187 = vector.broadcast %get3A_1183 : vector<1024x1xf32> to vector<1024x1024xf32>
    %add3A_1188 = arith.addf %add3A_1186, %add3A_1187 : vector<1024x1024xf32>
    %add3A_1189 = arith.addf %add3A_1188, %dot_general3A_1185 : vector<1024x1024xf32>
    %rsqrt3A_1190 = math.rsqrt %add3A_1189 : vector<1024x1024xf32>
    %mul3A_1191 = arith.mulf %add3A_1189, %rsqrt3A_1190 : vector<1024x1024xf32>
    %reshape3A_1192 = vector.shape_cast %mul3A_1191 : vector<1024x1024xf32> to vector<64x2x8x1024xf32>
    %reshape3A_1193 = vector.shape_cast %convert_element_type3A : vector<1024x1xf32> to vector<64x2x8x1xf32>
    %slice3A_1194 = vector.extract_strided_slice %reshape3A_1192 {offsets = [0, 0, 0, 0], sizes = [64, 1, 8, 1024], strides = [1, 1, 1, 1]} : vector<64x2x8x1024xf32> to vector<64x1x8x1024xf32>
    %squeeze3A_1195 = vector.shape_cast %slice3A_1194 : vector<64x1x8x1024xf32> to vector<64x8x1024xf32>
    %slice3A_1196 = vector.extract_strided_slice %reshape3A_1192 {offsets = [0, 1, 0, 0], sizes = [64, 1, 8, 1024], strides = [1, 1, 1, 1]} : vector<64x2x8x1024xf32> to vector<64x1x8x1024xf32>
    %squeeze3A_1197 = vector.shape_cast %slice3A_1196 : vector<64x1x8x1024xf32> to vector<64x8x1024xf32>
    %le3A_1198 = arith.cmpf ole, %squeeze3A_1195, %squeeze3A_1197 : vector<64x8x1024xf32>
    %slice3A_1199 = vector.extract_strided_slice %reshape3A_1192 {offsets = [0, 0, 0, 0], sizes = [64, 1, 8, 1024], strides = [1, 1, 1, 1]} : vector<64x2x8x1024xf32> to vector<64x1x8x1024xf32>
    %squeeze3A_1200 = vector.shape_cast %slice3A_1199 : vector<64x1x8x1024xf32> to vector<64x8x1024xf32>
    %slice3A_1201 = vector.extract_strided_slice %reshape3A_1192 {offsets = [0, 1, 0, 0], sizes = [64, 1, 8, 1024], strides = [1, 1, 1, 1]} : vector<64x2x8x1024xf32> to vector<64x1x8x1024xf32>
    %squeeze3A_1202 = vector.shape_cast %slice3A_1201 : vector<64x1x8x1024xf32> to vector<64x8x1024xf32>
    %select_n3A_1203 = arith.select %le3A_1198, %squeeze3A_1200, %squeeze3A_1202 : vector<64x8x1024xi1>, vector<64x8x1024xf32>
    %reshape3A_1204 = vector.shape_cast %select_n3A_1203 : vector<64x8x1024xf32> to vector<512x1024xf32>
    %slice3A_1205 = vector.extract_strided_slice %reshape3A_1193 {offsets = [0, 0, 0, 0], sizes = [64, 1, 8, 1], strides = [1, 1, 1, 1]} : vector<64x2x8x1xf32> to vector<64x1x8x1xf32>
    %squeeze3A_1206 = vector.shape_cast %slice3A_1205 : vector<64x1x8x1xf32> to vector<64x8x1xf32>
    %slice3A_1207 = vector.extract_strided_slice %reshape3A_1193 {offsets = [0, 1, 0, 0], sizes = [64, 1, 8, 1], strides = [1, 1, 1, 1]} : vector<64x2x8x1xf32> to vector<64x1x8x1xf32>
    %squeeze3A_1208 = vector.shape_cast %slice3A_1207 : vector<64x1x8x1xf32> to vector<64x8x1xf32>
    %broadcast_in_dim3A_1209 = vector.shape_cast %squeeze3A_1206 : vector<64x8x1xf32> to vector<64x8x1xf32>
    %broadcast_in_dim3A_1210 = vector.broadcast %broadcast_in_dim3A_1209 : vector<64x8x1xf32> to vector<64x8x1024xf32>
    %broadcast_in_dim3A_1211 = vector.shape_cast %squeeze3A_1208 : vector<64x8x1xf32> to vector<64x8x1xf32>
    %broadcast_in_dim3A_1212 = vector.broadcast %broadcast_in_dim3A_1211 : vector<64x8x1xf32> to vector<64x8x1024xf32>
    %select_n3A_1213 = arith.select %le3A_1198, %broadcast_in_dim3A_1210, %broadcast_in_dim3A_1212 : vector<64x8x1024xi1>, vector<64x8x1024xf32>
    %reshape3A_1214 = vector.shape_cast %select_n3A_1213 : vector<64x8x1024xf32> to vector<512x1024xf32>
    %reshape3A_1215 = vector.shape_cast %reshape3A_1204 : vector<512x1024xf32> to vector<32x2x8x1024xf32>
    %reshape3A_1216 = vector.shape_cast %reshape3A_1214 : vector<512x1024xf32> to vector<32x2x8x1024xf32>
    %slice3A_1217 = vector.extract_strided_slice %reshape3A_1215 {offsets = [0, 0, 0, 0], sizes = [32, 1, 8, 1024], strides = [1, 1, 1, 1]} : vector<32x2x8x1024xf32> to vector<32x1x8x1024xf32>
    %squeeze3A_1218 = vector.shape_cast %slice3A_1217 : vector<32x1x8x1024xf32> to vector<32x8x1024xf32>
    %slice3A_1219 = vector.extract_strided_slice %reshape3A_1215 {offsets = [0, 1, 0, 0], sizes = [32, 1, 8, 1024], strides = [1, 1, 1, 1]} : vector<32x2x8x1024xf32> to vector<32x1x8x1024xf32>
    %squeeze3A_1220 = vector.shape_cast %slice3A_1219 : vector<32x1x8x1024xf32> to vector<32x8x1024xf32>
    %le3A_1221 = arith.cmpf ole, %squeeze3A_1218, %squeeze3A_1220 : vector<32x8x1024xf32>
    %slice3A_1222 = vector.extract_strided_slice %reshape3A_1215 {offsets = [0, 0, 0, 0], sizes = [32, 1, 8, 1024], strides = [1, 1, 1, 1]} : vector<32x2x8x1024xf32> to vector<32x1x8x1024xf32>
    %squeeze3A_1223 = vector.shape_cast %slice3A_1222 : vector<32x1x8x1024xf32> to vector<32x8x1024xf32>
    %slice3A_1224 = vector.extract_strided_slice %reshape3A_1215 {offsets = [0, 1, 0, 0], sizes = [32, 1, 8, 1024], strides = [1, 1, 1, 1]} : vector<32x2x8x1024xf32> to vector<32x1x8x1024xf32>
    %squeeze3A_1225 = vector.shape_cast %slice3A_1224 : vector<32x1x8x1024xf32> to vector<32x8x1024xf32>
    %select_n3A_1226 = arith.select %le3A_1221, %squeeze3A_1223, %squeeze3A_1225 : vector<32x8x1024xi1>, vector<32x8x1024xf32>
    %reshape3A_1227 = vector.shape_cast %select_n3A_1226 : vector<32x8x1024xf32> to vector<256x1024xf32>
    %slice3A_1228 = vector.extract_strided_slice %reshape3A_1216 {offsets = [0, 0, 0, 0], sizes = [32, 1, 8, 1024], strides = [1, 1, 1, 1]} : vector<32x2x8x1024xf32> to vector<32x1x8x1024xf32>
    %squeeze3A_1229 = vector.shape_cast %slice3A_1228 : vector<32x1x8x1024xf32> to vector<32x8x1024xf32>
    %slice3A_1230 = vector.extract_strided_slice %reshape3A_1216 {offsets = [0, 1, 0, 0], sizes = [32, 1, 8, 1024], strides = [1, 1, 1, 1]} : vector<32x2x8x1024xf32> to vector<32x1x8x1024xf32>
    %squeeze3A_1231 = vector.shape_cast %slice3A_1230 : vector<32x1x8x1024xf32> to vector<32x8x1024xf32>
    %select_n3A_1232 = arith.select %le3A_1221, %squeeze3A_1229, %squeeze3A_1231 : vector<32x8x1024xi1>, vector<32x8x1024xf32>
    %reshape3A_1233 = vector.shape_cast %select_n3A_1232 : vector<32x8x1024xf32> to vector<256x1024xf32>
    %reshape3A_1234 = vector.shape_cast %reshape3A_1227 : vector<256x1024xf32> to vector<16x2x8x1024xf32>
    %reshape3A_1235 = vector.shape_cast %reshape3A_1233 : vector<256x1024xf32> to vector<16x2x8x1024xf32>
    %slice3A_1236 = vector.extract_strided_slice %reshape3A_1234 {offsets = [0, 0, 0, 0], sizes = [16, 1, 8, 1024], strides = [1, 1, 1, 1]} : vector<16x2x8x1024xf32> to vector<16x1x8x1024xf32>
    %squeeze3A_1237 = vector.shape_cast %slice3A_1236 : vector<16x1x8x1024xf32> to vector<16x8x1024xf32>
    %slice3A_1238 = vector.extract_strided_slice %reshape3A_1234 {offsets = [0, 1, 0, 0], sizes = [16, 1, 8, 1024], strides = [1, 1, 1, 1]} : vector<16x2x8x1024xf32> to vector<16x1x8x1024xf32>
    %squeeze3A_1239 = vector.shape_cast %slice3A_1238 : vector<16x1x8x1024xf32> to vector<16x8x1024xf32>
    %le3A_1240 = arith.cmpf ole, %squeeze3A_1237, %squeeze3A_1239 : vector<16x8x1024xf32>
    %slice3A_1241 = vector.extract_strided_slice %reshape3A_1234 {offsets = [0, 0, 0, 0], sizes = [16, 1, 8, 1024], strides = [1, 1, 1, 1]} : vector<16x2x8x1024xf32> to vector<16x1x8x1024xf32>
    %squeeze3A_1242 = vector.shape_cast %slice3A_1241 : vector<16x1x8x1024xf32> to vector<16x8x1024xf32>
    %slice3A_1243 = vector.extract_strided_slice %reshape3A_1234 {offsets = [0, 1, 0, 0], sizes = [16, 1, 8, 1024], strides = [1, 1, 1, 1]} : vector<16x2x8x1024xf32> to vector<16x1x8x1024xf32>
    %squeeze3A_1244 = vector.shape_cast %slice3A_1243 : vector<16x1x8x1024xf32> to vector<16x8x1024xf32>
    %select_n3A_1245 = arith.select %le3A_1240, %squeeze3A_1242, %squeeze3A_1244 : vector<16x8x1024xi1>, vector<16x8x1024xf32>
    %reshape3A_1246 = vector.shape_cast %select_n3A_1245 : vector<16x8x1024xf32> to vector<128x1024xf32>
    %slice3A_1247 = vector.extract_strided_slice %reshape3A_1235 {offsets = [0, 0, 0, 0], sizes = [16, 1, 8, 1024], strides = [1, 1, 1, 1]} : vector<16x2x8x1024xf32> to vector<16x1x8x1024xf32>
    %squeeze3A_1248 = vector.shape_cast %slice3A_1247 : vector<16x1x8x1024xf32> to vector<16x8x1024xf32>
    %slice3A_1249 = vector.extract_strided_slice %reshape3A_1235 {offsets = [0, 1, 0, 0], sizes = [16, 1, 8, 1024], strides = [1, 1, 1, 1]} : vector<16x2x8x1024xf32> to vector<16x1x8x1024xf32>
    %squeeze3A_1250 = vector.shape_cast %slice3A_1249 : vector<16x1x8x1024xf32> to vector<16x8x1024xf32>
    %select_n3A_1251 = arith.select %le3A_1240, %squeeze3A_1248, %squeeze3A_1250 : vector<16x8x1024xi1>, vector<16x8x1024xf32>
    %reshape3A_1252 = vector.shape_cast %select_n3A_1251 : vector<16x8x1024xf32> to vector<128x1024xf32>
    %reshape3A_1253 = vector.shape_cast %reshape3A_1246 : vector<128x1024xf32> to vector<8x2x8x1024xf32>
    %reshape3A_1254 = vector.shape_cast %reshape3A_1252 : vector<128x1024xf32> to vector<8x2x8x1024xf32>
    %slice3A_1255 = vector.extract_strided_slice %reshape3A_1253 {offsets = [0, 0, 0, 0], sizes = [8, 1, 8, 1024], strides = [1, 1, 1, 1]} : vector<8x2x8x1024xf32> to vector<8x1x8x1024xf32>
    %squeeze3A_1256 = vector.shape_cast %slice3A_1255 : vector<8x1x8x1024xf32> to vector<8x8x1024xf32>
    %slice3A_1257 = vector.extract_strided_slice %reshape3A_1253 {offsets = [0, 1, 0, 0], sizes = [8, 1, 8, 1024], strides = [1, 1, 1, 1]} : vector<8x2x8x1024xf32> to vector<8x1x8x1024xf32>
    %squeeze3A_1258 = vector.shape_cast %slice3A_1257 : vector<8x1x8x1024xf32> to vector<8x8x1024xf32>
    %le3A_1259 = arith.cmpf ole, %squeeze3A_1256, %squeeze3A_1258 : vector<8x8x1024xf32>
    %slice3A_1260 = vector.extract_strided_slice %reshape3A_1253 {offsets = [0, 0, 0, 0], sizes = [8, 1, 8, 1024], strides = [1, 1, 1, 1]} : vector<8x2x8x1024xf32> to vector<8x1x8x1024xf32>
    %squeeze3A_1261 = vector.shape_cast %slice3A_1260 : vector<8x1x8x1024xf32> to vector<8x8x1024xf32>
    %slice3A_1262 = vector.extract_strided_slice %reshape3A_1253 {offsets = [0, 1, 0, 0], sizes = [8, 1, 8, 1024], strides = [1, 1, 1, 1]} : vector<8x2x8x1024xf32> to vector<8x1x8x1024xf32>
    %squeeze3A_1263 = vector.shape_cast %slice3A_1262 : vector<8x1x8x1024xf32> to vector<8x8x1024xf32>
    %select_n3A_1264 = arith.select %le3A_1259, %squeeze3A_1261, %squeeze3A_1263 : vector<8x8x1024xi1>, vector<8x8x1024xf32>
    %reshape3A_1265 = vector.shape_cast %select_n3A_1264 : vector<8x8x1024xf32> to vector<64x1024xf32>
    %slice3A_1266 = vector.extract_strided_slice %reshape3A_1254 {offsets = [0, 0, 0, 0], sizes = [8, 1, 8, 1024], strides = [1, 1, 1, 1]} : vector<8x2x8x1024xf32> to vector<8x1x8x1024xf32>
    %squeeze3A_1267 = vector.shape_cast %slice3A_1266 : vector<8x1x8x1024xf32> to vector<8x8x1024xf32>
    %slice3A_1268 = vector.extract_strided_slice %reshape3A_1254 {offsets = [0, 1, 0, 0], sizes = [8, 1, 8, 1024], strides = [1, 1, 1, 1]} : vector<8x2x8x1024xf32> to vector<8x1x8x1024xf32>
    %squeeze3A_1269 = vector.shape_cast %slice3A_1268 : vector<8x1x8x1024xf32> to vector<8x8x1024xf32>
    %select_n3A_1270 = arith.select %le3A_1259, %squeeze3A_1267, %squeeze3A_1269 : vector<8x8x1024xi1>, vector<8x8x1024xf32>
    %reshape3A_1271 = vector.shape_cast %select_n3A_1270 : vector<8x8x1024xf32> to vector<64x1024xf32>
    %reshape3A_1272 = vector.shape_cast %reshape3A_1265 : vector<64x1024xf32> to vector<4x2x8x1024xf32>
    %reshape3A_1273 = vector.shape_cast %reshape3A_1271 : vector<64x1024xf32> to vector<4x2x8x1024xf32>
    %slice3A_1274 = vector.extract_strided_slice %reshape3A_1272 {offsets = [0, 0, 0, 0], sizes = [4, 1, 8, 1024], strides = [1, 1, 1, 1]} : vector<4x2x8x1024xf32> to vector<4x1x8x1024xf32>
    %squeeze3A_1275 = vector.shape_cast %slice3A_1274 : vector<4x1x8x1024xf32> to vector<4x8x1024xf32>
    %slice3A_1276 = vector.extract_strided_slice %reshape3A_1272 {offsets = [0, 1, 0, 0], sizes = [4, 1, 8, 1024], strides = [1, 1, 1, 1]} : vector<4x2x8x1024xf32> to vector<4x1x8x1024xf32>
    %squeeze3A_1277 = vector.shape_cast %slice3A_1276 : vector<4x1x8x1024xf32> to vector<4x8x1024xf32>
    %le3A_1278 = arith.cmpf ole, %squeeze3A_1275, %squeeze3A_1277 : vector<4x8x1024xf32>
    %slice3A_1279 = vector.extract_strided_slice %reshape3A_1272 {offsets = [0, 0, 0, 0], sizes = [4, 1, 8, 1024], strides = [1, 1, 1, 1]} : vector<4x2x8x1024xf32> to vector<4x1x8x1024xf32>
    %squeeze3A_1280 = vector.shape_cast %slice3A_1279 : vector<4x1x8x1024xf32> to vector<4x8x1024xf32>
    %slice3A_1281 = vector.extract_strided_slice %reshape3A_1272 {offsets = [0, 1, 0, 0], sizes = [4, 1, 8, 1024], strides = [1, 1, 1, 1]} : vector<4x2x8x1024xf32> to vector<4x1x8x1024xf32>
    %squeeze3A_1282 = vector.shape_cast %slice3A_1281 : vector<4x1x8x1024xf32> to vector<4x8x1024xf32>
    %select_n3A_1283 = arith.select %le3A_1278, %squeeze3A_1280, %squeeze3A_1282 : vector<4x8x1024xi1>, vector<4x8x1024xf32>
    %reshape3A_1284 = vector.shape_cast %select_n3A_1283 : vector<4x8x1024xf32> to vector<32x1024xf32>
    %slice3A_1285 = vector.extract_strided_slice %reshape3A_1273 {offsets = [0, 0, 0, 0], sizes = [4, 1, 8, 1024], strides = [1, 1, 1, 1]} : vector<4x2x8x1024xf32> to vector<4x1x8x1024xf32>
    %squeeze3A_1286 = vector.shape_cast %slice3A_1285 : vector<4x1x8x1024xf32> to vector<4x8x1024xf32>
    %slice3A_1287 = vector.extract_strided_slice %reshape3A_1273 {offsets = [0, 1, 0, 0], sizes = [4, 1, 8, 1024], strides = [1, 1, 1, 1]} : vector<4x2x8x1024xf32> to vector<4x1x8x1024xf32>
    %squeeze3A_1288 = vector.shape_cast %slice3A_1287 : vector<4x1x8x1024xf32> to vector<4x8x1024xf32>
    %select_n3A_1289 = arith.select %le3A_1278, %squeeze3A_1286, %squeeze3A_1288 : vector<4x8x1024xi1>, vector<4x8x1024xf32>
    %reshape3A_1290 = vector.shape_cast %select_n3A_1289 : vector<4x8x1024xf32> to vector<32x1024xf32>
    %reshape3A_1291 = vector.shape_cast %reshape3A_1284 : vector<32x1024xf32> to vector<2x2x8x1024xf32>
    %reshape3A_1292 = vector.shape_cast %reshape3A_1290 : vector<32x1024xf32> to vector<2x2x8x1024xf32>
    %slice3A_1293 = vector.extract_strided_slice %reshape3A_1291 {offsets = [0, 0, 0, 0], sizes = [2, 1, 8, 1024], strides = [1, 1, 1, 1]} : vector<2x2x8x1024xf32> to vector<2x1x8x1024xf32>
    %squeeze3A_1294 = vector.shape_cast %slice3A_1293 : vector<2x1x8x1024xf32> to vector<2x8x1024xf32>
    %slice3A_1295 = vector.extract_strided_slice %reshape3A_1291 {offsets = [0, 1, 0, 0], sizes = [2, 1, 8, 1024], strides = [1, 1, 1, 1]} : vector<2x2x8x1024xf32> to vector<2x1x8x1024xf32>
    %squeeze3A_1296 = vector.shape_cast %slice3A_1295 : vector<2x1x8x1024xf32> to vector<2x8x1024xf32>
    %le3A_1297 = arith.cmpf ole, %squeeze3A_1294, %squeeze3A_1296 : vector<2x8x1024xf32>
    %slice3A_1298 = vector.extract_strided_slice %reshape3A_1291 {offsets = [0, 0, 0, 0], sizes = [2, 1, 8, 1024], strides = [1, 1, 1, 1]} : vector<2x2x8x1024xf32> to vector<2x1x8x1024xf32>
    %squeeze3A_1299 = vector.shape_cast %slice3A_1298 : vector<2x1x8x1024xf32> to vector<2x8x1024xf32>
    %slice3A_1300 = vector.extract_strided_slice %reshape3A_1291 {offsets = [0, 1, 0, 0], sizes = [2, 1, 8, 1024], strides = [1, 1, 1, 1]} : vector<2x2x8x1024xf32> to vector<2x1x8x1024xf32>
    %squeeze3A_1301 = vector.shape_cast %slice3A_1300 : vector<2x1x8x1024xf32> to vector<2x8x1024xf32>
    %select_n3A_1302 = arith.select %le3A_1297, %squeeze3A_1299, %squeeze3A_1301 : vector<2x8x1024xi1>, vector<2x8x1024xf32>
    %reshape3A_1303 = vector.shape_cast %select_n3A_1302 : vector<2x8x1024xf32> to vector<16x1024xf32>
    %slice3A_1304 = vector.extract_strided_slice %reshape3A_1292 {offsets = [0, 0, 0, 0], sizes = [2, 1, 8, 1024], strides = [1, 1, 1, 1]} : vector<2x2x8x1024xf32> to vector<2x1x8x1024xf32>
    %squeeze3A_1305 = vector.shape_cast %slice3A_1304 : vector<2x1x8x1024xf32> to vector<2x8x1024xf32>
    %slice3A_1306 = vector.extract_strided_slice %reshape3A_1292 {offsets = [0, 1, 0, 0], sizes = [2, 1, 8, 1024], strides = [1, 1, 1, 1]} : vector<2x2x8x1024xf32> to vector<2x1x8x1024xf32>
    %squeeze3A_1307 = vector.shape_cast %slice3A_1306 : vector<2x1x8x1024xf32> to vector<2x8x1024xf32>
    %select_n3A_1308 = arith.select %le3A_1297, %squeeze3A_1305, %squeeze3A_1307 : vector<2x8x1024xi1>, vector<2x8x1024xf32>
    %reshape3A_1309 = vector.shape_cast %select_n3A_1308 : vector<2x8x1024xf32> to vector<16x1024xf32>
    %reshape3A_1310 = vector.shape_cast %reshape3A_1303 : vector<16x1024xf32> to vector<1x2x8x1024xf32>
    %reshape3A_1311 = vector.shape_cast %reshape3A_1309 : vector<16x1024xf32> to vector<1x2x8x1024xf32>
    %slice3A_1312 = vector.extract_strided_slice %reshape3A_1310 {offsets = [0, 0, 0, 0], sizes = [1, 1, 8, 1024], strides = [1, 1, 1, 1]} : vector<1x2x8x1024xf32> to vector<1x1x8x1024xf32>
    %squeeze3A_1313 = vector.shape_cast %slice3A_1312 : vector<1x1x8x1024xf32> to vector<1x8x1024xf32>
    %slice3A_1314 = vector.extract_strided_slice %reshape3A_1310 {offsets = [0, 1, 0, 0], sizes = [1, 1, 8, 1024], strides = [1, 1, 1, 1]} : vector<1x2x8x1024xf32> to vector<1x1x8x1024xf32>
    %squeeze3A_1315 = vector.shape_cast %slice3A_1314 : vector<1x1x8x1024xf32> to vector<1x8x1024xf32>
    %le3A_1316 = arith.cmpf ole, %squeeze3A_1313, %squeeze3A_1315 : vector<1x8x1024xf32>
    %slice3A_1317 = vector.extract_strided_slice %reshape3A_1310 {offsets = [0, 0, 0, 0], sizes = [1, 1, 8, 1024], strides = [1, 1, 1, 1]} : vector<1x2x8x1024xf32> to vector<1x1x8x1024xf32>
    %squeeze3A_1318 = vector.shape_cast %slice3A_1317 : vector<1x1x8x1024xf32> to vector<1x8x1024xf32>
    %slice3A_1319 = vector.extract_strided_slice %reshape3A_1310 {offsets = [0, 1, 0, 0], sizes = [1, 1, 8, 1024], strides = [1, 1, 1, 1]} : vector<1x2x8x1024xf32> to vector<1x1x8x1024xf32>
    %squeeze3A_1320 = vector.shape_cast %slice3A_1319 : vector<1x1x8x1024xf32> to vector<1x8x1024xf32>
    %select_n3A_1321 = arith.select %le3A_1316, %squeeze3A_1318, %squeeze3A_1320 : vector<1x8x1024xi1>, vector<1x8x1024xf32>
    %reshape3A_1322 = vector.shape_cast %select_n3A_1321 : vector<1x8x1024xf32> to vector<8x1024xf32>
    %slice3A_1323 = vector.extract_strided_slice %reshape3A_1311 {offsets = [0, 0, 0, 0], sizes = [1, 1, 8, 1024], strides = [1, 1, 1, 1]} : vector<1x2x8x1024xf32> to vector<1x1x8x1024xf32>
    %squeeze3A_1324 = vector.shape_cast %slice3A_1323 : vector<1x1x8x1024xf32> to vector<1x8x1024xf32>
    %slice3A_1325 = vector.extract_strided_slice %reshape3A_1311 {offsets = [0, 1, 0, 0], sizes = [1, 1, 8, 1024], strides = [1, 1, 1, 1]} : vector<1x2x8x1024xf32> to vector<1x1x8x1024xf32>
    %squeeze3A_1326 = vector.shape_cast %slice3A_1325 : vector<1x1x8x1024xf32> to vector<1x8x1024xf32>
    %select_n3A_1327 = arith.select %le3A_1316, %squeeze3A_1324, %squeeze3A_1326 : vector<1x8x1024xi1>, vector<1x8x1024xf32>
    %reshape3A_1328 = vector.shape_cast %select_n3A_1327 : vector<1x8x1024xf32> to vector<8x1024xf32>
    %reduce_min3A_1329 = arith.constant dense<0x7F800000> : vector<1024xf32>
    %reduce_min3A_1330 = vector.multi_reduction <minimumf>, %reshape3A_1322, %reduce_min3A_1329 [0] : vector<8x1024xf32> to vector<1024xf32>
    %broadcast_in_dim3A_1331 = vector.shape_cast %reduce_min3A_1330 : vector<1024xf32> to vector<1x1024xf32>
    %eq3A_1332 = vector.broadcast %broadcast_in_dim3A_1331 : vector<1x1024xf32> to vector<8x1024xf32>
    %eq3A_1333 = arith.cmpf oeq, %reshape3A_1322, %eq3A_1332 : vector<8x1024xf32>
    %jit3A_1334 = arith.constant 3.000000e+38 : f32
    %broadcast_in_dim3A_1335 = vector.broadcast %jit3A_1334 : f32 to vector<8x1024xf32>
    %select_n3A_1336 = arith.select %eq3A_1333, %reshape3A_1328, %broadcast_in_dim3A_1335 : vector<8x1024xi1>, vector<8x1024xf32>
    %reduce_min3A_1337 = arith.constant dense<0x7F800000> : vector<1024xf32>
    %reduce_min3A_1338 = vector.multi_reduction <minimumf>, %select_n3A_1336, %reduce_min3A_1337 [0] : vector<8x1024xf32> to vector<1024xf32>
    %broadcast_in_dim3A_1339 = vector.shape_cast %reduce_min3A_1338 : vector<1024xf32> to vector<1x1024xf32>
    %add3A_1340 = arith.constant 7.168000e+03 : f32
    %add3A_1341 = vector.broadcast %add3A_1340 : f32 to vector<1x1024xf32>
    %add3A_1342 = arith.addf %broadcast_in_dim3A_1339, %add3A_1341 : vector<1x1024xf32>
    %lt3A_1343 = arith.cmpf olt, %broadcast_in_dim3A_1331, %select_n3A_1176 : vector<1x1024xf32>
    %select_n3A_1344 = arith.select %lt3A_1343, %broadcast_in_dim3A_1331, %select_n3A_1176 : vector<1x1024xi1>, vector<1x1024xf32>
    %select_n3A_1345 = arith.select %lt3A_1343, %add3A_1342, %select_n3A_1177 : vector<1x1024xi1>, vector<1x1024xf32>
    %convert_element_type3A_1346 = arith.fptosi %select_n3A_1345 : vector<1x1024xf32> to vector<1x1024xi32>
    %swap3A = arith.constant 0 : index
    %swap3A_1347 = arith.constant 0 : index
    %swap3A_1348 = arith.constant 0 : index
    %swap3A_1349 = vector.load %arg6[%swap3A, %swap3A_1347, %swap3A_1348] : memref<1x1x1024xi32, #tpu.memory_space<vmem>>, vector<1x1x1024xi32>
    %swap3A_1350 = vector.shape_cast %swap3A_1349 : vector<1x1x1024xi32> to vector<1x1024xi32>
    %swap3A_1351 = vector.shape_cast %convert_element_type3A_1346 : vector<1x1024xi32> to vector<1x1x1024xi32>
    tpu.vector_store %arg6[%swap3A, %swap3A_1347, %swap3A_1348], %swap3A_1351 {strides = array<i32>} : memref<1x1x1024xi32, #tpu.memory_space<vmem>>, vector<1x1x1024xi32>,
    %mul3A_1352 = arith.mulf %select_n3A_1344, %select_n3A_1344 : vector<1x1024xf32>
    %reduce_sum3A = vector.shape_cast %mul3A_1352 : vector<1x1024xf32> to vector<1x1x1024xf32>
    %reduce_sum3A_1353 = arith.constant dense<0.000000e+00> : vector<1xf32>
    %reduce_sum3A_1354 = vector.multi_reduction <add>, %reduce_sum3A, %reduce_sum3A_1353 [1, 2] : vector<1x1x1024xf32> to vector<1xf32>
    %reduce_sum3A_1355 = vector.shape_cast %reduce_sum3A_1354 : vector<1xf32> to vector<1x1x1xf32>
    %reduce_sum3A_1356 = vector.extract %reduce_sum3A_1355[0, 0, 0] : f32 from vector<1x1x1xf32>
    %swap3A_1357 = arith.constant 0 : index
    %swap3A_1358 = arith.constant 0 : index
    %swap3A_1359 = arith.constant 0 : index
    %swap3A_1360 = arith.constant 0 : index
    %swap3A_1361 = memref.load %arg7[%swap3A_1357, %swap3A_1358, %swap3A_1359, %swap3A_1360] : memref<1x1x1x1xf32, #tpu.memory_space<smem>>
    memref.store %reduce_sum3A_1356, %arg7[%swap3A_1357, %swap3A_1358, %swap3A_1359, %swap3A_1360] : memref<1x1x1x1xf32, #tpu.memory_space<smem>>
    return
  }
  func.func @transform_0(%arg0: i32, %arg1: i32) -> (i32, i32, i32) {
    %c0_i32 = arith.constant 0 : i32
    %c0_i32_0 = arith.constant 0 : i32
    return %arg0, %c0_i32, %arg1 : i32, i32, i32
  }
  func.func @transform_1(%arg0: i32, %arg1: i32) -> (i32, i32, i32) {
    %c0_i32 = arith.constant 0 : i32
    %c0_i32_0 = arith.constant 0 : i32
    return %arg0, %c0_i32, %arg1 : i32, i32, i32
  }
  func.func @transform_2(%arg0: i32, %arg1: i32) -> (i32, i32) {
    %c0_i32 = arith.constant 0 : i32
    %c0_i32_0 = arith.constant 0 : i32
    %c0_i32_1 = arith.constant 0 : i32
    return %c0_i32, %c0_i32_0 : i32, i32
  }
  func.func @transform_3(%arg0: i32, %arg1: i32) -> (i32, i32) {
    %c0_i32 = arith.constant 0 : i32
    %c0_i32_0 = arith.constant 0 : i32
    %c0_i32_1 = arith.constant 0 : i32
    return %c0_i32, %c0_i32_0 : i32, i32
  }
  func.func @transform_4(%arg0: i32, %arg1: i32) -> (i32, i32, i32) {
    %c0_i32 = arith.constant 0 : i32
    %c0_i32_0 = arith.constant 0 : i32
    return %arg0, %c0_i32, %arg1 : i32, i32, i32
  }
  func.func @transform_5(%arg0: i32, %arg1: i32) -> (i32, i32, i32, i32) {
    %c0_i32 = arith.constant 0 : i32
    %c0_i32_0 = arith.constant 0 : i32
    %c0_i32_1 = arith.constant 0 : i32
    return %arg0, %arg1, %c0_i32, %c0_i32_0 : i32, i32, i32, i32
  }
}

</mosaic_0001>

<sc_bundles>
// kernel: kernel.4.cloned.1.call-start
scs
__scs_entry_jumppad:
0x0: {  	(pc) =	sbr.rel $0x88, $3  }
0x1: {  	(tag) =	ssettag $0x0;
	lr =	simm.s32 $0x1  }
0x2: {  	[smem:$0x3F9F] =	sst lr;
	_ =	strace $0xD0000000  }
0x3: {  	_ = 	snop  }
0x4: {  	_ = 	snop  }
0x5: {  	_ = 	snop  }
0x6: {  	_ = 	snop  }
0x7: {  	_ = 	snop  }
__scs_overlays_trampoline_lowered:
0x8: {  	[smem:$0x3FAE] =	sst s0  }
0x9: {  	[smem:$0x3FAF] =	sst s1  }
0xa: {  	[smem:$0x3FB0] =	sst s2  }
0xb: {  	[smem:$0x3FB1] =	sst s3  }
0xc: {  	[smem:$0x3FB2] =	sst s4  }
0xd: {  	[smem:$0x3FB3] =	sst s5  }
0xe: {  	[smem:$0x3FB4] =	sst s6  }
0xf: {  	[smem:$0x3FB5] =	sst s7  }
0x10: {  	[smem:$0x3FB6] =	sst s8  }
0x11: {  	[smem:$0x3FB7] =	sst s9;
	s0 =	simm.s32 @!p0 $0x0  }
0x12: {  	s1 =	sld [smem:$0x3F9D];
	s0 =	simm.s32 @p0 $0x1  }
0x13: {  	[smem:$0x3FB8] =	sst s0;
	s0 =	simm.s32 @!p1 $0x0  }
0x14: {  	s2 =	sld [smem:$0x3F9C];
	s0 =	simm.s32 @p1 $0x1  }
0x15: {  	[smem:$0x3FB9] =	sst s0;
	s0 =	simm.s32 @!p2 $0x0  }
0x16: {  	s3 =	sld [smem:$0x3FDB];
	s0 =	simm.s32 @p2 $0x1  }
0x17: {  	s4 =	simm.s32 $0x1BF5;
	[smem:$0x3FBB] =	sst s0  }
0x18: {  	s0 =	sld [smem:$0x3F9E];
	_ =	swait.ge [sflag:s4], $0x0  }
0x19: {  	s7 =	sld [smem:$0x3F9F]  }
0x1a: {  	s8 =	sadd.s32 $0xFFFFE003, lr  }
0x1b: {  	s9 =	sadd.s32 $0xFFFFFEF7, lr;
	s5 =	simm.s32 $0xFFFFFFFF;
	p2 =	slt.u32 s8, $0xFFFFF086  }
0x1c: {  	p1 =	slt.u32 s9, $0xF7A;
	s5 =	simm.s32 @!p2 $0x0  }
0x1d: {  	s5 =	simm.s32 @p1 $0x1;
	p0 =	seq.s32 s7, s2  }
0x1e: {  	s7 =	smul.u32 @!p0 $0xF7A, s2;
	p2 =	seq.s32 @!p0 s5, $0x0  }
0x1f: {  	s9 =	smul.u32 $0xF7A, s1;
	s8 =	simm.s32 @!p0 $0x1BF5;
	p2 =	por !p2, p0  }
0x20: {  	[sflag:s8] =	ssyncset.s32 @!p0 $0xFFFFF086;
	s6 =	sadd.s32 @!p0 s3, s7;
	s7 =	simm.s32 @!p0 $0x108  }
0x21: {  	s3 =	sadd.s32 s3, s9;
	s6 =	sadd.s32 @!p0 $0x88, s6;
	s7 =	simm.s32 @p2 $0x1082  }
0x22: {  	[simem:s7], [sflag:s8] =	dma.local @!p0 [hbm:s6], $0xF7A  }
0x23: {  	s9 =	sor.u32 $0xD0000000, s2;
	s6 =	simm.s32 $0x108;
	_ =	swait.ge @!p0 [sflag:s8], $0x0  }
0x24: {  	s3 =	sadd.s32 $0x88, s3;
	s6 =	simm.s32 @!p1 $0x1082;
	[sflag:s4] =	ssyncset.s32 $0xFFFFF086  }
0x25: {  	[simem:s6], [sflag:s4] =	dma.local [hbm:s3], $0xF7A  }
0x26: {  	[smem:$0x3F9F] =	sst s1;
	(tag) =	ssettag s2;
	_ =	strace s9  }
0x27: {  	s1 =	sld [smem:$0x3FAF]  }
0x28: {  	s2 =	sld [smem:$0x3FB0]  }
0x29: {  	s4 =	sld [smem:$0x3FB2]  }
0x2a: {  	p0 =	seq.s32 s5, $0x0;
	s5 =	sld [smem:$0x3FB3]  }
0x2b: {  	s6 =	sld [smem:$0x3FB4]  }
0x2c: {  	s7 =	sld [smem:$0x3FB5]  }
0x2d: {  	s3 =	simm.s32 $0x108;
	s8 =	sld [smem:$0x3FB6]  }
0x2e: {  	s3 =	simm.s32 @!p0 $0x1082;
	s9 =	sld [smem:$0x3FB7]  }
0x2f: {  	lr =	sadd.s32 s0, s3;
	s0 =	sld [smem:$0x3FAE]  }
0x30: {  	s3 =	sld [smem:$0x3FB1]  }
0x31: {  	[smem:$0x3FBA] =	sst s10  }
0x32: {  	s10 =	sld [smem:$0x3FB8];
	_ =	sdelay $0x3  }
0x33: {  	p0 =	seq.s32 s10, $0x1;
	s10 =	sld [smem:$0x3FBA];
	_ =	sdelay $0x3  }
0x34: {  	[smem:$0x3FBA] =	sst s10  }
0x35: {  	s10 =	sld [smem:$0x3FB9];
	_ =	sdelay $0x3  }
0x36: {  	p1 =	seq.s32 s10, $0x1;
	s10 =	sld [smem:$0x3FBA];
	_ =	sdelay $0x3  }
0x37: {  	[smem:$0x3FBA] =	sst s10  }
0x38: {  	s10 =	sld [smem:$0x3FBB]  }
0x39: {  	_ = 	snop;
	(pc) =	sbr.ind lr, $3  }
0x3a: {  	_ = 	snop  }
0x3b: {  	_ = 	snop  }
0x3c: {  	p2 =	seq.s32 s10, $0x1;
	s10 =	sld [smem:$0x3FBA]  }
0x3d: {  	_ =	shalt  }
0x3e: {  	_ =	shalt  }
0x3f: {  	_ =	shalt  }
0x40: {  	_ =	shalt  }
0x41: {  	_ =	shalt  }
0x42: {  	_ =	shalt  }
0x43: {  	_ =	shalt  }
0x44: {  	_ =	shalt  }
0x45: {  	_ =	shalt  }
0x46: {  	_ =	shalt  }
0x47: {  	_ =	shalt  }
0x48: {  	_ =	shalt  }
0x49: {  	_ =	shalt  }
0x4a: {  	_ =	shalt  }
0x4b: {  	_ =	shalt  }
0x4c: {  	_ =	shalt  }
0x4d: {  	_ =	shalt  }
0x4e: {  	_ =	shalt  }
0x4f: {  	_ =	shalt  }
0x50: {  	_ =	shalt  }
0x51: {  	_ =	shalt  }
0x52: {  	_ =	shalt  }
0x53: {  	_ =	shalt  }
0x54: {  	_ =	shalt  }
0x55: {  	_ =	shalt  }
0x56: {  	_ =	shalt  }
0x57: {  	_ =	shalt  }
0x58: {  	_ =	shalt  }
0x59: {  	_ =	shalt  }
0x5a: {  	_ =	shalt  }
0x5b: {  	_ =	shalt  }
0x5c: {  	_ =	shalt  }
0x5d: {  	_ =	shalt  }
0x5e: {  	_ =	shalt  }
0x5f: {  	_ =	shalt  }
0x60: {  	_ =	shalt  }
0x61: {  	_ =	shalt  }
0x62: {  	_ =	shalt  }
0x63: {  	_ =	shalt  }
0x64: {  	_ =	shalt  }
0x65: {  	_ =	shalt  }
0x66: {  	_ =	shalt  }
0x67: {  	_ =	shalt  }
0x68: {  	_ =	shalt  }
0x69: {  	_ =	shalt  }
0x6a: {  	_ =	shalt  }
0x6b: {  	_ =	shalt  }
0x6c: {  	_ =	shalt  }
0x6d: {  	_ =	shalt  }
0x6e: {  	_ =	shalt  }
0x6f: {  	_ =	shalt  }
0x70: {  	_ =	shalt  }
0x71: {  	_ =	shalt  }
0x72: {  	_ =	shalt  }
0x73: {  	_ =	shalt  }
0x74: {  	_ =	shalt  }
0x75: {  	_ =	shalt  }
0x76: {  	_ =	shalt  }
0x77: {  	_ =	shalt  }
0x78: {  	_ =	shalt  }
0x79: {  	_ =	shalt  }
0x7a: {  	_ =	shalt  }
0x7b: {  	_ =	shalt  }
0x7c: {  	_ =	shalt  }
0x7d: {  	_ =	shalt  }
0x7e: {  	_ =	shalt  }
0x7f: {  	_ =	shalt  }
0x80: {  	_ =	shalt  }
0x81: {  	_ =	shalt  }
0x82: {  	_ =	shalt  }
0x83: {  	_ =	shalt  }
0x84: {  	_ =	shalt  }
0x85: {  	_ =	shalt  }
0x86: {  	_ =	shalt  }
0x87: {  	_ =	shalt  }
.Lfunc_end0:
.L_simem_size_0:
called_computation_lowered:
.L_overlay_start_0:
0x88: {  	s2 =	sld [smem:$0x3FD9]  }
0x89: {  	s3 =	sld [smem:$0x3FFE];
	_ =	sdelay $0x1  }
0x8a: {  	s1 =	srdreg.scid  }
0x8b: {  	s0 =	sand.u32 $0x1, s1  }
0x8c: {  	s14 =	sshll.u32 s0, $0xA;
	s2 =	sadd.s32 s3, s2  }
0x8d: {  	s2 =	sadd.s32 s2, s14  }
0x8e: {  	[smem:$0x3FC6] =	sst s2  }
0x8f: {  	_ = 	snop  }
0x90: {  	s2 =	sld [smem:$0x3FD0];
	_ =	sdelay $0x2  }
0x91: {  	s15 =	simm.s32 $0xA;
	s4 =	simm.s32 $0x10  }
0x92: {  	[smem:s4], [sflag:s15] =	dma.local [hbm:s2], $0x1  }
0x93: {  	_ =	swait.eq [sflag:s15], $0x1  }
0x94: {  	[sflag:s15] =	ssyncset.done $0x0  }
0x95: {  	[sflag:s15] =	ssyncadd.s32 $0xFFFFFFFF  }
0x96: {  	s16 =	sld [smem:$0x10];
	(tm) =	ssettm $0x1  }
0x97: {  	s17 =	sld [smem:$0x3FFB];
	_ =	sdelay $0x3  }
0x98: {  	_ =	strace s17  }
0x99: {  	s3 =	sld [smem:$0x3FFC];
	_ =	sdelay $0x3  }
0x9a: {  	_ =	strace s3  }
0x9b: {  	s3 =	sld [smem:$0x3FFD];
	_ =	sdelay $0x3  }
0x9c: {  	_ =	strace s3  }
0x9d: {  	_ =	strace $0x8FFFFFFF  }
0x9e: {  	s18 =	sld [smem:$0x3FDB];
	_ =	sdelay $0x1  }
0x9f: {  	s19 =	simm.s32 $_scs_section_size  }
0xa0: {  	s5 =	simm.s32 $_size__tile_overlayer_lowered;
	s6 =	simm.s32 $_tile_overlayer_lowered  }
0xa1: {  	s22 =	simm.s32 $0x1BFF;
	s21 =	sshll.u32 s6, $0x1;
	s3 =	sadd.s32 s19, s18  }
0xa2: {  	s7 =	simm.s32 $0x0;
	s20 =	sshll.u32 s5, $0x1;
	s5 =	sadd.s32 s21, s3  }
0xa3: {  	[timem:s7], [sflag:s22] =	dma.local [hbm:s5], s20  }
0xa4: {  	_ =	swait.ge [sflag:s22], s20  }
0xa5: {  	s4 =	ssub.s32 $0x0, s20;
	[sflag:s22] =	ssyncset.done $0x0  }
0xa6: {  	[sflag:s22] =	ssyncadd.s32 s4;
	_ =	sdelay $0x1  }
0xa7: {  	s23 =	simm.s32 $0x1B8B  }
0xa8: {  	_ =	swait.ge [sflag:s23], $0x1  }
0xa9: {  	[sflag:s23] =	ssyncset.done $0x0  }
0xaa: {  	s25 =	simm.s32 $0x1B8E;
	s24 =	sld [smem:$0x3FFE];
	[sflag:s23] =	ssyncadd.s32 $0xFFFFFFFF  }
0xab: {  	s26 =	simm.s32 $execute0_lowered;
	[smem:$0x3FD2] =	sst s25  }
0xac: {  	s5 =	sshll.u32 s26, $0x1;
	_ =	strace $0x80000046;
	[dreg:$0x1] =	wrdreg $0xFFFFFFFF  }
0xad: {  	s28 =	simm.s32 $_size_execute0_lowered;
	s3 =	sadd.s32 s3, s5;
	[dreg:$0x0] =	wrdreg $0x0  }
0xae: {  	s5 =	sshll.u32 s28, $0x1;
	[dreg:$0x2] =	wrdreg s3  }
0xaf: {  	[dreg:$0x3] =	wrdreg s5  }
0xb0: {  	[dreg:$0x4] =	wrdreg $0xC0  }
0xb1: {  	_ =	task [dreg:s7], $0x5FFFF  }
0xb2: {  	[dreg:$0x1] =	wrdreg $0xFFFFFFFF  }
0xb3: {  	[dreg:$0x0] =	wrdreg $0x60  }
0xb4: {  	[dreg:$0x2] =	wrdreg s24  }
0xb5: {  	[dreg:$0x3] =	wrdreg s16  }
0xb6: {  	[dreg:$0x4] =	wrdreg $0x9  }
0xb7: {  	_ =	task.clear_ibuf [dreg:s7], $0x5FFFF;
	_ =	strace $0x90000046  }
0xb8: {  	s29 =	simm.s32 $0x9;
	_ =	strace $0x80000048  }
0xb9: {  	_ =	swait.ge [sflag:s29], $0x1  }
0xba: {  	[sflag:s29] =	ssyncadd.s32 $0xFFFFFFFF  }
0xbb: {  	_ =	strace $0x90000048  }
0xbc: {  	_ =	sfence  }
0xbd: {  	s30 =	sld [smem:$0x0];
	_ =	sdelay $0x2  }
0xbe: {  	s31 =	sshll.u32 s1, $0xD;
	s1 =	sshrl.u32 s1, $0x2  }
0xbf: {  	s3 =	sand.u32 $0x4000, s31;
	s1 =	sadd.s32 s1, s30  }
0xc0: {  	s0 =	sor.u32 s3, s0;
	s1 =	sshll.u32 s1, $0x11  }
0xc1: {  	s0 =	sor.u32 s1, s0  }
0xc2: {  	s0 =	sadd.s32 $0x8F2B, s0  }
0xc3: {  	[sflag:s0] =	ssyncadd.remote.s32 $0x1  }
0xc4: {  	_ =	sfence.sel $0xFFFF  }
0xc5: {  	[dreg:$0x0] =	wrdreg $0xFFFFFFFF;
	(pc) =	sbr.abs _section_cstart, $3  }
0xc6: {  	[dreg:$0x1] =	wrdreg $0xFFFFFFFF  }
0xc7: {  	_ =	task.clear_ibuf [dreg:s7], $0x2FFFF;
	_ =	strace $0x9FFFFFFF  }
0xc8: {  	(tm) =	ssettm $0x7FFFFFFF  }
0xc9: {  	_ =	shalt  }
tec
execute0_lowered:
.L_overlay_start_1:
0x0: {  	(tag) =	ssettag $0x1  }
0x1: {  	s1 =	srdreg.scid  }
0x2: {  	s0 =	stileid.u32;
	s14 =	sand.u32 $0x1, s1  }
0x3: {  	s2 =	rddreg [dreg:$0x0];
	s29 =	sshll.u32 s0, $0xA;
	s3 =	sshll.u32 s14, $0x9  }
0x4: {  	s15 =	rddreg [dreg:$0x1];
	s16 =	sor.u32 s3, s29  }
0x5: {  	s1 =	rddreg [dreg:$0x2];
	s3 =	simm.s32 $0x0;
	s4 =	sshrl.u32 s16, $0x3  }
0x6: {  	[smem:$0x7FF] =	sst s3;
	s4 =	sadd.s32 s4, s2  }
0x7: {  	_ =	strace $0x80000047;
	s5 =	sadd.s32 $0x20000, s4;
	s4 =	simm.s32 $0x2  }
0x8: {  	[tilespmem:s3], [sflag:$0x2] =	stream.linear.gather [hbm4b:s5+s3], $0x200, $0x38;
	[tilespmem:$0x10200] =	vst v63  }
0x9: {  	_ =	swait.ge [sflag:s4], $0x200  }
0xa: {  	[sflag:s4] =	ssyncset.done $0x0  }
0xb: {  	s6 =	simm.s32 $0x80;
	s7 =	simm.s32 $0x200;
	[sflag:s4] =	ssyncadd.s32 $0xFFFFFE00  }
0xc: {  	[tilespmem:s7], [sflag:$0x1] =	stream.indirect.gather [hbm4b:s2+s6], $0x80, s3, s6, $0xb8;
	[tilespmem:$0x10200] =	vst v63  }
0xd: {  	s8 =	simm.s32 $0x4200  }
0xe: {  	[tilespmem:s8], [sflag:$0x1] =	stream.indirect.gather [hbm4b:s2+s6], $0x80, s6, s6, $0xb8;
	[tilespmem:$0x10200] =	vst v63  }
0xf: {  	s9 =	simm.s32 $0x100;
	s10 =	simm.s32 $0x8200  }
0x10: {  	[tilespmem:s10], [sflag:$0x1] =	stream.indirect.gather [hbm4b:s2+s6], $0x80, s9, s6, $0xb8;
	[tilespmem:$0x10200] =	vst v63  }
0x11: {  	s11 =	simm.s32 $0x180;
	s12 =	simm.s32 $0xC200;
	s13 =	simm.s32 $0x1  }
0x12: {  	[tilespmem:s12], [sflag:$0x1] =	stream.indirect.gather [hbm4b:s2+s6], $0x80, s11, s6, $0xb8;
	[tilespmem:$0x10200] =	vst v63  }
0x13: {  	_ =	swait.ge [sflag:s13], $0x4000  }
0x14: {  	[sflag:s13] =	ssyncset.done $0x0  }
0x15: {  	[sflag:s13] =	ssyncadd.s32 $0xFFFFC000  }
0x16: {  	_ =	swait.ge [sflag:s13], $0x4000  }
0x17: {  	[sflag:s13] =	ssyncset.done $0x0  }
0x18: {  	s14 =	ssub.s32 $0x2, s14;
	[sflag:s13] =	ssyncadd.s32 $0xFFFFC000  }
0x19: {  	s17 =	sshrl.u32 s14, $0x1;
	_ =	swait.ge [sflag:s13], $0x4000  }
0x1a: {  	s17 =	ssub.s32 s14, s17;
	[sflag:s13] =	ssyncset.done $0x0  }
0x1b: {  	s31 =	smax.u32 s17, $0x1;
	[sflag:s13] =	ssyncadd.s32 $0xFFFFC000  }
0x1c: {  	p0 =	sne.s32 s31, $0x1;
	_ =	swait.ge [sflag:s13], $0x4000  }
.Ltmp0:
0x1d: {  	s30 =	sshll.u32 s16, $0x4;
	[sflag:s13] =	ssyncset.done $0x0;
	(pc) =	sbr.rel @!p0 .LBB2_2-.Ltmp0, $4  }
0x1e: {  	s14 =	sadd.s32 s15, s30;
	[sflag:s13] =	ssyncadd.s32 $0xFFFFC000  }
0x1f: {  	[hbm4b:s14+s3] =	stream.linear.scatter [tilespmem:s7], [sflag:$0x2], $0x10000, $0x38;
	[tilespmem:$0x10200] =	vst v63  }
0x20: {  	_ =	swait.ge [sflag:s4], $0x10000  }
0x21: {  	s15 =	sadd.s32 $0xFFFFFFFF, s31;
	[sflag:s4] =	ssyncset.done $0x0  }
.LBB2_1:
0x22: {  	p0 =	sne.s32 s15, $0x1;
	s15 =	sadd.s32 $0xFFFFFFFF, s15;
	[sflag:s4] =	ssyncadd.s32 $0xFFFF0000  }
0x23: {  	[tilespmem:s3], [sflag:$0x2] =	stream.linear.gather [hbm4b:s5+s3], $0x200, $0x38;
	[tilespmem:$0x10200] =	vst v63  }
0x24: {  	_ =	swait.ge [sflag:s4], $0x200  }
0x25: {  	[sflag:s4] =	ssyncset.done $0x0  }
0x26: {  	[sflag:s4] =	ssyncadd.s32 $0xFFFFFE00  }
0x27: {  	[tilespmem:s7], [sflag:$0x1] =	stream.indirect.gather [hbm4b:s2+s6], $0x80, s3, s6, $0xb8;
	[tilespmem:$0x10200] =	vst v63  }
0x28: {  	_ = 	snop  }
0x29: {  	[tilespmem:s8], [sflag:$0x1] =	stream.indirect.gather [hbm4b:s2+s6], $0x80, s6, s6, $0xb8;
	[tilespmem:$0x10200] =	vst v63  }
0x2a: {  	_ = 	snop  }
0x2b: {  	[tilespmem:s10], [sflag:$0x1] =	stream.indirect.gather [hbm4b:s2+s6], $0x80, s9, s6, $0xb8;
	[tilespmem:$0x10200] =	vst v63  }
0x2c: {  	_ = 	snop  }
0x2d: {  	[tilespmem:s12], [sflag:$0x1] =	stream.indirect.gather [hbm4b:s2+s6], $0x80, s11, s6, $0xb8;
	[tilespmem:$0x10200] =	vst v63  }
0x2e: {  	_ =	swait.ge [sflag:s13], $0x4000  }
0x2f: {  	[sflag:s13] =	ssyncset.done $0x0  }
0x30: {  	[sflag:s13] =	ssyncadd.s32 $0xFFFFC000  }
0x31: {  	_ =	swait.ge [sflag:s13], $0x4000  }
0x32: {  	[sflag:s13] =	ssyncset.done $0x0  }
0x33: {  	[sflag:s13] =	ssyncadd.s32 $0xFFFFC000  }
0x34: {  	_ =	swait.ge [sflag:s13], $0x4000  }
0x35: {  	[sflag:s13] =	ssyncset.done $0x0  }
0x36: {  	[sflag:s13] =	ssyncadd.s32 $0xFFFFC000  }
0x37: {  	_ =	swait.ge [sflag:s13], $0x4000  }
.Ltmp1:
0x38: {  	[sflag:s13] =	ssyncset.done $0x0;
	(pc) =	sbr.rel @p0 .LBB2_1-.Ltmp1, $4  }
0x39: {  	[sflag:s13] =	ssyncadd.s32 $0xFFFFC000  }
0x3a: {  	[hbm4b:s14+s3] =	stream.linear.scatter [tilespmem:s7], [sflag:$0x2], $0x10000, $0x38;
	[tilespmem:$0x10200] =	vst v63  }
0x3b: {  	_ =	swait.ge [sflag:s4], $0x10000  }
0x3c: {  	[sflag:s4] =	ssyncset.done $0x0  }
.LBB2_2:
0x3d: {  	[sflag:s4] =	ssyncadd.s32 $0xFFFF0000  }
0x3e: {  	_ =	sfence.sel $0x180000  }
0x3f: {  	[bflag:$0x0] =	sbarrier.arrive $0xFFFF  }
0x40: {  	p0 =	sne.s32 s0, $0x0;
	_ =	strace $0x90000047  }
0x41: {  	s0 =	sadd.s32 @!p0 $0x100000, s1;
	[bflag:$0x2] =	sbarrier.arrive $0xFFFF  }
0x42: {  	[sflag:s0] =	ssyncadd.tile.s32 @!p0 $0x1;
	_ =	shalt  }
.Lfunc_end2:
_tile_overlayer_lowered:
.L_overlay_start_2:
0x43: {  	(tag) =	ssettag $0x2  }
0x44: {  	s0 =	rddreg [dreg:$0x0];
	s2 =	stileid.u32  }
0x45: {  	s1 =	rddreg [dreg:$0x1];
	p0 =	sne.s32 s2, $0x0  }
0x46: {  	s3 =	rddreg [dreg:$0x2];
	[bflag:$0x3] =	sbarrier.arrive $0xFFFF;
	s2 =	simm.s32 @!p0 $0x1C02  }
0x47: {  	[timem:s3], [sflag:s2] =	dma.local @!p0 [hbm:s0], s1  }
0x48: {  	s0 =	simm.s32 @!p0 $0x2  }
0x49: {  	_ =	swait.ge @!p0 [sflag:s0], s1  }
0x4a: {  	s1 =	ssub.s32 @!p0 $0x0, s1;
	[sflag:s0] =	ssyncset.done @!p0 $0x0  }
0x4b: {  	[sflag:s0] =	ssyncadd.s32 @!p0 s1  }
0x4c: {  	[bflag:$0x3] =	sbarrier.arrive $0xFFFF  }
0x4d: {  	_ =	shalt  }

</sc_bundles>
